<compile_context>
chip_gen: v7x
topology: tpu7x:2x2x1
jax: 0.10.2.dev20260603
libtpu: 0.0.44.dev20260713+nightly
codegen_flags: <defaults>
</compile_context>

<pallas_src>
import jax
import jax.numpy as jnp
from jax import lax
from jax.experimental import pallas as pl
from jax.experimental.pallas import tpu as pltpu
from jax.experimental.pallas import tpu_sc as plsc

N = 10000
NPAD = 10240
E = 320000
D = 128
DH = D // 2
NC, NS = 2, 16
NW = NC * NS
CHUNK = 128
G = 80
G2 = 160
EPAD = NW * G * CHUNK
RPT = NPAD // NS
DEG_W = 8

_MESH = plsc.VectorSubcoreMesh(core_axis_name="c", subcore_axis_name="s")


def _deg_body(dstb, ones_hbm, zeros_hbm, out, acc_sh, dst_v, ones_v, dsem):
    c = lax.axis_index("c")
    s = lax.axis_index("s")
    w = s * NC + c
    pltpu.sync_copy(zeros_hbm.at[pl.ds(s * RPT, RPT)],
                    acc_sh.at[pl.ds(s * RPT, RPT)])
    pltpu.sync_copy(dstb.at[w], dst_v)
    pltpu.sync_copy(ones_hbm, ones_v)
    plsc.subcore_barrier()

    def body(q, carry):
        g = 8 * q
        for k in range(8):
            pltpu.async_copy(ones_v, acc_sh.at[dst_v.at[g + k]], dsem,
                             add=True)
        for k in range(8):
            pltpu.make_async_copy(ones_v, acc_sh.at[dst_v.at[g + k]],
                                  dsem).wait()
        return carry

    lax.fori_loop(0, G // 8, body, 0)
    plsc.subcore_barrier()
    pltpu.sync_copy(acc_sh.at[pl.ds(s * RPT, RPT)],
                    out.at[c].at[pl.ds(s * RPT, RPT)])


_deg_call = pl.kernel(
    _deg_body,
    out_type=jax.ShapeDtypeStruct((NC, NPAD, DEG_W), jnp.float32),
    mesh=_MESH,
    compiler_params=pltpu.CompilerParams(use_tc_tiling_on_sc=False),
    scratch_types=[
        pltpu.VMEM_SHARED((NPAD, DEG_W), jnp.float32),
        pltpu.VMEM((G, CHUNK), jnp.int32),
        pltpu.VMEM((CHUNK, DEG_W), jnp.float32),
        pltpu.SemaphoreType.DMA,
    ],
)


_NBUF = 5
_K2 = 1
_GOPS = G2 // _K2


def _segsum_body(y_hbm, srcb, dstb, zeros_hbm, out,
                 acc_sh, src_v, dst_v, rows0, rows1, rows2, rows3, rows4,
                 gs0, gs1, gs2, gs3, gs4, ss0, ss1, ss2, ss3, ss4):
    rows = (rows0, rows1, rows2, rows3, rows4)
    gsem = (gs0, gs1, gs2, gs3, gs4)
    ssem = (ss0, ss1, ss2, ss3, ss4)
    c = lax.axis_index("c")
    s = lax.axis_index("s")
    w = c * NS + s
    pltpu.sync_copy(zeros_hbm.at[pl.ds(s * RPT, RPT)],
                    acc_sh.at[pl.ds(s * RPT, RPT)])
    pltpu.sync_copy(srcb.at[w], src_v)
    pltpu.sync_copy(dstb.at[s], dst_v)
    plsc.subcore_barrier()

    for b in range(_NBUF):
        pltpu.async_copy(y_hbm.at[src_v.at[b]], rows[b],
                         gsem[b])

    def body(p, carry):
        g = _NBUF * p
        for b in range(_NBUF):
            pltpu.make_async_copy(y_hbm.at[src_v.at[g + b]],
                                  rows[b], gsem[b]).wait()
            pltpu.async_copy(rows[b],
                             acc_sh.at[dst_v.at[g + b]],
                             ssem[b], add=True)
        for b in range(_NBUF):
            @pl.when(g + b + _NBUF < _GOPS)
            def _(b=b, g=g):
                pltpu.make_async_copy(
                    rows[b], acc_sh.at[dst_v.at[g + b]],
                    ssem[b]).wait()
                pltpu.async_copy(
                    y_hbm.at[src_v.at[g + b + _NBUF]],
                    rows[b], gsem[b])
        return carry

    lax.fori_loop(0, _GOPS // _NBUF, body, 0)
    for b in range(_NBUF):
        pltpu.make_async_copy(
            rows[b], acc_sh.at[dst_v.at[_GOPS - _NBUF + b]],
            ssem[b]).wait()
    plsc.subcore_barrier()
    pltpu.sync_copy(acc_sh.at[pl.ds(s * RPT, RPT)],
                    out.at[c].at[pl.ds(s * RPT, RPT)])


_segsum_call = pl.kernel(
    _segsum_body,
    out_type=jax.ShapeDtypeStruct((NC, NPAD, DH), jnp.int16),
    mesh=_MESH,
    compiler_params=pltpu.CompilerParams(use_tc_tiling_on_sc=False),
    scratch_types=[
        pltpu.VMEM_SHARED((NPAD, DH), jnp.int16),
        pltpu.VMEM((_GOPS, _K2 * CHUNK), jnp.int32),
        pltpu.VMEM((_GOPS, _K2 * CHUNK), jnp.int32),
    ] + [pltpu.VMEM((_K2 * CHUNK, DH), jnp.int16)] * _NBUF
      + [pltpu.SemaphoreType.DMA] * (2 * _NBUF),
)


def _tc1_body(degp, x_ref, w1_ref, y1_ref, dinv_ref, sc1_ref, md_ref):
    deg = degp[0] + degp[1]
    deg0 = deg[:, 0:1]
    rows = lax.broadcasted_iota(jnp.int32, (NPAD, 1), 0)
    mask = (rows < N).astype(jnp.float32)
    dinv = lax.rsqrt(jnp.maximum(deg0, 1.0))
    dinv_ref[...] = dinv
    maxdeg = jnp.maximum(jnp.max(deg0 * mask), 1.0)
    md_ref[...] = jnp.full((1, 1), 1.0) * maxdeg
    y = jnp.dot(x_ref[...] * dinv, w1_ref[...],
                preferred_element_type=jnp.float32)
    maxy = jnp.maximum(jnp.max(jnp.abs(y)), 1e-30)
    scale = 32767.0 / (maxy * maxdeg)
    sc1_ref[...] = jnp.full((1, 1), 1.0) * scale
    yq = jnp.clip(jnp.round(y * scale), -32767.0, 32767.0).astype(jnp.int16)
    y1_ref[0] = yq[:, :DH]
    y1_ref[1] = yq[:, DH:]


def _tc2_body(z1p, dinv_ref, sc1_ref, md_ref, b1_ref, gamma_ref, beta_ref,
              w2_ref, y2_ref, sc2_ref):
    z = jnp.concatenate([z1p[0], z1p[1]], axis=1).astype(jnp.float32)
    dinv = dinv_ref[...]
    h = z * (dinv / sc1_ref[...]) + b1_ref[...]
    rows = lax.broadcasted_iota(jnp.int32, (NPAD, 1), 0)
    mask = (rows < N).astype(jnp.float32)
    hm = h * mask
    mean = jnp.sum(hm, axis=0, keepdims=True) * (1.0 / N)
    var = jnp.sum(hm * hm, axis=0, keepdims=True) * (1.0 / N) - mean * mean
    hn = gamma_ref[...] * (h - mean) * lax.rsqrt(var + 1e-5) + beta_ref[...]
    hr = jnp.maximum(hn, 0.0)
    y = jnp.dot(hr * dinv * mask, w2_ref[...],
                preferred_element_type=jnp.float32)
    maxy = jnp.maximum(jnp.max(jnp.abs(y)), 1e-30)
    scale = 32767.0 / (maxy * md_ref[...])
    sc2_ref[...] = scale
    yq = jnp.clip(jnp.round(y * scale[0, 0]), -32767.0, 32767.0)
    yq = yq.astype(jnp.int16)
    y2_ref[0] = yq[:, :DH]
    y2_ref[1] = yq[:, DH:]


def _tc3_body(z2p, dinv_ref, sc2_ref, b2_ref, out_ref):
    z = jnp.concatenate([z2p[0], z2p[1]], axis=1).astype(jnp.float32)
    out_ref[...] = z * (dinv_ref[...] / sc2_ref[...]) + b2_ref[...]


_tc1_call = pl.pallas_call(
    _tc1_body,
    out_shape=(jax.ShapeDtypeStruct((NC, NPAD, DH), jnp.int16),
               jax.ShapeDtypeStruct((NPAD, 1), jnp.float32),
               jax.ShapeDtypeStruct((1, 1), jnp.float32),
               jax.ShapeDtypeStruct((1, 1), jnp.float32)),
)

_tc2_call = pl.pallas_call(
    _tc2_body,
    out_shape=(jax.ShapeDtypeStruct((NC, NPAD, DH), jnp.int16),
               jax.ShapeDtypeStruct((1, 1), jnp.float32)),
)

_tc3_call = pl.pallas_call(
    _tc3_body,
    out_shape=jax.ShapeDtypeStruct((NPAD, D), jnp.float32),
)


@jax.jit
def kernel(x, edge_index, W1, b1, gamma, beta, W2, b2):
    src = edge_index[0].astype(jnp.int32)
    dst = edge_index[1].astype(jnp.int32)
    pad = jnp.full((EPAD - E,), N, jnp.int32)
    src_p = jnp.concatenate([src, pad])
    dst_p = jnp.concatenate([dst, pad])
    dstb32 = dst_p.reshape(NW, G, CHUNK)
    srcb = jnp.stack([src_p, src_p + NPAD]).reshape(NC * NS, _GOPS, _K2 * CHUNK)
    dstb = dst_p.reshape(NS, _GOPS, _K2 * CHUNK)
    x_p = jnp.concatenate(
        [x, jnp.zeros((NPAD - N, D), jnp.float32)], axis=0)

    ones8 = jnp.ones((CHUNK, DEG_W), jnp.float32)
    zeros8 = jnp.zeros((NPAD, DEG_W), jnp.float32)
    zeros64 = jnp.zeros((NPAD, DH), jnp.int16)

    b1r = b1.reshape(1, D)
    b2r = b2.reshape(1, D)
    gammar = gamma.reshape(1, D)
    betar = beta.reshape(1, D)

    degp = _deg_call(dstb32, ones8, zeros8)
    y1, dinv, sc1, md = _tc1_call(degp, x_p, W1)
    z1p = _segsum_call(y1.reshape(NC * NPAD, DH), srcb, dstb, zeros64)
    y2, sc2 = _tc2_call(z1p, dinv, sc1, md, b1r, gammar, betar, W2)
    z2p = _segsum_call(y2.reshape(NC * NPAD, DH), srcb, dstb, zeros64)
    out_p = _tc3_call(z2p, dinv, sc2, b2r)
    return out_p[:N]

# --- scband reference (transcript-rebuilt; emitter-appended) ---
"""Pipeline reference for scband-gcnencoder-70970039599400 (READ-ONLY COPY).

The authoritative reference and input builder live on the scoring server;
editing this copy changes nothing except your own understanding.
"""

import jax, jax.numpy as jnp
import numpy as np

N_NODES = 10000
N_EDGES = 320000
D_FEAT = 128
D_HID = 128


def setup_inputs(seed: int = 0) -> dict:
    key = jax.random.key(seed)
    ks = jax.random.split(key, 8)
    x = jax.random.normal(ks[0], (N_NODES, D_FEAT), dtype=jnp.float32)
    edge_index = jax.random.randint(ks[1], (2, N_EDGES), 0, N_NODES)
    W1 = jax.random.normal(ks[2], (D_FEAT, D_HID), dtype=jnp.float32) * (1.0 / np.sqrt(D_FEAT))
    b1 = jnp.zeros((D_HID,), dtype=jnp.float32)
    gamma = jnp.ones((D_HID,), dtype=jnp.float32)
    beta = jnp.zeros((D_HID,), dtype=jnp.float32)
    W2 = jax.random.normal(ks[3], (D_HID, D_HID), dtype=jnp.float32) * (1.0 / np.sqrt(D_HID))
    b2 = jnp.zeros((D_HID,), dtype=jnp.float32)
    return {"x": x, "edge_index": edge_index, "W1": W1, "b1": b1,
            "gamma": gamma, "beta": beta, "W2": W2, "b2": b2}


def reference(x, edge_index, W1, b1, gamma, beta, W2, b2):
    # Two-layer GCN encoder: symmetric-normalized neighborhood aggregation
    # (gather -> scale -> scatter-add) + Linear, BatchNorm1d (train-mode stats),
    # ReLU between layers. Dropout is identity at inference.
    src = edge_index[0]
    dst = edge_index[1]
    n = x.shape[0]
    ones = jnp.ones((src.shape[0],), dtype=x.dtype)
    deg = jax.ops.segment_sum(ones, dst, num_segments=n)
    deg = jnp.maximum(deg, 1.0)
    dinv = jax.lax.rsqrt(deg)
    norm = dinv[src] * dinv[dst]

    # layer 1: aggregate then transform
    msg = x[src] * norm[:, None]
    agg = jax.ops.segment_sum(msg, dst, num_segments=n)
    h = agg @ W1 + b1
    mean = jnp.mean(h, axis=0)
    var = jnp.var(h, axis=0)
    h = gamma * (h - mean) * jax.lax.rsqrt(var + 1e-5) + beta
    h = jax.nn.relu(h)

    # layer 2
    msg2 = h[src] * norm[:, None]
    agg2 = jax.ops.segment_sum(msg2, dst, num_segments=n)
    out = agg2 @ W2 + b2
    return out

if __name__ == "__main__":
    import jax
    _d = setup_inputs()
    print(jax.jit(kernel)(*tuple(_d.values())))

</pallas_src>

<mosaic_0001>
#map = affine_map<(d0, d1) -> (0, 0)>
#map1 = affine_map<(d0, d1) -> (0, 0, 0)>
module attributes {stable_mosaic.version = 14 : i64} {
  func.func @_segsum_body(%arg0: i32, %arg1: i32, %arg2: memref<20480x64xi16, #tpu.memory_space<hbm>>, %arg3: memref<32x160x128xi32, #tpu.memory_space<hbm>>, %arg4: memref<16x160x128xi32, #tpu.memory_space<hbm>>, %arg5: memref<10240x64xi16, #tpu.memory_space<hbm>>, %arg6: memref<2x10240x64xi16, #tpu.memory_space<hbm>>, %arg7: memref<10240x64xi16, #tpu.memory_space<vmem_shared>>, %arg8: memref<160x128xi32, #tpu.memory_space<vmem>>, %arg9: memref<160x128xi32, #tpu.memory_space<vmem>>, %arg10: memref<128x64xi16, #tpu.memory_space<vmem>>, %arg11: memref<128x64xi16, #tpu.memory_space<vmem>>, %arg12: memref<128x64xi16, #tpu.memory_space<vmem>>, %arg13: memref<128x64xi16, #tpu.memory_space<vmem>>, %arg14: memref<128x64xi16, #tpu.memory_space<vmem>>, %arg15: memref<!tpu.dma_semaphore, #tpu.memory_space<semaphore_mem>>, %arg16: memref<!tpu.dma_semaphore, #tpu.memory_space<semaphore_mem>>, %arg17: memref<!tpu.dma_semaphore, #tpu.memory_space<semaphore_mem>>, %arg18: memref<!tpu.dma_semaphore, #tpu.memory_space<semaphore_mem>>, %arg19: memref<!tpu.dma_semaphore, #tpu.memory_space<semaphore_mem>>, %arg20: memref<!tpu.dma_semaphore, #tpu.memory_space<semaphore_mem>>, %arg21: memref<!tpu.dma_semaphore, #tpu.memory_space<semaphore_mem>>, %arg22: memref<!tpu.dma_semaphore, #tpu.memory_space<semaphore_mem>>, %arg23: memref<!tpu.dma_semaphore, #tpu.memory_space<semaphore_mem>>, %arg24: memref<!tpu.dma_semaphore, #tpu.memory_space<semaphore_mem>>) attributes {dimension_semantics = [#tpu.dimension_semantics<core_parallel>, #tpu.dimension_semantics<subcore_parallel>], iteration_bounds = array<i64: 2, 16>, scalar_prefetch = 0 : i64, scratch_operands = 18 : i64, tpu.core_type = #tpu.core_type<sc_vector_subcore>, window_params = [{transform_indices = #map}, {transform_indices = #map1}, {transform_indices = #map1}, {transform_indices = #map}, {transform_indices = #map1}]} {
    %mul3A = arith.constant 16 : i32
    %mul3A_0 = arith.muli %arg0, %mul3A : i32
    %add3A = arith.addi %mul3A_0, %arg1 : i32
    %mul3A_1 = arith.constant 640 : i32
    %mul3A_2 = arith.muli %arg1, %mul3A_1 : i32
    %mul3A_3 = arith.constant 640 : i32
    %mul3A_4 = arith.muli %arg1, %mul3A_3 : i32
    "tpu.region"() ({
      %run_scoped3A = tpu.sem_alloc : memref<!tpu.dma_semaphore, #tpu.memory_space<semaphore_mem>>
      %dma_start3A_83 = arith.constant 0 : i32
      %dma_start3A_84 = tpu.memref_slice %arg7[%mul3A_4, %dma_start3A_83] : memref<10240x64xi16, #tpu.memory_space<vmem_shared>> -> memref<640x64xi16, #tpu.memory_space<vmem_shared>>
      %dma_start3A_85 = arith.constant 0 : i32
      %dma_start3A_86 = tpu.memref_slice %arg5[%mul3A_2, %dma_start3A_85] : memref<10240x64xi16, #tpu.memory_space<hbm>> -> memref<640x64xi16, #tpu.memory_space<hbm>>
      tpu.enqueue_dma source(%dma_start3A_86 : memref<640x64xi16, #tpu.memory_space<hbm>>) target(%dma_start3A_84 : memref<640x64xi16, #tpu.memory_space<vmem_shared>>) target_semaphore(%run_scoped3A : memref<!tpu.dma_semaphore, #tpu.memory_space<semaphore_mem>>)
      %dma_wait3A_87 = arith.constant 0 : i32
      %dma_wait3A_88 = tpu.memref_slice %arg7[%mul3A_4, %dma_wait3A_87] : memref<10240x64xi16, #tpu.memory_space<vmem_shared>> -> memref<640x64xi16, #tpu.memory_space<vmem_shared>>
      %dma_wait3A_89 = arith.constant 0 : i32
      %dma_wait3A_90 = tpu.memref_slice %arg5[%mul3A_2, %dma_wait3A_89] : memref<10240x64xi16, #tpu.memory_space<hbm>> -> memref<640x64xi16, #tpu.memory_space<hbm>>
      tpu.wait_dma2 semaphore(%run_scoped3A : memref<!tpu.dma_semaphore, #tpu.memory_space<semaphore_mem>>) src(%dma_wait3A_90 : memref<640x64xi16, #tpu.memory_space<hbm>>) dst(%dma_wait3A_88 : memref<640x64xi16, #tpu.memory_space<vmem_shared>>)
      tpu.yield
    }) : () -> ()
    "tpu.region"() ({
      %run_scoped3A = tpu.sem_alloc : memref<!tpu.dma_semaphore, #tpu.memory_space<semaphore_mem>>
      %dma_start3A_83 = arith.constant 0 : i32
      %dma_start3A_84 = arith.constant 0 : i32
      %dma_start3A_85 = tpu.memref_slice %arg3[%add3A, %dma_start3A_83, %dma_start3A_84] : memref<32x160x128xi32, #tpu.memory_space<hbm>> -> memref<1x160x128xi32, #tpu.memory_space<hbm>>
      %dma_start3A_86 = tpu.memref_squeeze %dma_start3A_85 : memref<1x160x128xi32, #tpu.memory_space<hbm>> -> memref<160x128xi32, #tpu.memory_space<hbm>>
      %dma_start3A_87 = arith.constant 0 : i32
      %dma_start3A_88 = arith.constant 0 : i32
      %dma_start3A_89 = tpu.memref_slice %arg3[%add3A, %dma_start3A_87, %dma_start3A_88] : memref<32x160x128xi32, #tpu.memory_space<hbm>> -> memref<1x160x128xi32, #tpu.memory_space<hbm>>
      %dma_start3A_90 = tpu.memref_squeeze %dma_start3A_89 : memref<1x160x128xi32, #tpu.memory_space<hbm>> -> memref<160x128xi32, #tpu.memory_space<hbm>>
      tpu.enqueue_dma source(%dma_start3A_90 : memref<160x128xi32, #tpu.memory_space<hbm>>) target(%arg8 : memref<160x128xi32, #tpu.memory_space<vmem>>) target_semaphore(%run_scoped3A : memref<!tpu.dma_semaphore, #tpu.memory_space<semaphore_mem>>)
      %dma_wait3A_91 = arith.constant 0 : i32
      %dma_wait3A_92 = arith.constant 0 : i32
      %dma_wait3A_93 = tpu.memref_slice %arg3[%add3A, %dma_wait3A_91, %dma_wait3A_92] : memref<32x160x128xi32, #tpu.memory_space<hbm>> -> memref<1x160x128xi32, #tpu.memory_space<hbm>>
      %dma_wait3A_94 = tpu.memref_squeeze %dma_wait3A_93 : memref<1x160x128xi32, #tpu.memory_space<hbm>> -> memref<160x128xi32, #tpu.memory_space<hbm>>
      %dma_wait3A_95 = arith.constant 0 : i32
      %dma_wait3A_96 = arith.constant 0 : i32
      %dma_wait3A_97 = tpu.memref_slice %arg3[%add3A, %dma_wait3A_95, %dma_wait3A_96] : memref<32x160x128xi32, #tpu.memory_space<hbm>> -> memref<1x160x128xi32, #tpu.memory_space<hbm>>
      %dma_wait3A_98 = tpu.memref_squeeze %dma_wait3A_97 : memref<1x160x128xi32, #tpu.memory_space<hbm>> -> memref<160x128xi32, #tpu.memory_space<hbm>>
      tpu.wait_dma2 semaphore(%run_scoped3A : memref<!tpu.dma_semaphore, #tpu.memory_space<semaphore_mem>>) src(%dma_wait3A_98 : memref<160x128xi32, #tpu.memory_space<hbm>>) dst(%arg8 : memref<160x128xi32, #tpu.memory_space<vmem>>)
      tpu.yield
    }) : () -> ()
    "tpu.region"() ({
      %run_scoped3A = tpu.sem_alloc : memref<!tpu.dma_semaphore, #tpu.memory_space<semaphore_mem>>
      %dma_start3A_83 = arith.constant 0 : i32
      %dma_start3A_84 = arith.constant 0 : i32
      %dma_start3A_85 = tpu.memref_slice %arg4[%arg1, %dma_start3A_83, %dma_start3A_84] : memref<16x160x128xi32, #tpu.memory_space<hbm>> -> memref<1x160x128xi32, #tpu.memory_space<hbm>>
      %dma_start3A_86 = tpu.memref_squeeze %dma_start3A_85 : memref<1x160x128xi32, #tpu.memory_space<hbm>> -> memref<160x128xi32, #tpu.memory_space<hbm>>
      %dma_start3A_87 = arith.constant 0 : i32
      %dma_start3A_88 = arith.constant 0 : i32
      %dma_start3A_89 = tpu.memref_slice %arg4[%arg1, %dma_start3A_87, %dma_start3A_88] : memref<16x160x128xi32, #tpu.memory_space<hbm>> -> memref<1x160x128xi32, #tpu.memory_space<hbm>>
      %dma_start3A_90 = tpu.memref_squeeze %dma_start3A_89 : memref<1x160x128xi32, #tpu.memory_space<hbm>> -> memref<160x128xi32, #tpu.memory_space<hbm>>
      tpu.enqueue_dma source(%dma_start3A_90 : memref<160x128xi32, #tpu.memory_space<hbm>>) target(%arg9 : memref<160x128xi32, #tpu.memory_space<vmem>>) target_semaphore(%run_scoped3A : memref<!tpu.dma_semaphore, #tpu.memory_space<semaphore_mem>>)
      %dma_wait3A_91 = arith.constant 0 : i32
      %dma_wait3A_92 = arith.constant 0 : i32
      %dma_wait3A_93 = tpu.memref_slice %arg4[%arg1, %dma_wait3A_91, %dma_wait3A_92] : memref<16x160x128xi32, #tpu.memory_space<hbm>> -> memref<1x160x128xi32, #tpu.memory_space<hbm>>
      %dma_wait3A_94 = tpu.memref_squeeze %dma_wait3A_93 : memref<1x160x128xi32, #tpu.memory_space<hbm>> -> memref<160x128xi32, #tpu.memory_space<hbm>>
      %dma_wait3A_95 = arith.constant 0 : i32
      %dma_wait3A_96 = arith.constant 0 : i32
      %dma_wait3A_97 = tpu.memref_slice %arg4[%arg1, %dma_wait3A_95, %dma_wait3A_96] : memref<16x160x128xi32, #tpu.memory_space<hbm>> -> memref<1x160x128xi32, #tpu.memory_space<hbm>>
      %dma_wait3A_98 = tpu.memref_squeeze %dma_wait3A_97 : memref<1x160x128xi32, #tpu.memory_space<hbm>> -> memref<160x128xi32, #tpu.memory_space<hbm>>
      tpu.wait_dma2 semaphore(%run_scoped3A : memref<!tpu.dma_semaphore, #tpu.memory_space<semaphore_mem>>) src(%dma_wait3A_98 : memref<160x128xi32, #tpu.memory_space<hbm>>) dst(%arg9 : memref<160x128xi32, #tpu.memory_space<vmem>>)
      tpu.yield
    }) : () -> ()
    %barrier3A = arith.constant 0 : index
    tpu.barrier barrier_id(%barrier3A)
    %dma_start3A = arith.constant 0 : i32
    %dma_start3A_5 = arith.constant 0 : i32
    %dma_start3A_6 = tpu.memref_slice %arg8[%dma_start3A, %dma_start3A_5] : memref<160x128xi32, #tpu.memory_space<vmem>> -> memref<1x128xi32, #tpu.memory_space<vmem>>
    %dma_start3A_7 = tpu.memref_squeeze %dma_start3A_6 : memref<1x128xi32, #tpu.memory_space<vmem>> -> memref<128xi32, #tpu.memory_space<vmem>>
    %dma_start3A_8 = arith.constant 0 : i32
    %dma_start3A_9 = arith.constant 0 : i32
    %dma_start3A_10 = tpu.memref_slice %arg2[%dma_start3A_8, %dma_start3A_9] : memref<20480x64xi16, #tpu.memory_space<hbm>> -> memref<20480x64xi16, #tpu.memory_space<hbm>>
    tpu.enqueue_indirect_dma source(%dma_start3A_10 : memref<20480x64xi16, #tpu.memory_space<hbm>>) target(%arg10 : memref<128x64xi16, #tpu.memory_space<vmem>>) offsets(%dma_start3A_7 : memref<128xi32, #tpu.memory_space<vmem>>) semaphore(%arg15 : memref<!tpu.dma_semaphore, #tpu.memory_space<semaphore_mem>>)
    %dma_start3A_11 = arith.constant 1 : i32
    %dma_start3A_12 = arith.constant 0 : i32
    %dma_start3A_13 = tpu.memref_slice %arg8[%dma_start3A_11, %dma_start3A_12] : memref<160x128xi32, #tpu.memory_space<vmem>> -> memref<1x128xi32, #tpu.memory_space<vmem>>
    %dma_start3A_14 = tpu.memref_squeeze %dma_start3A_13 : memref<1x128xi32, #tpu.memory_space<vmem>> -> memref<128xi32, #tpu.memory_space<vmem>>
    %dma_start3A_15 = arith.constant 0 : i32
    %dma_start3A_16 = arith.constant 0 : i32
    %dma_start3A_17 = tpu.memref_slice %arg2[%dma_start3A_15, %dma_start3A_16] : memref<20480x64xi16, #tpu.memory_space<hbm>> -> memref<20480x64xi16, #tpu.memory_space<hbm>>
    tpu.enqueue_indirect_dma source(%dma_start3A_17 : memref<20480x64xi16, #tpu.memory_space<hbm>>) target(%arg11 : memref<128x64xi16, #tpu.memory_space<vmem>>) offsets(%dma_start3A_14 : memref<128xi32, #tpu.memory_space<vmem>>) semaphore(%arg16 : memref<!tpu.dma_semaphore, #tpu.memory_space<semaphore_mem>>)
    %dma_start3A_18 = arith.constant 2 : i32
    %dma_start3A_19 = arith.constant 0 : i32
    %dma_start3A_20 = tpu.memref_slice %arg8[%dma_start3A_18, %dma_start3A_19] : memref<160x128xi32, #tpu.memory_space<vmem>> -> memref<1x128xi32, #tpu.memory_space<vmem>>
    %dma_start3A_21 = tpu.memref_squeeze %dma_start3A_20 : memref<1x128xi32, #tpu.memory_space<vmem>> -> memref<128xi32, #tpu.memory_space<vmem>>
    %dma_start3A_22 = arith.constant 0 : i32
    %dma_start3A_23 = arith.constant 0 : i32
    %dma_start3A_24 = tpu.memref_slice %arg2[%dma_start3A_22, %dma_start3A_23] : memref<20480x64xi16, #tpu.memory_space<hbm>> -> memref<20480x64xi16, #tpu.memory_space<hbm>>
    tpu.enqueue_indirect_dma source(%dma_start3A_24 : memref<20480x64xi16, #tpu.memory_space<hbm>>) target(%arg12 : memref<128x64xi16, #tpu.memory_space<vmem>>) offsets(%dma_start3A_21 : memref<128xi32, #tpu.memory_space<vmem>>) semaphore(%arg17 : memref<!tpu.dma_semaphore, #tpu.memory_space<semaphore_mem>>)
    %dma_start3A_25 = arith.constant 3 : i32
    %dma_start3A_26 = arith.constant 0 : i32
    %dma_start3A_27 = tpu.memref_slice %arg8[%dma_start3A_25, %dma_start3A_26] : memref<160x128xi32, #tpu.memory_space<vmem>> -> memref<1x128xi32, #tpu.memory_space<vmem>>
    %dma_start3A_28 = tpu.memref_squeeze %dma_start3A_27 : memref<1x128xi32, #tpu.memory_space<vmem>> -> memref<128xi32, #tpu.memory_space<vmem>>
    %dma_start3A_29 = arith.constant 0 : i32
    %dma_start3A_30 = arith.constant 0 : i32
    %dma_start3A_31 = tpu.memref_slice %arg2[%dma_start3A_29, %dma_start3A_30] : memref<20480x64xi16, #tpu.memory_space<hbm>> -> memref<20480x64xi16, #tpu.memory_space<hbm>>
    tpu.enqueue_indirect_dma source(%dma_start3A_31 : memref<20480x64xi16, #tpu.memory_space<hbm>>) target(%arg13 : memref<128x64xi16, #tpu.memory_space<vmem>>) offsets(%dma_start3A_28 : memref<128xi32, #tpu.memory_space<vmem>>) semaphore(%arg18 : memref<!tpu.dma_semaphore, #tpu.memory_space<semaphore_mem>>)
    %dma_start3A_32 = arith.constant 4 : i32
    %dma_start3A_33 = arith.constant 0 : i32
    %dma_start3A_34 = tpu.memref_slice %arg8[%dma_start3A_32, %dma_start3A_33] : memref<160x128xi32, #tpu.memory_space<vmem>> -> memref<1x128xi32, #tpu.memory_space<vmem>>
    %dma_start3A_35 = tpu.memref_squeeze %dma_start3A_34 : memref<1x128xi32, #tpu.memory_space<vmem>> -> memref<128xi32, #tpu.memory_space<vmem>>
    %dma_start3A_36 = arith.constant 0 : i32
    %dma_start3A_37 = arith.constant 0 : i32
    %dma_start3A_38 = tpu.memref_slice %arg2[%dma_start3A_36, %dma_start3A_37] : memref<20480x64xi16, #tpu.memory_space<hbm>> -> memref<20480x64xi16, #tpu.memory_space<hbm>>
    tpu.enqueue_indirect_dma source(%dma_start3A_38 : memref<20480x64xi16, #tpu.memory_space<hbm>>) target(%arg14 : memref<128x64xi16, #tpu.memory_space<vmem>>) offsets(%dma_start3A_35 : memref<128xi32, #tpu.memory_space<vmem>>) semaphore(%arg19 : memref<!tpu.dma_semaphore, #tpu.memory_space<semaphore_mem>>)
    %scan3A = arith.constant 0 : i32
    %scan3A_39 = arith.constant 0 : i32
    %scan3A_40 = arith.constant 32 : i32
    %scan3A_41 = arith.addi %scan3A_39, %scan3A_40 : i32
    %scan3A_42 = arith.constant 1 : i32
    scf.for %scan3A_83 = %scan3A_39 to %scan3A_41 step %scan3A_42  : i32 {
      %mul3A_84 = arith.constant 5 : i32
      %mul3A_85 = arith.muli %mul3A_84, %scan3A_83 : i32
      %add3A_86 = arith.constant 0 : i32
      %add3A_87 = arith.addi %mul3A_85, %add3A_86 : i32
      %dma_wait3A_88 = arith.constant 0 : i32
      %dma_wait3A_89 = tpu.memref_slice %arg8[%add3A_87, %dma_wait3A_88] : memref<160x128xi32, #tpu.memory_space<vmem>> -> memref<1x128xi32, #tpu.memory_space<vmem>>
      %dma_wait3A_90 = tpu.memref_squeeze %dma_wait3A_89 : memref<1x128xi32, #tpu.memory_space<vmem>> -> memref<128xi32, #tpu.memory_space<vmem>>
      %dma_wait3A_91 = arith.constant 0 : i32
      %dma_wait3A_92 = arith.constant 0 : i32
      %dma_wait3A_93 = tpu.memref_slice %arg2[%dma_wait3A_91, %dma_wait3A_92] : memref<20480x64xi16, #tpu.memory_space<hbm>> -> memref<20480x64xi16, #tpu.memory_space<hbm>>
      tpu.wait_indirect_dma semaphore(%arg15 : memref<!tpu.dma_semaphore, #tpu.memory_space<semaphore_mem>>) src(%dma_wait3A_93 : memref<20480x64xi16, #tpu.memory_space<hbm>>) dst(%arg10 : memref<128x64xi16, #tpu.memory_space<vmem>>)
      %add3A_94 = arith.constant 0 : i32
      %add3A_95 = arith.addi %mul3A_85, %add3A_94 : i32
      %dma_start3A_96 = arith.constant 0 : i32
      %dma_start3A_97 = tpu.memref_slice %arg9[%add3A_95, %dma_start3A_96] : memref<160x128xi32, #tpu.memory_space<vmem>> -> memref<1x128xi32, #tpu.memory_space<vmem>>
      %dma_start3A_98 = tpu.memref_squeeze %dma_start3A_97 : memref<1x128xi32, #tpu.memory_space<vmem>> -> memref<128xi32, #tpu.memory_space<vmem>>
      %dma_start3A_99 = arith.constant 0 : i32
      %dma_start3A_100 = arith.constant 0 : i32
      %dma_start3A_101 = tpu.memref_slice %arg7[%dma_start3A_99, %dma_start3A_100] : memref<10240x64xi16, #tpu.memory_space<vmem_shared>> -> memref<10240x64xi16, #tpu.memory_space<vmem_shared>>
      tpu.enqueue_indirect_dma source(%arg10 : memref<128x64xi16, #tpu.memory_space<vmem>>) target(%dma_start3A_101 : memref<10240x64xi16, #tpu.memory_space<vmem_shared>>) offsets(%dma_start3A_98 : memref<128xi32, #tpu.memory_space<vmem>>) semaphore(%arg20 : memref<!tpu.dma_semaphore, #tpu.memory_space<semaphore_mem>>) {add = true}
      %add3A_102 = arith.constant 1 : i32
      %add3A_103 = arith.addi %mul3A_85, %add3A_102 : i32
      %dma_wait3A_104 = arith.constant 0 : i32
      %dma_wait3A_105 = tpu.memref_slice %arg8[%add3A_103, %dma_wait3A_104] : memref<160x128xi32, #tpu.memory_space<vmem>> -> memref<1x128xi32, #tpu.memory_space<vmem>>
      %dma_wait3A_106 = tpu.memref_squeeze %dma_wait3A_105 : memref<1x128xi32, #tpu.memory_space<vmem>> -> memref<128xi32, #tpu.memory_space<vmem>>
      %dma_wait3A_107 = arith.constant 0 : i32
      %dma_wait3A_108 = arith.constant 0 : i32
      %dma_wait3A_109 = tpu.memref_slice %arg2[%dma_wait3A_107, %dma_wait3A_108] : memref<20480x64xi16, #tpu.memory_space<hbm>> -> memref<20480x64xi16, #tpu.memory_space<hbm>>
      tpu.wait_indirect_dma semaphore(%arg16 : memref<!tpu.dma_semaphore, #tpu.memory_space<semaphore_mem>>) src(%dma_wait3A_109 : memref<20480x64xi16, #tpu.memory_space<hbm>>) dst(%arg11 : memref<128x64xi16, #tpu.memory_space<vmem>>)
      %add3A_110 = arith.constant 1 : i32
      %add3A_111 = arith.addi %mul3A_85, %add3A_110 : i32
      %dma_start3A_112 = arith.constant 0 : i32
      %dma_start3A_113 = tpu.memref_slice %arg9[%add3A_111, %dma_start3A_112] : memref<160x128xi32, #tpu.memory_space<vmem>> -> memref<1x128xi32, #tpu.memory_space<vmem>>
      %dma_start3A_114 = tpu.memref_squeeze %dma_start3A_113 : memref<1x128xi32, #tpu.memory_space<vmem>> -> memref<128xi32, #tpu.memory_space<vmem>>
      %dma_start3A_115 = arith.constant 0 : i32
      %dma_start3A_116 = arith.constant 0 : i32
      %dma_start3A_117 = tpu.memref_slice %arg7[%dma_start3A_115, %dma_start3A_116] : memref<10240x64xi16, #tpu.memory_space<vmem_shared>> -> memref<10240x64xi16, #tpu.memory_space<vmem_shared>>
      tpu.enqueue_indirect_dma source(%arg11 : memref<128x64xi16, #tpu.memory_space<vmem>>) target(%dma_start3A_117 : memref<10240x64xi16, #tpu.memory_space<vmem_shared>>) offsets(%dma_start3A_114 : memref<128xi32, #tpu.memory_space<vmem>>) semaphore(%arg21 : memref<!tpu.dma_semaphore, #tpu.memory_space<semaphore_mem>>) {add = true}
      %add3A_118 = arith.constant 2 : i32
      %add3A_119 = arith.addi %mul3A_85, %add3A_118 : i32
      %dma_wait3A_120 = arith.constant 0 : i32
      %dma_wait3A_121 = tpu.memref_slice %arg8[%add3A_119, %dma_wait3A_120] : memref<160x128xi32, #tpu.memory_space<vmem>> -> memref<1x128xi32, #tpu.memory_space<vmem>>
      %dma_wait3A_122 = tpu.memref_squeeze %dma_wait3A_121 : memref<1x128xi32, #tpu.memory_space<vmem>> -> memref<128xi32, #tpu.memory_space<vmem>>
      %dma_wait3A_123 = arith.constant 0 : i32
      %dma_wait3A_124 = arith.constant 0 : i32
      %dma_wait3A_125 = tpu.memref_slice %arg2[%dma_wait3A_123, %dma_wait3A_124] : memref<20480x64xi16, #tpu.memory_space<hbm>> -> memref<20480x64xi16, #tpu.memory_space<hbm>>
      tpu.wait_indirect_dma semaphore(%arg17 : memref<!tpu.dma_semaphore, #tpu.memory_space<semaphore_mem>>) src(%dma_wait3A_125 : memref<20480x64xi16, #tpu.memory_space<hbm>>) dst(%arg12 : memref<128x64xi16, #tpu.memory_space<vmem>>)
      %add3A_126 = arith.constant 2 : i32
      %add3A_127 = arith.addi %mul3A_85, %add3A_126 : i32
      %dma_start3A_128 = arith.constant 0 : i32
      %dma_start3A_129 = tpu.memref_slice %arg9[%add3A_127, %dma_start3A_128] : memref<160x128xi32, #tpu.memory_space<vmem>> -> memref<1x128xi32, #tpu.memory_space<vmem>>
      %dma_start3A_130 = tpu.memref_squeeze %dma_start3A_129 : memref<1x128xi32, #tpu.memory_space<vmem>> -> memref<128xi32, #tpu.memory_space<vmem>>
      %dma_start3A_131 = arith.constant 0 : i32
      %dma_start3A_132 = arith.constant 0 : i32
      %dma_start3A_133 = tpu.memref_slice %arg7[%dma_start3A_131, %dma_start3A_132] : memref<10240x64xi16, #tpu.memory_space<vmem_shared>> -> memref<10240x64xi16, #tpu.memory_space<vmem_shared>>
      tpu.enqueue_indirect_dma source(%arg12 : memref<128x64xi16, #tpu.memory_space<vmem>>) target(%dma_start3A_133 : memref<10240x64xi16, #tpu.memory_space<vmem_shared>>) offsets(%dma_start3A_130 : memref<128xi32, #tpu.memory_space<vmem>>) semaphore(%arg22 : memref<!tpu.dma_semaphore, #tpu.memory_space<semaphore_mem>>) {add = true}
      %add3A_134 = arith.constant 3 : i32
      %add3A_135 = arith.addi %mul3A_85, %add3A_134 : i32
      %dma_wait3A_136 = arith.constant 0 : i32
      %dma_wait3A_137 = tpu.memref_slice %arg8[%add3A_135, %dma_wait3A_136] : memref<160x128xi32, #tpu.memory_space<vmem>> -> memref<1x128xi32, #tpu.memory_space<vmem>>
      %dma_wait3A_138 = tpu.memref_squeeze %dma_wait3A_137 : memref<1x128xi32, #tpu.memory_space<vmem>> -> memref<128xi32, #tpu.memory_space<vmem>>
      %dma_wait3A_139 = arith.constant 0 : i32
      %dma_wait3A_140 = arith.constant 0 : i32
      %dma_wait3A_141 = tpu.memref_slice %arg2[%dma_wait3A_139, %dma_wait3A_140] : memref<20480x64xi16, #tpu.memory_space<hbm>> -> memref<20480x64xi16, #tpu.memory_space<hbm>>
      tpu.wait_indirect_dma semaphore(%arg18 : memref<!tpu.dma_semaphore, #tpu.memory_space<semaphore_mem>>) src(%dma_wait3A_141 : memref<20480x64xi16, #tpu.memory_space<hbm>>) dst(%arg13 : memref<128x64xi16, #tpu.memory_space<vmem>>)
      %add3A_142 = arith.constant 3 : i32
      %add3A_143 = arith.addi %mul3A_85, %add3A_142 : i32
      %dma_start3A_144 = arith.constant 0 : i32
      %dma_start3A_145 = tpu.memref_slice %arg9[%add3A_143, %dma_start3A_144] : memref<160x128xi32, #tpu.memory_space<vmem>> -> memref<1x128xi32, #tpu.memory_space<vmem>>
      %dma_start3A_146 = tpu.memref_squeeze %dma_start3A_145 : memref<1x128xi32, #tpu.memory_space<vmem>> -> memref<128xi32, #tpu.memory_space<vmem>>
      %dma_start3A_147 = arith.constant 0 : i32
      %dma_start3A_148 = arith.constant 0 : i32
      %dma_start3A_149 = tpu.memref_slice %arg7[%dma_start3A_147, %dma_start3A_148] : memref<10240x64xi16, #tpu.memory_space<vmem_shared>> -> memref<10240x64xi16, #tpu.memory_space<vmem_shared>>
      tpu.enqueue_indirect_dma source(%arg13 : memref<128x64xi16, #tpu.memory_space<vmem>>) target(%dma_start3A_149 : memref<10240x64xi16, #tpu.memory_space<vmem_shared>>) offsets(%dma_start3A_146 : memref<128xi32, #tpu.memory_space<vmem>>) semaphore(%arg23 : memref<!tpu.dma_semaphore, #tpu.memory_space<semaphore_mem>>) {add = true}
      %add3A_150 = arith.constant 4 : i32
      %add3A_151 = arith.addi %mul3A_85, %add3A_150 : i32
      %dma_wait3A_152 = arith.constant 0 : i32
      %dma_wait3A_153 = tpu.memref_slice %arg8[%add3A_151, %dma_wait3A_152] : memref<160x128xi32, #tpu.memory_space<vmem>> -> memref<1x128xi32, #tpu.memory_space<vmem>>
      %dma_wait3A_154 = tpu.memref_squeeze %dma_wait3A_153 : memref<1x128xi32, #tpu.memory_space<vmem>> -> memref<128xi32, #tpu.memory_space<vmem>>
      %dma_wait3A_155 = arith.constant 0 : i32
      %dma_wait3A_156 = arith.constant 0 : i32
      %dma_wait3A_157 = tpu.memref_slice %arg2[%dma_wait3A_155, %dma_wait3A_156] : memref<20480x64xi16, #tpu.memory_space<hbm>> -> memref<20480x64xi16, #tpu.memory_space<hbm>>
      tpu.wait_indirect_dma semaphore(%arg19 : memref<!tpu.dma_semaphore, #tpu.memory_space<semaphore_mem>>) src(%dma_wait3A_157 : memref<20480x64xi16, #tpu.memory_space<hbm>>) dst(%arg14 : memref<128x64xi16, #tpu.memory_space<vmem>>)
      %add3A_158 = arith.constant 4 : i32
      %add3A_159 = arith.addi %mul3A_85, %add3A_158 : i32
      %dma_start3A_160 = arith.constant 0 : i32
      %dma_start3A_161 = tpu.memref_slice %arg9[%add3A_159, %dma_start3A_160] : memref<160x128xi32, #tpu.memory_space<vmem>> -> memref<1x128xi32, #tpu.memory_space<vmem>>
      %dma_start3A_162 = tpu.memref_squeeze %dma_start3A_161 : memref<1x128xi32, #tpu.memory_space<vmem>> -> memref<128xi32, #tpu.memory_space<vmem>>
      %dma_start3A_163 = arith.constant 0 : i32
      %dma_start3A_164 = arith.constant 0 : i32
      %dma_start3A_165 = tpu.memref_slice %arg7[%dma_start3A_163, %dma_start3A_164] : memref<10240x64xi16, #tpu.memory_space<vmem_shared>> -> memref<10240x64xi16, #tpu.memory_space<vmem_shared>>
      tpu.enqueue_indirect_dma source(%arg14 : memref<128x64xi16, #tpu.memory_space<vmem>>) target(%dma_start3A_165 : memref<10240x64xi16, #tpu.memory_space<vmem_shared>>) offsets(%dma_start3A_162 : memref<128xi32, #tpu.memory_space<vmem>>) semaphore(%arg24 : memref<!tpu.dma_semaphore, #tpu.memory_space<semaphore_mem>>) {add = true}
      %add3A_166 = arith.constant 0 : i32
      %add3A_167 = arith.addi %mul3A_85, %add3A_166 : i32
      %add3A_168 = arith.constant 5 : i32
      %add3A_169 = arith.addi %add3A_167, %add3A_168 : i32
      %lt3A = arith.constant 160 : i32
      %lt3A_170 = arith.cmpi slt, %add3A_169, %lt3A : i32
      %convert_element_type3A = arith.extui %lt3A_170 : i1 to i32
      %cond3A = arith.constant 0 : i32
      %cond3A_171 = arith.cmpi ne, %convert_element_type3A, %cond3A : i32
      scf.if %cond3A_171 {
        %add3A_208 = arith.constant 0 : i32
        %add3A_209 = arith.addi %mul3A_85, %add3A_208 : i32
        %dma_wait3A_210 = arith.constant 0 : i32
        %dma_wait3A_211 = tpu.memref_slice %arg9[%add3A_209, %dma_wait3A_210] : memref<160x128xi32, #tpu.memory_space<vmem>> -> memref<1x128xi32, #tpu.memory_space<vmem>>
        %dma_wait3A_212 = tpu.memref_squeeze %dma_wait3A_211 : memref<1x128xi32, #tpu.memory_space<vmem>> -> memref<128xi32, #tpu.memory_space<vmem>>
        %dma_wait3A_213 = arith.constant 0 : i32
        %dma_wait3A_214 = arith.constant 0 : i32
        %dma_wait3A_215 = tpu.memref_slice %arg7[%dma_wait3A_213, %dma_wait3A_214] : memref<10240x64xi16, #tpu.memory_space<vmem_shared>> -> memref<10240x64xi16, #tpu.memory_space<vmem_shared>>
        tpu.wait_indirect_dma semaphore(%arg20 : memref<!tpu.dma_semaphore, #tpu.memory_space<semaphore_mem>>) src(%arg10 : memref<128x64xi16, #tpu.memory_space<vmem>>) dst(%dma_wait3A_215 : memref<10240x64xi16, #tpu.memory_space<vmem_shared>>)
        %add3A_216 = arith.constant 0 : i32
        %add3A_217 = arith.addi %mul3A_85, %add3A_216 : i32
        %add3A_218 = arith.constant 5 : i32
        %add3A_219 = arith.addi %add3A_217, %add3A_218 : i32
        %dma_start3A_220 = arith.constant 0 : i32
        %dma_start3A_221 = tpu.memref_slice %arg8[%add3A_219, %dma_start3A_220] : memref<160x128xi32, #tpu.memory_space<vmem>> -> memref<1x128xi32, #tpu.memory_space<vmem>>
        %dma_start3A_222 = tpu.memref_squeeze %dma_start3A_221 : memref<1x128xi32, #tpu.memory_space<vmem>> -> memref<128xi32, #tpu.memory_space<vmem>>
        %dma_start3A_223 = arith.constant 0 : i32
        %dma_start3A_224 = arith.constant 0 : i32
        %dma_start3A_225 = tpu.memref_slice %arg2[%dma_start3A_223, %dma_start3A_224] : memref<20480x64xi16, #tpu.memory_space<hbm>> -> memref<20480x64xi16, #tpu.memory_space<hbm>>
        tpu.enqueue_indirect_dma source(%dma_start3A_225 : memref<20480x64xi16, #tpu.memory_space<hbm>>) target(%arg10 : memref<128x64xi16, #tpu.memory_space<vmem>>) offsets(%dma_start3A_222 : memref<128xi32, #tpu.memory_space<vmem>>) semaphore(%arg15 : memref<!tpu.dma_semaphore, #tpu.memory_space<semaphore_mem>>)
      } else {
      }
      %add3A_172 = arith.constant 1 : i32
      %add3A_173 = arith.addi %mul3A_85, %add3A_172 : i32
      %add3A_174 = arith.constant 5 : i32
      %add3A_175 = arith.addi %add3A_173, %add3A_174 : i32
      %lt3A_176 = arith.constant 160 : i32
      %lt3A_177 = arith.cmpi slt, %add3A_175, %lt3A_176 : i32
      %convert_element_type3A_178 = arith.extui %lt3A_177 : i1 to i32
      %cond3A_179 = arith.constant 0 : i32
      %cond3A_180 = arith.cmpi ne, %convert_element_type3A_178, %cond3A_179 : i32
      scf.if %cond3A_180 {
        %add3A_208 = arith.constant 1 : i32
        %add3A_209 = arith.addi %mul3A_85, %add3A_208 : i32
        %dma_wait3A_210 = arith.constant 0 : i32
        %dma_wait3A_211 = tpu.memref_slice %arg9[%add3A_209, %dma_wait3A_210] : memref<160x128xi32, #tpu.memory_space<vmem>> -> memref<1x128xi32, #tpu.memory_space<vmem>>
        %dma_wait3A_212 = tpu.memref_squeeze %dma_wait3A_211 : memref<1x128xi32, #tpu.memory_space<vmem>> -> memref<128xi32, #tpu.memory_space<vmem>>
        %dma_wait3A_213 = arith.constant 0 : i32
        %dma_wait3A_214 = arith.constant 0 : i32
        %dma_wait3A_215 = tpu.memref_slice %arg7[%dma_wait3A_213, %dma_wait3A_214] : memref<10240x64xi16, #tpu.memory_space<vmem_shared>> -> memref<10240x64xi16, #tpu.memory_space<vmem_shared>>
        tpu.wait_indirect_dma semaphore(%arg21 : memref<!tpu.dma_semaphore, #tpu.memory_space<semaphore_mem>>) src(%arg11 : memref<128x64xi16, #tpu.memory_space<vmem>>) dst(%dma_wait3A_215 : memref<10240x64xi16, #tpu.memory_space<vmem_shared>>)
        %add3A_216 = arith.constant 1 : i32
        %add3A_217 = arith.addi %mul3A_85, %add3A_216 : i32
        %add3A_218 = arith.constant 5 : i32
        %add3A_219 = arith.addi %add3A_217, %add3A_218 : i32
        %dma_start3A_220 = arith.constant 0 : i32
        %dma_start3A_221 = tpu.memref_slice %arg8[%add3A_219, %dma_start3A_220] : memref<160x128xi32, #tpu.memory_space<vmem>> -> memref<1x128xi32, #tpu.memory_space<vmem>>
        %dma_start3A_222 = tpu.memref_squeeze %dma_start3A_221 : memref<1x128xi32, #tpu.memory_space<vmem>> -> memref<128xi32, #tpu.memory_space<vmem>>
        %dma_start3A_223 = arith.constant 0 : i32
        %dma_start3A_224 = arith.constant 0 : i32
        %dma_start3A_225 = tpu.memref_slice %arg2[%dma_start3A_223, %dma_start3A_224] : memref<20480x64xi16, #tpu.memory_space<hbm>> -> memref<20480x64xi16, #tpu.memory_space<hbm>>
        tpu.enqueue_indirect_dma source(%dma_start3A_225 : memref<20480x64xi16, #tpu.memory_space<hbm>>) target(%arg11 : memref<128x64xi16, #tpu.memory_space<vmem>>) offsets(%dma_start3A_222 : memref<128xi32, #tpu.memory_space<vmem>>) semaphore(%arg16 : memref<!tpu.dma_semaphore, #tpu.memory_space<semaphore_mem>>)
      } else {
      }
      %add3A_181 = arith.constant 2 : i32
      %add3A_182 = arith.addi %mul3A_85, %add3A_181 : i32
      %add3A_183 = arith.constant 5 : i32
      %add3A_184 = arith.addi %add3A_182, %add3A_183 : i32
      %lt3A_185 = arith.constant 160 : i32
      %lt3A_186 = arith.cmpi slt, %add3A_184, %lt3A_185 : i32
      %convert_element_type3A_187 = arith.extui %lt3A_186 : i1 to i32
      %cond3A_188 = arith.constant 0 : i32
      %cond3A_189 = arith.cmpi ne, %convert_element_type3A_187, %cond3A_188 : i32
      scf.if %cond3A_189 {
        %add3A_208 = arith.constant 2 : i32
        %add3A_209 = arith.addi %mul3A_85, %add3A_208 : i32
        %dma_wait3A_210 = arith.constant 0 : i32
        %dma_wait3A_211 = tpu.memref_slice %arg9[%add3A_209, %dma_wait3A_210] : memref<160x128xi32, #tpu.memory_space<vmem>> -> memref<1x128xi32, #tpu.memory_space<vmem>>
        %dma_wait3A_212 = tpu.memref_squeeze %dma_wait3A_211 : memref<1x128xi32, #tpu.memory_space<vmem>> -> memref<128xi32, #tpu.memory_space<vmem>>
        %dma_wait3A_213 = arith.constant 0 : i32
        %dma_wait3A_214 = arith.constant 0 : i32
        %dma_wait3A_215 = tpu.memref_slice %arg7[%dma_wait3A_213, %dma_wait3A_214] : memref<10240x64xi16, #tpu.memory_space<vmem_shared>> -> memref<10240x64xi16, #tpu.memory_space<vmem_shared>>
        tpu.wait_indirect_dma semaphore(%arg22 : memref<!tpu.dma_semaphore, #tpu.memory_space<semaphore_mem>>) src(%arg12 : memref<128x64xi16, #tpu.memory_space<vmem>>) dst(%dma_wait3A_215 : memref<10240x64xi16, #tpu.memory_space<vmem_shared>>)
        %add3A_216 = arith.constant 2 : i32
        %add3A_217 = arith.addi %mul3A_85, %add3A_216 : i32
        %add3A_218 = arith.constant 5 : i32
        %add3A_219 = arith.addi %add3A_217, %add3A_218 : i32
        %dma_start3A_220 = arith.constant 0 : i32
        %dma_start3A_221 = tpu.memref_slice %arg8[%add3A_219, %dma_start3A_220] : memref<160x128xi32, #tpu.memory_space<vmem>> -> memref<1x128xi32, #tpu.memory_space<vmem>>
        %dma_start3A_222 = tpu.memref_squeeze %dma_start3A_221 : memref<1x128xi32, #tpu.memory_space<vmem>> -> memref<128xi32, #tpu.memory_space<vmem>>
        %dma_start3A_223 = arith.constant 0 : i32
        %dma_start3A_224 = arith.constant 0 : i32
        %dma_start3A_225 = tpu.memref_slice %arg2[%dma_start3A_223, %dma_start3A_224] : memref<20480x64xi16, #tpu.memory_space<hbm>> -> memref<20480x64xi16, #tpu.memory_space<hbm>>
        tpu.enqueue_indirect_dma source(%dma_start3A_225 : memref<20480x64xi16, #tpu.memory_space<hbm>>) target(%arg12 : memref<128x64xi16, #tpu.memory_space<vmem>>) offsets(%dma_start3A_222 : memref<128xi32, #tpu.memory_space<vmem>>) semaphore(%arg17 : memref<!tpu.dma_semaphore, #tpu.memory_space<semaphore_mem>>)
      } else {
      }
      %add3A_190 = arith.constant 3 : i32
      %add3A_191 = arith.addi %mul3A_85, %add3A_190 : i32
      %add3A_192 = arith.constant 5 : i32
      %add3A_193 = arith.addi %add3A_191, %add3A_192 : i32
      %lt3A_194 = arith.constant 160 : i32
      %lt3A_195 = arith.cmpi slt, %add3A_193, %lt3A_194 : i32
      %convert_element_type3A_196 = arith.extui %lt3A_195 : i1 to i32
      %cond3A_197 = arith.constant 0 : i32
      %cond3A_198 = arith.cmpi ne, %convert_element_type3A_196, %cond3A_197 : i32
      scf.if %cond3A_198 {
        %add3A_208 = arith.constant 3 : i32
        %add3A_209 = arith.addi %mul3A_85, %add3A_208 : i32
        %dma_wait3A_210 = arith.constant 0 : i32
        %dma_wait3A_211 = tpu.memref_slice %arg9[%add3A_209, %dma_wait3A_210] : memref<160x128xi32, #tpu.memory_space<vmem>> -> memref<1x128xi32, #tpu.memory_space<vmem>>
        %dma_wait3A_212 = tpu.memref_squeeze %dma_wait3A_211 : memref<1x128xi32, #tpu.memory_space<vmem>> -> memref<128xi32, #tpu.memory_space<vmem>>
        %dma_wait3A_213 = arith.constant 0 : i32
        %dma_wait3A_214 = arith.constant 0 : i32
        %dma_wait3A_215 = tpu.memref_slice %arg7[%dma_wait3A_213, %dma_wait3A_214] : memref<10240x64xi16, #tpu.memory_space<vmem_shared>> -> memref<10240x64xi16, #tpu.memory_space<vmem_shared>>
        tpu.wait_indirect_dma semaphore(%arg23 : memref<!tpu.dma_semaphore, #tpu.memory_space<semaphore_mem>>) src(%arg13 : memref<128x64xi16, #tpu.memory_space<vmem>>) dst(%dma_wait3A_215 : memref<10240x64xi16, #tpu.memory_space<vmem_shared>>)
        %add3A_216 = arith.constant 3 : i32
        %add3A_217 = arith.addi %mul3A_85, %add3A_216 : i32
        %add3A_218 = arith.constant 5 : i32
        %add3A_219 = arith.addi %add3A_217, %add3A_218 : i32
        %dma_start3A_220 = arith.constant 0 : i32
        %dma_start3A_221 = tpu.memref_slice %arg8[%add3A_219, %dma_start3A_220] : memref<160x128xi32, #tpu.memory_space<vmem>> -> memref<1x128xi32, #tpu.memory_space<vmem>>
        %dma_start3A_222 = tpu.memref_squeeze %dma_start3A_221 : memref<1x128xi32, #tpu.memory_space<vmem>> -> memref<128xi32, #tpu.memory_space<vmem>>
        %dma_start3A_223 = arith.constant 0 : i32
        %dma_start3A_224 = arith.constant 0 : i32
        %dma_start3A_225 = tpu.memref_slice %arg2[%dma_start3A_223, %dma_start3A_224] : memref<20480x64xi16, #tpu.memory_space<hbm>> -> memref<20480x64xi16, #tpu.memory_space<hbm>>
        tpu.enqueue_indirect_dma source(%dma_start3A_225 : memref<20480x64xi16, #tpu.memory_space<hbm>>) target(%arg13 : memref<128x64xi16, #tpu.memory_space<vmem>>) offsets(%dma_start3A_222 : memref<128xi32, #tpu.memory_space<vmem>>) semaphore(%arg18 : memref<!tpu.dma_semaphore, #tpu.memory_space<semaphore_mem>>)
      } else {
      }
      %add3A_199 = arith.constant 4 : i32
      %add3A_200 = arith.addi %mul3A_85, %add3A_199 : i32
      %add3A_201 = arith.constant 5 : i32
      %add3A_202 = arith.addi %add3A_200, %add3A_201 : i32
      %lt3A_203 = arith.constant 160 : i32
      %lt3A_204 = arith.cmpi slt, %add3A_202, %lt3A_203 : i32
      %convert_element_type3A_205 = arith.extui %lt3A_204 : i1 to i32
      %cond3A_206 = arith.constant 0 : i32
      %cond3A_207 = arith.cmpi ne, %convert_element_type3A_205, %cond3A_206 : i32
      scf.if %cond3A_207 {
        %add3A_208 = arith.constant 4 : i32
        %add3A_209 = arith.addi %mul3A_85, %add3A_208 : i32
        %dma_wait3A_210 = arith.constant 0 : i32
        %dma_wait3A_211 = tpu.memref_slice %arg9[%add3A_209, %dma_wait3A_210] : memref<160x128xi32, #tpu.memory_space<vmem>> -> memref<1x128xi32, #tpu.memory_space<vmem>>
        %dma_wait3A_212 = tpu.memref_squeeze %dma_wait3A_211 : memref<1x128xi32, #tpu.memory_space<vmem>> -> memref<128xi32, #tpu.memory_space<vmem>>
        %dma_wait3A_213 = arith.constant 0 : i32
        %dma_wait3A_214 = arith.constant 0 : i32
        %dma_wait3A_215 = tpu.memref_slice %arg7[%dma_wait3A_213, %dma_wait3A_214] : memref<10240x64xi16, #tpu.memory_space<vmem_shared>> -> memref<10240x64xi16, #tpu.memory_space<vmem_shared>>
        tpu.wait_indirect_dma semaphore(%arg24 : memref<!tpu.dma_semaphore, #tpu.memory_space<semaphore_mem>>) src(%arg14 : memref<128x64xi16, #tpu.memory_space<vmem>>) dst(%dma_wait3A_215 : memref<10240x64xi16, #tpu.memory_space<vmem_shared>>)
        %add3A_216 = arith.constant 4 : i32
        %add3A_217 = arith.addi %mul3A_85, %add3A_216 : i32
        %add3A_218 = arith.constant 5 : i32
        %add3A_219 = arith.addi %add3A_217, %add3A_218 : i32
        %dma_start3A_220 = arith.constant 0 : i32
        %dma_start3A_221 = tpu.memref_slice %arg8[%add3A_219, %dma_start3A_220] : memref<160x128xi32, #tpu.memory_space<vmem>> -> memref<1x128xi32, #tpu.memory_space<vmem>>
        %dma_start3A_222 = tpu.memref_squeeze %dma_start3A_221 : memref<1x128xi32, #tpu.memory_space<vmem>> -> memref<128xi32, #tpu.memory_space<vmem>>
        %dma_start3A_223 = arith.constant 0 : i32
        %dma_start3A_224 = arith.constant 0 : i32
        %dma_start3A_225 = tpu.memref_slice %arg2[%dma_start3A_223, %dma_start3A_224] : memref<20480x64xi16, #tpu.memory_space<hbm>> -> memref<20480x64xi16, #tpu.memory_space<hbm>>
        tpu.enqueue_indirect_dma source(%dma_start3A_225 : memref<20480x64xi16, #tpu.memory_space<hbm>>) target(%arg14 : memref<128x64xi16, #tpu.memory_space<vmem>>) offsets(%dma_start3A_222 : memref<128xi32, #tpu.memory_space<vmem>>) semaphore(%arg19 : memref<!tpu.dma_semaphore, #tpu.memory_space<semaphore_mem>>)
      } else {
      }
    }
    %scan3A_43 = arith.constant 32 : i32
    %dma_wait3A = arith.constant 155 : i32
    %dma_wait3A_44 = arith.constant 0 : i32
    %dma_wait3A_45 = tpu.memref_slice %arg9[%dma_wait3A, %dma_wait3A_44] : memref<160x128xi32, #tpu.memory_space<vmem>> -> memref<1x128xi32, #tpu.memory_space<vmem>>
    %dma_wait3A_46 = tpu.memref_squeeze %dma_wait3A_45 : memref<1x128xi32, #tpu.memory_space<vmem>> -> memref<128xi32, #tpu.memory_space<vmem>>
    %dma_wait3A_47 = arith.constant 0 : i32
    %dma_wait3A_48 = arith.constant 0 : i32
    %dma_wait3A_49 = tpu.memref_slice %arg7[%dma_wait3A_47, %dma_wait3A_48] : memref<10240x64xi16, #tpu.memory_space<vmem_shared>> -> memref<10240x64xi16, #tpu.memory_space<vmem_shared>>
    tpu.wait_indirect_dma semaphore(%arg20 : memref<!tpu.dma_semaphore, #tpu.memory_space<semaphore_mem>>) src(%arg10 : memref<128x64xi16, #tpu.memory_space<vmem>>) dst(%dma_wait3A_49 : memref<10240x64xi16, #tpu.memory_space<vmem_shared>>)
    %dma_wait3A_50 = arith.constant 156 : i32
    %dma_wait3A_51 = arith.constant 0 : i32
    %dma_wait3A_52 = tpu.memref_slice %arg9[%dma_wait3A_50, %dma_wait3A_51] : memref<160x128xi32, #tpu.memory_space<vmem>> -> memref<1x128xi32, #tpu.memory_space<vmem>>
    %dma_wait3A_53 = tpu.memref_squeeze %dma_wait3A_52 : memref<1x128xi32, #tpu.memory_space<vmem>> -> memref<128xi32, #tpu.memory_space<vmem>>
    %dma_wait3A_54 = arith.constant 0 : i32
    %dma_wait3A_55 = arith.constant 0 : i32
    %dma_wait3A_56 = tpu.memref_slice %arg7[%dma_wait3A_54, %dma_wait3A_55] : memref<10240x64xi16, #tpu.memory_space<vmem_shared>> -> memref<10240x64xi16, #tpu.memory_space<vmem_shared>>
    tpu.wait_indirect_dma semaphore(%arg21 : memref<!tpu.dma_semaphore, #tpu.memory_space<semaphore_mem>>) src(%arg11 : memref<128x64xi16, #tpu.memory_space<vmem>>) dst(%dma_wait3A_56 : memref<10240x64xi16, #tpu.memory_space<vmem_shared>>)
    %dma_wait3A_57 = arith.constant 157 : i32
    %dma_wait3A_58 = arith.constant 0 : i32
    %dma_wait3A_59 = tpu.memref_slice %arg9[%dma_wait3A_57, %dma_wait3A_58] : memref<160x128xi32, #tpu.memory_space<vmem>> -> memref<1x128xi32, #tpu.memory_space<vmem>>
    %dma_wait3A_60 = tpu.memref_squeeze %dma_wait3A_59 : memref<1x128xi32, #tpu.memory_space<vmem>> -> memref<128xi32, #tpu.memory_space<vmem>>
    %dma_wait3A_61 = arith.constant 0 : i32
    %dma_wait3A_62 = arith.constant 0 : i32
    %dma_wait3A_63 = tpu.memref_slice %arg7[%dma_wait3A_61, %dma_wait3A_62] : memref<10240x64xi16, #tpu.memory_space<vmem_shared>> -> memref<10240x64xi16, #tpu.memory_space<vmem_shared>>
    tpu.wait_indirect_dma semaphore(%arg22 : memref<!tpu.dma_semaphore, #tpu.memory_space<semaphore_mem>>) src(%arg12 : memref<128x64xi16, #tpu.memory_space<vmem>>) dst(%dma_wait3A_63 : memref<10240x64xi16, #tpu.memory_space<vmem_shared>>)
    %dma_wait3A_64 = arith.constant 158 : i32
    %dma_wait3A_65 = arith.constant 0 : i32
    %dma_wait3A_66 = tpu.memref_slice %arg9[%dma_wait3A_64, %dma_wait3A_65] : memref<160x128xi32, #tpu.memory_space<vmem>> -> memref<1x128xi32, #tpu.memory_space<vmem>>
    %dma_wait3A_67 = tpu.memref_squeeze %dma_wait3A_66 : memref<1x128xi32, #tpu.memory_space<vmem>> -> memref<128xi32, #tpu.memory_space<vmem>>
    %dma_wait3A_68 = arith.constant 0 : i32
    %dma_wait3A_69 = arith.constant 0 : i32
    %dma_wait3A_70 = tpu.memref_slice %arg7[%dma_wait3A_68, %dma_wait3A_69] : memref<10240x64xi16, #tpu.memory_space<vmem_shared>> -> memref<10240x64xi16, #tpu.memory_space<vmem_shared>>
    tpu.wait_indirect_dma semaphore(%arg23 : memref<!tpu.dma_semaphore, #tpu.memory_space<semaphore_mem>>) src(%arg13 : memref<128x64xi16, #tpu.memory_space<vmem>>) dst(%dma_wait3A_70 : memref<10240x64xi16, #tpu.memory_space<vmem_shared>>)
    %dma_wait3A_71 = arith.constant 159 : i32
    %dma_wait3A_72 = arith.constant 0 : i32
    %dma_wait3A_73 = tpu.memref_slice %arg9[%dma_wait3A_71, %dma_wait3A_72] : memref<160x128xi32, #tpu.memory_space<vmem>> -> memref<1x128xi32, #tpu.memory_space<vmem>>
    %dma_wait3A_74 = tpu.memref_squeeze %dma_wait3A_73 : memref<1x128xi32, #tpu.memory_space<vmem>> -> memref<128xi32, #tpu.memory_space<vmem>>
    %dma_wait3A_75 = arith.constant 0 : i32
    %dma_wait3A_76 = arith.constant 0 : i32
    %dma_wait3A_77 = tpu.memref_slice %arg7[%dma_wait3A_75, %dma_wait3A_76] : memref<10240x64xi16, #tpu.memory_space<vmem_shared>> -> memref<10240x64xi16, #tpu.memory_space<vmem_shared>>
    tpu.wait_indirect_dma semaphore(%arg24 : memref<!tpu.dma_semaphore, #tpu.memory_space<semaphore_mem>>) src(%arg14 : memref<128x64xi16, #tpu.memory_space<vmem>>) dst(%dma_wait3A_77 : memref<10240x64xi16, #tpu.memory_space<vmem_shared>>)
    %barrier3A_78 = arith.constant 0 : index
    tpu.barrier barrier_id(%barrier3A_78)
    %mul3A_79 = arith.constant 640 : i32
    %mul3A_80 = arith.muli %arg1, %mul3A_79 : i32
    %mul3A_81 = arith.constant 640 : i32
    %mul3A_82 = arith.muli %arg1, %mul3A_81 : i32
    "tpu.region"() ({
      %run_scoped3A = tpu.sem_alloc : memref<!tpu.dma_semaphore, #tpu.memory_space<semaphore_mem>>
      %dma_start3A_83 = arith.constant 0 : i32
      %dma_start3A_84 = arith.constant 0 : i32
      %dma_start3A_85 = tpu.memref_slice %arg6[%arg0, %dma_start3A_83, %dma_start3A_84] : memref<2x10240x64xi16, #tpu.memory_space<hbm>> -> memref<1x10240x64xi16, #tpu.memory_space<hbm>>
      %dma_start3A_86 = tpu.memref_squeeze %dma_start3A_85 : memref<1x10240x64xi16, #tpu.memory_space<hbm>> -> memref<10240x64xi16, #tpu.memory_space<hbm>>
      %dma_start3A_87 = arith.constant 0 : i32
      %dma_start3A_88 = tpu.memref_slice %dma_start3A_86[%mul3A_82, %dma_start3A_87] : memref<10240x64xi16, #tpu.memory_space<hbm>> -> memref<640x64xi16, #tpu.memory_space<hbm>>
      %dma_start3A_89 = arith.constant 0 : i32
      %dma_start3A_90 = tpu.memref_slice %arg7[%mul3A_80, %dma_start3A_89] : memref<10240x64xi16, #tpu.memory_space<vmem_shared>> -> memref<640x64xi16, #tpu.memory_space<vmem_shared>>
      tpu.enqueue_dma source(%dma_start3A_90 : memref<640x64xi16, #tpu.memory_space<vmem_shared>>) target(%dma_start3A_88 : memref<640x64xi16, #tpu.memory_space<hbm>>) target_semaphore(%run_scoped3A : memref<!tpu.dma_semaphore, #tpu.memory_space<semaphore_mem>>)
      %dma_wait3A_91 = arith.constant 0 : i32
      %dma_wait3A_92 = arith.constant 0 : i32
      %dma_wait3A_93 = tpu.memref_slice %arg6[%arg0, %dma_wait3A_91, %dma_wait3A_92] : memref<2x10240x64xi16, #tpu.memory_space<hbm>> -> memref<1x10240x64xi16, #tpu.memory_space<hbm>>
      %dma_wait3A_94 = tpu.memref_squeeze %dma_wait3A_93 : memref<1x10240x64xi16, #tpu.memory_space<hbm>> -> memref<10240x64xi16, #tpu.memory_space<hbm>>
      %dma_wait3A_95 = arith.constant 0 : i32
      %dma_wait3A_96 = tpu.memref_slice %dma_wait3A_94[%mul3A_82, %dma_wait3A_95] : memref<10240x64xi16, #tpu.memory_space<hbm>> -> memref<640x64xi16, #tpu.memory_space<hbm>>
      %dma_wait3A_97 = arith.constant 0 : i32
      %dma_wait3A_98 = tpu.memref_slice %arg7[%mul3A_80, %dma_wait3A_97] : memref<10240x64xi16, #tpu.memory_space<vmem_shared>> -> memref<640x64xi16, #tpu.memory_space<vmem_shared>>
      tpu.wait_dma2 semaphore(%run_scoped3A : memref<!tpu.dma_semaphore, #tpu.memory_space<semaphore_mem>>) src(%dma_wait3A_98 : memref<640x64xi16, #tpu.memory_space<vmem_shared>>) dst(%dma_wait3A_96 : memref<640x64xi16, #tpu.memory_space<hbm>>)
      tpu.yield
    }) : () -> ()
    return
  }
}

#map = affine_map<(d0, d1) -> (0, 0, 0)>
#map1 = affine_map<(d0, d1) -> (0, 0)>
module attributes {stable_mosaic.version = 14 : i64} {
  func.func @_deg_body(%arg0: i32, %arg1: i32, %arg2: memref<32x80x128xi32, #tpu.memory_space<hbm>>, %arg3: memref<128x8xf32, #tpu.memory_space<hbm>>, %arg4: memref<10240x8xf32, #tpu.memory_space<hbm>>, %arg5: memref<2x10240x8xf32, #tpu.memory_space<hbm>>, %arg6: memref<10240x8xf32, #tpu.memory_space<vmem_shared>>, %arg7: memref<80x128xi32, #tpu.memory_space<vmem>>, %arg8: memref<128x8xf32, #tpu.memory_space<vmem>>, %arg9: memref<!tpu.dma_semaphore, #tpu.memory_space<semaphore_mem>>) attributes {dimension_semantics = [#tpu.dimension_semantics<core_parallel>, #tpu.dimension_semantics<subcore_parallel>], iteration_bounds = array<i64: 2, 16>, scalar_prefetch = 0 : i64, scratch_operands = 4 : i64, tpu.core_type = #tpu.core_type<sc_vector_subcore>, window_params = [{transform_indices = #map}, {transform_indices = #map1}, {transform_indices = #map1}, {transform_indices = #map}]} {
    %mul3A = arith.constant 2 : i32
    %mul3A_0 = arith.muli %arg1, %mul3A : i32
    %add3A = arith.addi %mul3A_0, %arg0 : i32
    %mul3A_1 = arith.constant 640 : i32
    %mul3A_2 = arith.muli %arg1, %mul3A_1 : i32
    %mul3A_3 = arith.constant 640 : i32
    %mul3A_4 = arith.muli %arg1, %mul3A_3 : i32
    "tpu.region"() ({
      %run_scoped3A = tpu.sem_alloc : memref<!tpu.dma_semaphore, #tpu.memory_space<semaphore_mem>>
      %dma_start3A = arith.constant 0 : i32
      %dma_start3A_15 = tpu.memref_slice %arg6[%mul3A_4, %dma_start3A] : memref<10240x8xf32, #tpu.memory_space<vmem_shared>> -> memref<640x8xf32, #tpu.memory_space<vmem_shared>>
      %dma_start3A_16 = arith.constant 0 : i32
      %dma_start3A_17 = tpu.memref_slice %arg4[%mul3A_2, %dma_start3A_16] : memref<10240x8xf32, #tpu.memory_space<hbm>> -> memref<640x8xf32, #tpu.memory_space<hbm>>
      tpu.enqueue_dma source(%dma_start3A_17 : memref<640x8xf32, #tpu.memory_space<hbm>>) target(%dma_start3A_15 : memref<640x8xf32, #tpu.memory_space<vmem_shared>>) target_semaphore(%run_scoped3A : memref<!tpu.dma_semaphore, #tpu.memory_space<semaphore_mem>>)
      %dma_wait3A = arith.constant 0 : i32
      %dma_wait3A_18 = tpu.memref_slice %arg6[%mul3A_4, %dma_wait3A] : memref<10240x8xf32, #tpu.memory_space<vmem_shared>> -> memref<640x8xf32, #tpu.memory_space<vmem_shared>>
      %dma_wait3A_19 = arith.constant 0 : i32
      %dma_wait3A_20 = tpu.memref_slice %arg4[%mul3A_2, %dma_wait3A_19] : memref<10240x8xf32, #tpu.memory_space<hbm>> -> memref<640x8xf32, #tpu.memory_space<hbm>>
      tpu.wait_dma2 semaphore(%run_scoped3A : memref<!tpu.dma_semaphore, #tpu.memory_space<semaphore_mem>>) src(%dma_wait3A_20 : memref<640x8xf32, #tpu.memory_space<hbm>>) dst(%dma_wait3A_18 : memref<640x8xf32, #tpu.memory_space<vmem_shared>>)
      tpu.yield
    }) : () -> ()
    "tpu.region"() ({
      %run_scoped3A = tpu.sem_alloc : memref<!tpu.dma_semaphore, #tpu.memory_space<semaphore_mem>>
      %dma_start3A = arith.constant 0 : i32
      %dma_start3A_15 = arith.constant 0 : i32
      %dma_start3A_16 = tpu.memref_slice %arg2[%add3A, %dma_start3A, %dma_start3A_15] : memref<32x80x128xi32, #tpu.memory_space<hbm>> -> memref<1x80x128xi32, #tpu.memory_space<hbm>>
      %dma_start3A_17 = tpu.memref_squeeze %dma_start3A_16 : memref<1x80x128xi32, #tpu.memory_space<hbm>> -> memref<80x128xi32, #tpu.memory_space<hbm>>
      %dma_start3A_18 = arith.constant 0 : i32
      %dma_start3A_19 = arith.constant 0 : i32
      %dma_start3A_20 = tpu.memref_slice %arg2[%add3A, %dma_start3A_18, %dma_start3A_19] : memref<32x80x128xi32, #tpu.memory_space<hbm>> -> memref<1x80x128xi32, #tpu.memory_space<hbm>>
      %dma_start3A_21 = tpu.memref_squeeze %dma_start3A_20 : memref<1x80x128xi32, #tpu.memory_space<hbm>> -> memref<80x128xi32, #tpu.memory_space<hbm>>
      tpu.enqueue_dma source(%dma_start3A_21 : memref<80x128xi32, #tpu.memory_space<hbm>>) target(%arg7 : memref<80x128xi32, #tpu.memory_space<vmem>>) target_semaphore(%run_scoped3A : memref<!tpu.dma_semaphore, #tpu.memory_space<semaphore_mem>>)
      %dma_wait3A = arith.constant 0 : i32
      %dma_wait3A_22 = arith.constant 0 : i32
      %dma_wait3A_23 = tpu.memref_slice %arg2[%add3A, %dma_wait3A, %dma_wait3A_22] : memref<32x80x128xi32, #tpu.memory_space<hbm>> -> memref<1x80x128xi32, #tpu.memory_space<hbm>>
      %dma_wait3A_24 = tpu.memref_squeeze %dma_wait3A_23 : memref<1x80x128xi32, #tpu.memory_space<hbm>> -> memref<80x128xi32, #tpu.memory_space<hbm>>
      %dma_wait3A_25 = arith.constant 0 : i32
      %dma_wait3A_26 = arith.constant 0 : i32
      %dma_wait3A_27 = tpu.memref_slice %arg2[%add3A, %dma_wait3A_25, %dma_wait3A_26] : memref<32x80x128xi32, #tpu.memory_space<hbm>> -> memref<1x80x128xi32, #tpu.memory_space<hbm>>
      %dma_wait3A_28 = tpu.memref_squeeze %dma_wait3A_27 : memref<1x80x128xi32, #tpu.memory_space<hbm>> -> memref<80x128xi32, #tpu.memory_space<hbm>>
      tpu.wait_dma2 semaphore(%run_scoped3A : memref<!tpu.dma_semaphore, #tpu.memory_space<semaphore_mem>>) src(%dma_wait3A_28 : memref<80x128xi32, #tpu.memory_space<hbm>>) dst(%arg7 : memref<80x128xi32, #tpu.memory_space<vmem>>)
      tpu.yield
    }) : () -> ()
    "tpu.region"() ({
      %run_scoped3A = tpu.sem_alloc : memref<!tpu.dma_semaphore, #tpu.memory_space<semaphore_mem>>
      tpu.enqueue_dma source(%arg3 : memref<128x8xf32, #tpu.memory_space<hbm>>) target(%arg8 : memref<128x8xf32, #tpu.memory_space<vmem>>) target_semaphore(%run_scoped3A : memref<!tpu.dma_semaphore, #tpu.memory_space<semaphore_mem>>)
      tpu.wait_dma2 semaphore(%run_scoped3A : memref<!tpu.dma_semaphore, #tpu.memory_space<semaphore_mem>>) src(%arg3 : memref<128x8xf32, #tpu.memory_space<hbm>>) dst(%arg8 : memref<128x8xf32, #tpu.memory_space<vmem>>)
      tpu.yield
    }) : () -> ()
    %barrier3A = arith.constant 0 : index
    tpu.barrier barrier_id(%barrier3A)
    %scan3A = arith.constant 0 : i32
    %scan3A_5 = arith.constant 0 : i32
    %scan3A_6 = arith.constant 10 : i32
    %scan3A_7 = arith.addi %scan3A_5, %scan3A_6 : i32
    %scan3A_8 = arith.constant 1 : i32
    scf.for %scan3A_15 = %scan3A_5 to %scan3A_7 step %scan3A_8  : i32 {
      %mul3A_16 = arith.constant 8 : i32
      %mul3A_17 = arith.muli %mul3A_16, %scan3A_15 : i32
      %add3A_18 = arith.constant 0 : i32
      %add3A_19 = arith.addi %mul3A_17, %add3A_18 : i32
      %dma_start3A = arith.constant 0 : i32
      %dma_start3A_20 = tpu.memref_slice %arg7[%add3A_19, %dma_start3A] : memref<80x128xi32, #tpu.memory_space<vmem>> -> memref<1x128xi32, #tpu.memory_space<vmem>>
      %dma_start3A_21 = tpu.memref_squeeze %dma_start3A_20 : memref<1x128xi32, #tpu.memory_space<vmem>> -> memref<128xi32, #tpu.memory_space<vmem>>
      %dma_start3A_22 = arith.constant 0 : i32
      %dma_start3A_23 = arith.constant 0 : i32
      %dma_start3A_24 = tpu.memref_slice %arg6[%dma_start3A_22, %dma_start3A_23] : memref<10240x8xf32, #tpu.memory_space<vmem_shared>> -> memref<10240x8xf32, #tpu.memory_space<vmem_shared>>
      tpu.enqueue_indirect_dma source(%arg8 : memref<128x8xf32, #tpu.memory_space<vmem>>) target(%dma_start3A_24 : memref<10240x8xf32, #tpu.memory_space<vmem_shared>>) offsets(%dma_start3A_21 : memref<128xi32, #tpu.memory_space<vmem>>) semaphore(%arg9 : memref<!tpu.dma_semaphore, #tpu.memory_space<semaphore_mem>>) {add = true}
      %add3A_25 = arith.constant 1 : i32
      %add3A_26 = arith.addi %mul3A_17, %add3A_25 : i32
      %dma_start3A_27 = arith.constant 0 : i32
      %dma_start3A_28 = tpu.memref_slice %arg7[%add3A_26, %dma_start3A_27] : memref<80x128xi32, #tpu.memory_space<vmem>> -> memref<1x128xi32, #tpu.memory_space<vmem>>
      %dma_start3A_29 = tpu.memref_squeeze %dma_start3A_28 : memref<1x128xi32, #tpu.memory_space<vmem>> -> memref<128xi32, #tpu.memory_space<vmem>>
      %dma_start3A_30 = arith.constant 0 : i32
      %dma_start3A_31 = arith.constant 0 : i32
      %dma_start3A_32 = tpu.memref_slice %arg6[%dma_start3A_30, %dma_start3A_31] : memref<10240x8xf32, #tpu.memory_space<vmem_shared>> -> memref<10240x8xf32, #tpu.memory_space<vmem_shared>>
      tpu.enqueue_indirect_dma source(%arg8 : memref<128x8xf32, #tpu.memory_space<vmem>>) target(%dma_start3A_32 : memref<10240x8xf32, #tpu.memory_space<vmem_shared>>) offsets(%dma_start3A_29 : memref<128xi32, #tpu.memory_space<vmem>>) semaphore(%arg9 : memref<!tpu.dma_semaphore, #tpu.memory_space<semaphore_mem>>) {add = true}
      %add3A_33 = arith.constant 2 : i32
      %add3A_34 = arith.addi %mul3A_17, %add3A_33 : i32
      %dma_start3A_35 = arith.constant 0 : i32
      %dma_start3A_36 = tpu.memref_slice %arg7[%add3A_34, %dma_start3A_35] : memref<80x128xi32, #tpu.memory_space<vmem>> -> memref<1x128xi32, #tpu.memory_space<vmem>>
      %dma_start3A_37 = tpu.memref_squeeze %dma_start3A_36 : memref<1x128xi32, #tpu.memory_space<vmem>> -> memref<128xi32, #tpu.memory_space<vmem>>
      %dma_start3A_38 = arith.constant 0 : i32
      %dma_start3A_39 = arith.constant 0 : i32
      %dma_start3A_40 = tpu.memref_slice %arg6[%dma_start3A_38, %dma_start3A_39] : memref<10240x8xf32, #tpu.memory_space<vmem_shared>> -> memref<10240x8xf32, #tpu.memory_space<vmem_shared>>
      tpu.enqueue_indirect_dma source(%arg8 : memref<128x8xf32, #tpu.memory_space<vmem>>) target(%dma_start3A_40 : memref<10240x8xf32, #tpu.memory_space<vmem_shared>>) offsets(%dma_start3A_37 : memref<128xi32, #tpu.memory_space<vmem>>) semaphore(%arg9 : memref<!tpu.dma_semaphore, #tpu.memory_space<semaphore_mem>>) {add = true}
      %add3A_41 = arith.constant 3 : i32
      %add3A_42 = arith.addi %mul3A_17, %add3A_41 : i32
      %dma_start3A_43 = arith.constant 0 : i32
      %dma_start3A_44 = tpu.memref_slice %arg7[%add3A_42, %dma_start3A_43] : memref<80x128xi32, #tpu.memory_space<vmem>> -> memref<1x128xi32, #tpu.memory_space<vmem>>
      %dma_start3A_45 = tpu.memref_squeeze %dma_start3A_44 : memref<1x128xi32, #tpu.memory_space<vmem>> -> memref<128xi32, #tpu.memory_space<vmem>>
      %dma_start3A_46 = arith.constant 0 : i32
      %dma_start3A_47 = arith.constant 0 : i32
      %dma_start3A_48 = tpu.memref_slice %arg6[%dma_start3A_46, %dma_start3A_47] : memref<10240x8xf32, #tpu.memory_space<vmem_shared>> -> memref<10240x8xf32, #tpu.memory_space<vmem_shared>>
      tpu.enqueue_indirect_dma source(%arg8 : memref<128x8xf32, #tpu.memory_space<vmem>>) target(%dma_start3A_48 : memref<10240x8xf32, #tpu.memory_space<vmem_shared>>) offsets(%dma_start3A_45 : memref<128xi32, #tpu.memory_space<vmem>>) semaphore(%arg9 : memref<!tpu.dma_semaphore, #tpu.memory_space<semaphore_mem>>) {add = true}
      %add3A_49 = arith.constant 4 : i32
      %add3A_50 = arith.addi %mul3A_17, %add3A_49 : i32
      %dma_start3A_51 = arith.constant 0 : i32
      %dma_start3A_52 = tpu.memref_slice %arg7[%add3A_50, %dma_start3A_51] : memref<80x128xi32, #tpu.memory_space<vmem>> -> memref<1x128xi32, #tpu.memory_space<vmem>>
      %dma_start3A_53 = tpu.memref_squeeze %dma_start3A_52 : memref<1x128xi32, #tpu.memory_space<vmem>> -> memref<128xi32, #tpu.memory_space<vmem>>
      %dma_start3A_54 = arith.constant 0 : i32
      %dma_start3A_55 = arith.constant 0 : i32
      %dma_start3A_56 = tpu.memref_slice %arg6[%dma_start3A_54, %dma_start3A_55] : memref<10240x8xf32, #tpu.memory_space<vmem_shared>> -> memref<10240x8xf32, #tpu.memory_space<vmem_shared>>
      tpu.enqueue_indirect_dma source(%arg8 : memref<128x8xf32, #tpu.memory_space<vmem>>) target(%dma_start3A_56 : memref<10240x8xf32, #tpu.memory_space<vmem_shared>>) offsets(%dma_start3A_53 : memref<128xi32, #tpu.memory_space<vmem>>) semaphore(%arg9 : memref<!tpu.dma_semaphore, #tpu.memory_space<semaphore_mem>>) {add = true}
      %add3A_57 = arith.constant 5 : i32
      %add3A_58 = arith.addi %mul3A_17, %add3A_57 : i32
      %dma_start3A_59 = arith.constant 0 : i32
      %dma_start3A_60 = tpu.memref_slice %arg7[%add3A_58, %dma_start3A_59] : memref<80x128xi32, #tpu.memory_space<vmem>> -> memref<1x128xi32, #tpu.memory_space<vmem>>
      %dma_start3A_61 = tpu.memref_squeeze %dma_start3A_60 : memref<1x128xi32, #tpu.memory_space<vmem>> -> memref<128xi32, #tpu.memory_space<vmem>>
      %dma_start3A_62 = arith.constant 0 : i32
      %dma_start3A_63 = arith.constant 0 : i32
      %dma_start3A_64 = tpu.memref_slice %arg6[%dma_start3A_62, %dma_start3A_63] : memref<10240x8xf32, #tpu.memory_space<vmem_shared>> -> memref<10240x8xf32, #tpu.memory_space<vmem_shared>>
      tpu.enqueue_indirect_dma source(%arg8 : memref<128x8xf32, #tpu.memory_space<vmem>>) target(%dma_start3A_64 : memref<10240x8xf32, #tpu.memory_space<vmem_shared>>) offsets(%dma_start3A_61 : memref<128xi32, #tpu.memory_space<vmem>>) semaphore(%arg9 : memref<!tpu.dma_semaphore, #tpu.memory_space<semaphore_mem>>) {add = true}
      %add3A_65 = arith.constant 6 : i32
      %add3A_66 = arith.addi %mul3A_17, %add3A_65 : i32
      %dma_start3A_67 = arith.constant 0 : i32
      %dma_start3A_68 = tpu.memref_slice %arg7[%add3A_66, %dma_start3A_67] : memref<80x128xi32, #tpu.memory_space<vmem>> -> memref<1x128xi32, #tpu.memory_space<vmem>>
      %dma_start3A_69 = tpu.memref_squeeze %dma_start3A_68 : memref<1x128xi32, #tpu.memory_space<vmem>> -> memref<128xi32, #tpu.memory_space<vmem>>
      %dma_start3A_70 = arith.constant 0 : i32
      %dma_start3A_71 = arith.constant 0 : i32
      %dma_start3A_72 = tpu.memref_slice %arg6[%dma_start3A_70, %dma_start3A_71] : memref<10240x8xf32, #tpu.memory_space<vmem_shared>> -> memref<10240x8xf32, #tpu.memory_space<vmem_shared>>
      tpu.enqueue_indirect_dma source(%arg8 : memref<128x8xf32, #tpu.memory_space<vmem>>) target(%dma_start3A_72 : memref<10240x8xf32, #tpu.memory_space<vmem_shared>>) offsets(%dma_start3A_69 : memref<128xi32, #tpu.memory_space<vmem>>) semaphore(%arg9 : memref<!tpu.dma_semaphore, #tpu.memory_space<semaphore_mem>>) {add = true}
      %add3A_73 = arith.constant 7 : i32
      %add3A_74 = arith.addi %mul3A_17, %add3A_73 : i32
      %dma_start3A_75 = arith.constant 0 : i32
      %dma_start3A_76 = tpu.memref_slice %arg7[%add3A_74, %dma_start3A_75] : memref<80x128xi32, #tpu.memory_space<vmem>> -> memref<1x128xi32, #tpu.memory_space<vmem>>
      %dma_start3A_77 = tpu.memref_squeeze %dma_start3A_76 : memref<1x128xi32, #tpu.memory_space<vmem>> -> memref<128xi32, #tpu.memory_space<vmem>>
      %dma_start3A_78 = arith.constant 0 : i32
      %dma_start3A_79 = arith.constant 0 : i32
      %dma_start3A_80 = tpu.memref_slice %arg6[%dma_start3A_78, %dma_start3A_79] : memref<10240x8xf32, #tpu.memory_space<vmem_shared>> -> memref<10240x8xf32, #tpu.memory_space<vmem_shared>>
      tpu.enqueue_indirect_dma source(%arg8 : memref<128x8xf32, #tpu.memory_space<vmem>>) target(%dma_start3A_80 : memref<10240x8xf32, #tpu.memory_space<vmem_shared>>) offsets(%dma_start3A_77 : memref<128xi32, #tpu.memory_space<vmem>>) semaphore(%arg9 : memref<!tpu.dma_semaphore, #tpu.memory_space<semaphore_mem>>) {add = true}
      %add3A_81 = arith.constant 0 : i32
      %add3A_82 = arith.addi %mul3A_17, %add3A_81 : i32
      %dma_wait3A = arith.constant 0 : i32
      %dma_wait3A_83 = tpu.memref_slice %arg7[%add3A_82, %dma_wait3A] : memref<80x128xi32, #tpu.memory_space<vmem>> -> memref<1x128xi32, #tpu.memory_space<vmem>>
      %dma_wait3A_84 = tpu.memref_squeeze %dma_wait3A_83 : memref<1x128xi32, #tpu.memory_space<vmem>> -> memref<128xi32, #tpu.memory_space<vmem>>
      %dma_wait3A_85 = arith.constant 0 : i32
      %dma_wait3A_86 = arith.constant 0 : i32
      %dma_wait3A_87 = tpu.memref_slice %arg6[%dma_wait3A_85, %dma_wait3A_86] : memref<10240x8xf32, #tpu.memory_space<vmem_shared>> -> memref<10240x8xf32, #tpu.memory_space<vmem_shared>>
      tpu.wait_indirect_dma semaphore(%arg9 : memref<!tpu.dma_semaphore, #tpu.memory_space<semaphore_mem>>) src(%arg8 : memref<128x8xf32, #tpu.memory_space<vmem>>) dst(%dma_wait3A_87 : memref<10240x8xf32, #tpu.memory_space<vmem_shared>>)
      %add3A_88 = arith.constant 1 : i32
      %add3A_89 = arith.addi %mul3A_17, %add3A_88 : i32
      %dma_wait3A_90 = arith.constant 0 : i32
      %dma_wait3A_91 = tpu.memref_slice %arg7[%add3A_89, %dma_wait3A_90] : memref<80x128xi32, #tpu.memory_space<vmem>> -> memref<1x128xi32, #tpu.memory_space<vmem>>
      %dma_wait3A_92 = tpu.memref_squeeze %dma_wait3A_91 : memref<1x128xi32, #tpu.memory_space<vmem>> -> memref<128xi32, #tpu.memory_space<vmem>>
      %dma_wait3A_93 = arith.constant 0 : i32
      %dma_wait3A_94 = arith.constant 0 : i32
      %dma_wait3A_95 = tpu.memref_slice %arg6[%dma_wait3A_93, %dma_wait3A_94] : memref<10240x8xf32, #tpu.memory_space<vmem_shared>> -> memref<10240x8xf32, #tpu.memory_space<vmem_shared>>
      tpu.wait_indirect_dma semaphore(%arg9 : memref<!tpu.dma_semaphore, #tpu.memory_space<semaphore_mem>>) src(%arg8 : memref<128x8xf32, #tpu.memory_space<vmem>>) dst(%dma_wait3A_95 : memref<10240x8xf32, #tpu.memory_space<vmem_shared>>)
      %add3A_96 = arith.constant 2 : i32
      %add3A_97 = arith.addi %mul3A_17, %add3A_96 : i32
      %dma_wait3A_98 = arith.constant 0 : i32
      %dma_wait3A_99 = tpu.memref_slice %arg7[%add3A_97, %dma_wait3A_98] : memref<80x128xi32, #tpu.memory_space<vmem>> -> memref<1x128xi32, #tpu.memory_space<vmem>>
      %dma_wait3A_100 = tpu.memref_squeeze %dma_wait3A_99 : memref<1x128xi32, #tpu.memory_space<vmem>> -> memref<128xi32, #tpu.memory_space<vmem>>
      %dma_wait3A_101 = arith.constant 0 : i32
      %dma_wait3A_102 = arith.constant 0 : i32
      %dma_wait3A_103 = tpu.memref_slice %arg6[%dma_wait3A_101, %dma_wait3A_102] : memref<10240x8xf32, #tpu.memory_space<vmem_shared>> -> memref<10240x8xf32, #tpu.memory_space<vmem_shared>>
      tpu.wait_indirect_dma semaphore(%arg9 : memref<!tpu.dma_semaphore, #tpu.memory_space<semaphore_mem>>) src(%arg8 : memref<128x8xf32, #tpu.memory_space<vmem>>) dst(%dma_wait3A_103 : memref<10240x8xf32, #tpu.memory_space<vmem_shared>>)
      %add3A_104 = arith.constant 3 : i32
      %add3A_105 = arith.addi %mul3A_17, %add3A_104 : i32
      %dma_wait3A_106 = arith.constant 0 : i32
      %dma_wait3A_107 = tpu.memref_slice %arg7[%add3A_105, %dma_wait3A_106] : memref<80x128xi32, #tpu.memory_space<vmem>> -> memref<1x128xi32, #tpu.memory_space<vmem>>
      %dma_wait3A_108 = tpu.memref_squeeze %dma_wait3A_107 : memref<1x128xi32, #tpu.memory_space<vmem>> -> memref<128xi32, #tpu.memory_space<vmem>>
      %dma_wait3A_109 = arith.constant 0 : i32
      %dma_wait3A_110 = arith.constant 0 : i32
      %dma_wait3A_111 = tpu.memref_slice %arg6[%dma_wait3A_109, %dma_wait3A_110] : memref<10240x8xf32, #tpu.memory_space<vmem_shared>> -> memref<10240x8xf32, #tpu.memory_space<vmem_shared>>
      tpu.wait_indirect_dma semaphore(%arg9 : memref<!tpu.dma_semaphore, #tpu.memory_space<semaphore_mem>>) src(%arg8 : memref<128x8xf32, #tpu.memory_space<vmem>>) dst(%dma_wait3A_111 : memref<10240x8xf32, #tpu.memory_space<vmem_shared>>)
      %add3A_112 = arith.constant 4 : i32
      %add3A_113 = arith.addi %mul3A_17, %add3A_112 : i32
      %dma_wait3A_114 = arith.constant 0 : i32
      %dma_wait3A_115 = tpu.memref_slice %arg7[%add3A_113, %dma_wait3A_114] : memref<80x128xi32, #tpu.memory_space<vmem>> -> memref<1x128xi32, #tpu.memory_space<vmem>>
      %dma_wait3A_116 = tpu.memref_squeeze %dma_wait3A_115 : memref<1x128xi32, #tpu.memory_space<vmem>> -> memref<128xi32, #tpu.memory_space<vmem>>
      %dma_wait3A_117 = arith.constant 0 : i32
      %dma_wait3A_118 = arith.constant 0 : i32
      %dma_wait3A_119 = tpu.memref_slice %arg6[%dma_wait3A_117, %dma_wait3A_118] : memref<10240x8xf32, #tpu.memory_space<vmem_shared>> -> memref<10240x8xf32, #tpu.memory_space<vmem_shared>>
      tpu.wait_indirect_dma semaphore(%arg9 : memref<!tpu.dma_semaphore, #tpu.memory_space<semaphore_mem>>) src(%arg8 : memref<128x8xf32, #tpu.memory_space<vmem>>) dst(%dma_wait3A_119 : memref<10240x8xf32, #tpu.memory_space<vmem_shared>>)
      %add3A_120 = arith.constant 5 : i32
      %add3A_121 = arith.addi %mul3A_17, %add3A_120 : i32
      %dma_wait3A_122 = arith.constant 0 : i32
      %dma_wait3A_123 = tpu.memref_slice %arg7[%add3A_121, %dma_wait3A_122] : memref<80x128xi32, #tpu.memory_space<vmem>> -> memref<1x128xi32, #tpu.memory_space<vmem>>
      %dma_wait3A_124 = tpu.memref_squeeze %dma_wait3A_123 : memref<1x128xi32, #tpu.memory_space<vmem>> -> memref<128xi32, #tpu.memory_space<vmem>>
      %dma_wait3A_125 = arith.constant 0 : i32
      %dma_wait3A_126 = arith.constant 0 : i32
      %dma_wait3A_127 = tpu.memref_slice %arg6[%dma_wait3A_125, %dma_wait3A_126] : memref<10240x8xf32, #tpu.memory_space<vmem_shared>> -> memref<10240x8xf32, #tpu.memory_space<vmem_shared>>
      tpu.wait_indirect_dma semaphore(%arg9 : memref<!tpu.dma_semaphore, #tpu.memory_space<semaphore_mem>>) src(%arg8 : memref<128x8xf32, #tpu.memory_space<vmem>>) dst(%dma_wait3A_127 : memref<10240x8xf32, #tpu.memory_space<vmem_shared>>)
      %add3A_128 = arith.constant 6 : i32
      %add3A_129 = arith.addi %mul3A_17, %add3A_128 : i32
      %dma_wait3A_130 = arith.constant 0 : i32
      %dma_wait3A_131 = tpu.memref_slice %arg7[%add3A_129, %dma_wait3A_130] : memref<80x128xi32, #tpu.memory_space<vmem>> -> memref<1x128xi32, #tpu.memory_space<vmem>>
      %dma_wait3A_132 = tpu.memref_squeeze %dma_wait3A_131 : memref<1x128xi32, #tpu.memory_space<vmem>> -> memref<128xi32, #tpu.memory_space<vmem>>
      %dma_wait3A_133 = arith.constant 0 : i32
      %dma_wait3A_134 = arith.constant 0 : i32
      %dma_wait3A_135 = tpu.memref_slice %arg6[%dma_wait3A_133, %dma_wait3A_134] : memref<10240x8xf32, #tpu.memory_space<vmem_shared>> -> memref<10240x8xf32, #tpu.memory_space<vmem_shared>>
      tpu.wait_indirect_dma semaphore(%arg9 : memref<!tpu.dma_semaphore, #tpu.memory_space<semaphore_mem>>) src(%arg8 : memref<128x8xf32, #tpu.memory_space<vmem>>) dst(%dma_wait3A_135 : memref<10240x8xf32, #tpu.memory_space<vmem_shared>>)
      %add3A_136 = arith.constant 7 : i32
      %add3A_137 = arith.addi %mul3A_17, %add3A_136 : i32
      %dma_wait3A_138 = arith.constant 0 : i32
      %dma_wait3A_139 = tpu.memref_slice %arg7[%add3A_137, %dma_wait3A_138] : memref<80x128xi32, #tpu.memory_space<vmem>> -> memref<1x128xi32, #tpu.memory_space<vmem>>
      %dma_wait3A_140 = tpu.memref_squeeze %dma_wait3A_139 : memref<1x128xi32, #tpu.memory_space<vmem>> -> memref<128xi32, #tpu.memory_space<vmem>>
      %dma_wait3A_141 = arith.constant 0 : i32
      %dma_wait3A_142 = arith.constant 0 : i32
      %dma_wait3A_143 = tpu.memref_slice %arg6[%dma_wait3A_141, %dma_wait3A_142] : memref<10240x8xf32, #tpu.memory_space<vmem_shared>> -> memref<10240x8xf32, #tpu.memory_space<vmem_shared>>
      tpu.wait_indirect_dma semaphore(%arg9 : memref<!tpu.dma_semaphore, #tpu.memory_space<semaphore_mem>>) src(%arg8 : memref<128x8xf32, #tpu.memory_space<vmem>>) dst(%dma_wait3A_143 : memref<10240x8xf32, #tpu.memory_space<vmem_shared>>)
    }
    %scan3A_9 = arith.constant 10 : i32
    %barrier3A_10 = arith.constant 0 : index
    tpu.barrier barrier_id(%barrier3A_10)
    %mul3A_11 = arith.constant 640 : i32
    %mul3A_12 = arith.muli %arg1, %mul3A_11 : i32
    %mul3A_13 = arith.constant 640 : i32
    %mul3A_14 = arith.muli %arg1, %mul3A_13 : i32
    "tpu.region"() ({
      %run_scoped3A = tpu.sem_alloc : memref<!tpu.dma_semaphore, #tpu.memory_space<semaphore_mem>>
      %dma_start3A = arith.constant 0 : i32
      %dma_start3A_15 = arith.constant 0 : i32
      %dma_start3A_16 = tpu.memref_slice %arg5[%arg0, %dma_start3A, %dma_start3A_15] : memref<2x10240x8xf32, #tpu.memory_space<hbm>> -> memref<1x10240x8xf32, #tpu.memory_space<hbm>>
      %dma_start3A_17 = tpu.memref_squeeze %dma_start3A_16 : memref<1x10240x8xf32, #tpu.memory_space<hbm>> -> memref<10240x8xf32, #tpu.memory_space<hbm>>
      %dma_start3A_18 = arith.constant 0 : i32
      %dma_start3A_19 = tpu.memref_slice %dma_start3A_17[%mul3A_14, %dma_start3A_18] : memref<10240x8xf32, #tpu.memory_space<hbm>> -> memref<640x8xf32, #tpu.memory_space<hbm>>
      %dma_start3A_20 = arith.constant 0 : i32
      %dma_start3A_21 = tpu.memref_slice %arg6[%mul3A_12, %dma_start3A_20] : memref<10240x8xf32, #tpu.memory_space<vmem_shared>> -> memref<640x8xf32, #tpu.memory_space<vmem_shared>>
      tpu.enqueue_dma source(%dma_start3A_21 : memref<640x8xf32, #tpu.memory_space<vmem_shared>>) target(%dma_start3A_19 : memref<640x8xf32, #tpu.memory_space<hbm>>) target_semaphore(%run_scoped3A : memref<!tpu.dma_semaphore, #tpu.memory_space<semaphore_mem>>)
      %dma_wait3A = arith.constant 0 : i32
      %dma_wait3A_22 = arith.constant 0 : i32
      %dma_wait3A_23 = tpu.memref_slice %arg5[%arg0, %dma_wait3A, %dma_wait3A_22] : memref<2x10240x8xf32, #tpu.memory_space<hbm>> -> memref<1x10240x8xf32, #tpu.memory_space<hbm>>
      %dma_wait3A_24 = tpu.memref_squeeze %dma_wait3A_23 : memref<1x10240x8xf32, #tpu.memory_space<hbm>> -> memref<10240x8xf32, #tpu.memory_space<hbm>>
      %dma_wait3A_25 = arith.constant 0 : i32
      %dma_wait3A_26 = tpu.memref_slice %dma_wait3A_24[%mul3A_14, %dma_wait3A_25] : memref<10240x8xf32, #tpu.memory_space<hbm>> -> memref<640x8xf32, #tpu.memory_space<hbm>>
      %dma_wait3A_27 = arith.constant 0 : i32
      %dma_wait3A_28 = tpu.memref_slice %arg6[%mul3A_12, %dma_wait3A_27] : memref<10240x8xf32, #tpu.memory_space<vmem_shared>> -> memref<640x8xf32, #tpu.memory_space<vmem_shared>>
      tpu.wait_dma2 semaphore(%run_scoped3A : memref<!tpu.dma_semaphore, #tpu.memory_space<semaphore_mem>>) src(%dma_wait3A_28 : memref<640x8xf32, #tpu.memory_space<vmem_shared>>) dst(%dma_wait3A_26 : memref<640x8xf32, #tpu.memory_space<hbm>>)
      tpu.yield
    }) : () -> ()
    return
  }
}

#map = affine_map<(d0, d1) -> (0, 0)>
#map1 = affine_map<(d0, d1) -> (0, 0, 0)>
module attributes {stable_mosaic.version = 14 : i64} {
  func.func @_segsum_body(%arg0: i32, %arg1: i32, %arg2: memref<20480x64xi16, #tpu.memory_space<hbm>>, %arg3: memref<32x160x128xi32, #tpu.memory_space<hbm>>, %arg4: memref<16x160x128xi32, #tpu.memory_space<hbm>>, %arg5: memref<10240x64xi16, #tpu.memory_space<hbm>>, %arg6: memref<2x10240x64xi16, #tpu.memory_space<hbm>>, %arg7: memref<10240x64xi16, #tpu.memory_space<vmem_shared>>, %arg8: memref<160x128xi32, #tpu.memory_space<vmem>>, %arg9: memref<160x128xi32, #tpu.memory_space<vmem>>, %arg10: memref<128x64xi16, #tpu.memory_space<vmem>>, %arg11: memref<128x64xi16, #tpu.memory_space<vmem>>, %arg12: memref<128x64xi16, #tpu.memory_space<vmem>>, %arg13: memref<128x64xi16, #tpu.memory_space<vmem>>, %arg14: memref<128x64xi16, #tpu.memory_space<vmem>>, %arg15: memref<!tpu.dma_semaphore, #tpu.memory_space<semaphore_mem>>, %arg16: memref<!tpu.dma_semaphore, #tpu.memory_space<semaphore_mem>>, %arg17: memref<!tpu.dma_semaphore, #tpu.memory_space<semaphore_mem>>, %arg18: memref<!tpu.dma_semaphore, #tpu.memory_space<semaphore_mem>>, %arg19: memref<!tpu.dma_semaphore, #tpu.memory_space<semaphore_mem>>, %arg20: memref<!tpu.dma_semaphore, #tpu.memory_space<semaphore_mem>>, %arg21: memref<!tpu.dma_semaphore, #tpu.memory_space<semaphore_mem>>, %arg22: memref<!tpu.dma_semaphore, #tpu.memory_space<semaphore_mem>>, %arg23: memref<!tpu.dma_semaphore, #tpu.memory_space<semaphore_mem>>, %arg24: memref<!tpu.dma_semaphore, #tpu.memory_space<semaphore_mem>>) attributes {dimension_semantics = [#tpu.dimension_semantics<core_parallel>, #tpu.dimension_semantics<subcore_parallel>], iteration_bounds = array<i64: 2, 16>, scalar_prefetch = 0 : i64, scratch_operands = 18 : i64, tpu.core_type = #tpu.core_type<sc_vector_subcore>, window_params = [{transform_indices = #map}, {transform_indices = #map1}, {transform_indices = #map1}, {transform_indices = #map}, {transform_indices = #map1}]} {
    %mul3A = arith.constant 16 : i32
    %mul3A_0 = arith.muli %arg0, %mul3A : i32
    %add3A = arith.addi %mul3A_0, %arg1 : i32
    %mul3A_1 = arith.constant 640 : i32
    %mul3A_2 = arith.muli %arg1, %mul3A_1 : i32
    %mul3A_3 = arith.constant 640 : i32
    %mul3A_4 = arith.muli %arg1, %mul3A_3 : i32
    "tpu.region"() ({
      %run_scoped3A = tpu.sem_alloc : memref<!tpu.dma_semaphore, #tpu.memory_space<semaphore_mem>>
      %dma_start3A_83 = arith.constant 0 : i32
      %dma_start3A_84 = tpu.memref_slice %arg7[%mul3A_4, %dma_start3A_83] : memref<10240x64xi16, #tpu.memory_space<vmem_shared>> -> memref<640x64xi16, #tpu.memory_space<vmem_shared>>
      %dma_start3A_85 = arith.constant 0 : i32
      %dma_start3A_86 = tpu.memref_slice %arg5[%mul3A_2, %dma_start3A_85] : memref<10240x64xi16, #tpu.memory_space<hbm>> -> memref<640x64xi16, #tpu.memory_space<hbm>>
      tpu.enqueue_dma source(%dma_start3A_86 : memref<640x64xi16, #tpu.memory_space<hbm>>) target(%dma_start3A_84 : memref<640x64xi16, #tpu.memory_space<vmem_shared>>) target_semaphore(%run_scoped3A : memref<!tpu.dma_semaphore, #tpu.memory_space<semaphore_mem>>)
      %dma_wait3A_87 = arith.constant 0 : i32
      %dma_wait3A_88 = tpu.memref_slice %arg7[%mul3A_4, %dma_wait3A_87] : memref<10240x64xi16, #tpu.memory_space<vmem_shared>> -> memref<640x64xi16, #tpu.memory_space<vmem_shared>>
      %dma_wait3A_89 = arith.constant 0 : i32
      %dma_wait3A_90 = tpu.memref_slice %arg5[%mul3A_2, %dma_wait3A_89] : memref<10240x64xi16, #tpu.memory_space<hbm>> -> memref<640x64xi16, #tpu.memory_space<hbm>>
      tpu.wait_dma2 semaphore(%run_scoped3A : memref<!tpu.dma_semaphore, #tpu.memory_space<semaphore_mem>>) src(%dma_wait3A_90 : memref<640x64xi16, #tpu.memory_space<hbm>>) dst(%dma_wait3A_88 : memref<640x64xi16, #tpu.memory_space<vmem_shared>>)
      tpu.yield
    }) : () -> ()
    "tpu.region"() ({
      %run_scoped3A = tpu.sem_alloc : memref<!tpu.dma_semaphore, #tpu.memory_space<semaphore_mem>>
      %dma_start3A_83 = arith.constant 0 : i32
      %dma_start3A_84 = arith.constant 0 : i32
      %dma_start3A_85 = tpu.memref_slice %arg3[%add3A, %dma_start3A_83, %dma_start3A_84] : memref<32x160x128xi32, #tpu.memory_space<hbm>> -> memref<1x160x128xi32, #tpu.memory_space<hbm>>
      %dma_start3A_86 = tpu.memref_squeeze %dma_start3A_85 : memref<1x160x128xi32, #tpu.memory_space<hbm>> -> memref<160x128xi32, #tpu.memory_space<hbm>>
      %dma_start3A_87 = arith.constant 0 : i32
      %dma_start3A_88 = arith.constant 0 : i32
      %dma_start3A_89 = tpu.memref_slice %arg3[%add3A, %dma_start3A_87, %dma_start3A_88] : memref<32x160x128xi32, #tpu.memory_space<hbm>> -> memref<1x160x128xi32, #tpu.memory_space<hbm>>
      %dma_start3A_90 = tpu.memref_squeeze %dma_start3A_89 : memref<1x160x128xi32, #tpu.memory_space<hbm>> -> memref<160x128xi32, #tpu.memory_space<hbm>>
      tpu.enqueue_dma source(%dma_start3A_90 : memref<160x128xi32, #tpu.memory_space<hbm>>) target(%arg8 : memref<160x128xi32, #tpu.memory_space<vmem>>) target_semaphore(%run_scoped3A : memref<!tpu.dma_semaphore, #tpu.memory_space<semaphore_mem>>)
      %dma_wait3A_91 = arith.constant 0 : i32
      %dma_wait3A_92 = arith.constant 0 : i32
      %dma_wait3A_93 = tpu.memref_slice %arg3[%add3A, %dma_wait3A_91, %dma_wait3A_92] : memref<32x160x128xi32, #tpu.memory_space<hbm>> -> memref<1x160x128xi32, #tpu.memory_space<hbm>>
      %dma_wait3A_94 = tpu.memref_squeeze %dma_wait3A_93 : memref<1x160x128xi32, #tpu.memory_space<hbm>> -> memref<160x128xi32, #tpu.memory_space<hbm>>
      %dma_wait3A_95 = arith.constant 0 : i32
      %dma_wait3A_96 = arith.constant 0 : i32
      %dma_wait3A_97 = tpu.memref_slice %arg3[%add3A, %dma_wait3A_95, %dma_wait3A_96] : memref<32x160x128xi32, #tpu.memory_space<hbm>> -> memref<1x160x128xi32, #tpu.memory_space<hbm>>
      %dma_wait3A_98 = tpu.memref_squeeze %dma_wait3A_97 : memref<1x160x128xi32, #tpu.memory_space<hbm>> -> memref<160x128xi32, #tpu.memory_space<hbm>>
      tpu.wait_dma2 semaphore(%run_scoped3A : memref<!tpu.dma_semaphore, #tpu.memory_space<semaphore_mem>>) src(%dma_wait3A_98 : memref<160x128xi32, #tpu.memory_space<hbm>>) dst(%arg8 : memref<160x128xi32, #tpu.memory_space<vmem>>)
      tpu.yield
    }) : () -> ()
    "tpu.region"() ({
      %run_scoped3A = tpu.sem_alloc : memref<!tpu.dma_semaphore, #tpu.memory_space<semaphore_mem>>
      %dma_start3A_83 = arith.constant 0 : i32
      %dma_start3A_84 = arith.constant 0 : i32
      %dma_start3A_85 = tpu.memref_slice %arg4[%arg1, %dma_start3A_83, %dma_start3A_84] : memref<16x160x128xi32, #tpu.memory_space<hbm>> -> memref<1x160x128xi32, #tpu.memory_space<hbm>>
      %dma_start3A_86 = tpu.memref_squeeze %dma_start3A_85 : memref<1x160x128xi32, #tpu.memory_space<hbm>> -> memref<160x128xi32, #tpu.memory_space<hbm>>
      %dma_start3A_87 = arith.constant 0 : i32
      %dma_start3A_88 = arith.constant 0 : i32
      %dma_start3A_89 = tpu.memref_slice %arg4[%arg1, %dma_start3A_87, %dma_start3A_88] : memref<16x160x128xi32, #tpu.memory_space<hbm>> -> memref<1x160x128xi32, #tpu.memory_space<hbm>>
      %dma_start3A_90 = tpu.memref_squeeze %dma_start3A_89 : memref<1x160x128xi32, #tpu.memory_space<hbm>> -> memref<160x128xi32, #tpu.memory_space<hbm>>
      tpu.enqueue_dma source(%dma_start3A_90 : memref<160x128xi32, #tpu.memory_space<hbm>>) target(%arg9 : memref<160x128xi32, #tpu.memory_space<vmem>>) target_semaphore(%run_scoped3A : memref<!tpu.dma_semaphore, #tpu.memory_space<semaphore_mem>>)
      %dma_wait3A_91 = arith.constant 0 : i32
      %dma_wait3A_92 = arith.constant 0 : i32
      %dma_wait3A_93 = tpu.memref_slice %arg4[%arg1, %dma_wait3A_91, %dma_wait3A_92] : memref<16x160x128xi32, #tpu.memory_space<hbm>> -> memref<1x160x128xi32, #tpu.memory_space<hbm>>
      %dma_wait3A_94 = tpu.memref_squeeze %dma_wait3A_93 : memref<1x160x128xi32, #tpu.memory_space<hbm>> -> memref<160x128xi32, #tpu.memory_space<hbm>>
      %dma_wait3A_95 = arith.constant 0 : i32
      %dma_wait3A_96 = arith.constant 0 : i32
      %dma_wait3A_97 = tpu.memref_slice %arg4[%arg1, %dma_wait3A_95, %dma_wait3A_96] : memref<16x160x128xi32, #tpu.memory_space<hbm>> -> memref<1x160x128xi32, #tpu.memory_space<hbm>>
      %dma_wait3A_98 = tpu.memref_squeeze %dma_wait3A_97 : memref<1x160x128xi32, #tpu.memory_space<hbm>> -> memref<160x128xi32, #tpu.memory_space<hbm>>
      tpu.wait_dma2 semaphore(%run_scoped3A : memref<!tpu.dma_semaphore, #tpu.memory_space<semaphore_mem>>) src(%dma_wait3A_98 : memref<160x128xi32, #tpu.memory_space<hbm>>) dst(%arg9 : memref<160x128xi32, #tpu.memory_space<vmem>>)
      tpu.yield
    }) : () -> ()
    %barrier3A = arith.constant 0 : index
    tpu.barrier barrier_id(%barrier3A)
    %dma_start3A = arith.constant 0 : i32
    %dma_start3A_5 = arith.constant 0 : i32
    %dma_start3A_6 = tpu.memref_slice %arg8[%dma_start3A, %dma_start3A_5] : memref<160x128xi32, #tpu.memory_space<vmem>> -> memref<1x128xi32, #tpu.memory_space<vmem>>
    %dma_start3A_7 = tpu.memref_squeeze %dma_start3A_6 : memref<1x128xi32, #tpu.memory_space<vmem>> -> memref<128xi32, #tpu.memory_space<vmem>>
    %dma_start3A_8 = arith.constant 0 : i32
    %dma_start3A_9 = arith.constant 0 : i32
    %dma_start3A_10 = tpu.memref_slice %arg2[%dma_start3A_8, %dma_start3A_9] : memref<20480x64xi16, #tpu.memory_space<hbm>> -> memref<20480x64xi16, #tpu.memory_space<hbm>>
    tpu.enqueue_indirect_dma source(%dma_start3A_10 : memref<20480x64xi16, #tpu.memory_space<hbm>>) target(%arg10 : memref<128x64xi16, #tpu.memory_space<vmem>>) offsets(%dma_start3A_7 : memref<128xi32, #tpu.memory_space<vmem>>) semaphore(%arg15 : memref<!tpu.dma_semaphore, #tpu.memory_space<semaphore_mem>>)
    %dma_start3A_11 = arith.constant 1 : i32
    %dma_start3A_12 = arith.constant 0 : i32
    %dma_start3A_13 = tpu.memref_slice %arg8[%dma_start3A_11, %dma_start3A_12] : memref<160x128xi32, #tpu.memory_space<vmem>> -> memref<1x128xi32, #tpu.memory_space<vmem>>
    %dma_start3A_14 = tpu.memref_squeeze %dma_start3A_13 : memref<1x128xi32, #tpu.memory_space<vmem>> -> memref<128xi32, #tpu.memory_space<vmem>>
    %dma_start3A_15 = arith.constant 0 : i32
    %dma_start3A_16 = arith.constant 0 : i32
    %dma_start3A_17 = tpu.memref_slice %arg2[%dma_start3A_15, %dma_start3A_16] : memref<20480x64xi16, #tpu.memory_space<hbm>> -> memref<20480x64xi16, #tpu.memory_space<hbm>>
    tpu.enqueue_indirect_dma source(%dma_start3A_17 : memref<20480x64xi16, #tpu.memory_space<hbm>>) target(%arg11 : memref<128x64xi16, #tpu.memory_space<vmem>>) offsets(%dma_start3A_14 : memref<128xi32, #tpu.memory_space<vmem>>) semaphore(%arg16 : memref<!tpu.dma_semaphore, #tpu.memory_space<semaphore_mem>>)
    %dma_start3A_18 = arith.constant 2 : i32
    %dma_start3A_19 = arith.constant 0 : i32
    %dma_start3A_20 = tpu.memref_slice %arg8[%dma_start3A_18, %dma_start3A_19] : memref<160x128xi32, #tpu.memory_space<vmem>> -> memref<1x128xi32, #tpu.memory_space<vmem>>
    %dma_start3A_21 = tpu.memref_squeeze %dma_start3A_20 : memref<1x128xi32, #tpu.memory_space<vmem>> -> memref<128xi32, #tpu.memory_space<vmem>>
    %dma_start3A_22 = arith.constant 0 : i32
    %dma_start3A_23 = arith.constant 0 : i32
    %dma_start3A_24 = tpu.memref_slice %arg2[%dma_start3A_22, %dma_start3A_23] : memref<20480x64xi16, #tpu.memory_space<hbm>> -> memref<20480x64xi16, #tpu.memory_space<hbm>>
    tpu.enqueue_indirect_dma source(%dma_start3A_24 : memref<20480x64xi16, #tpu.memory_space<hbm>>) target(%arg12 : memref<128x64xi16, #tpu.memory_space<vmem>>) offsets(%dma_start3A_21 : memref<128xi32, #tpu.memory_space<vmem>>) semaphore(%arg17 : memref<!tpu.dma_semaphore, #tpu.memory_space<semaphore_mem>>)
    %dma_start3A_25 = arith.constant 3 : i32
    %dma_start3A_26 = arith.constant 0 : i32
    %dma_start3A_27 = tpu.memref_slice %arg8[%dma_start3A_25, %dma_start3A_26] : memref<160x128xi32, #tpu.memory_space<vmem>> -> memref<1x128xi32, #tpu.memory_space<vmem>>
    %dma_start3A_28 = tpu.memref_squeeze %dma_start3A_27 : memref<1x128xi32, #tpu.memory_space<vmem>> -> memref<128xi32, #tpu.memory_space<vmem>>
    %dma_start3A_29 = arith.constant 0 : i32
    %dma_start3A_30 = arith.constant 0 : i32
    %dma_start3A_31 = tpu.memref_slice %arg2[%dma_start3A_29, %dma_start3A_30] : memref<20480x64xi16, #tpu.memory_space<hbm>> -> memref<20480x64xi16, #tpu.memory_space<hbm>>
    tpu.enqueue_indirect_dma source(%dma_start3A_31 : memref<20480x64xi16, #tpu.memory_space<hbm>>) target(%arg13 : memref<128x64xi16, #tpu.memory_space<vmem>>) offsets(%dma_start3A_28 : memref<128xi32, #tpu.memory_space<vmem>>) semaphore(%arg18 : memref<!tpu.dma_semaphore, #tpu.memory_space<semaphore_mem>>)
    %dma_start3A_32 = arith.constant 4 : i32
    %dma_start3A_33 = arith.constant 0 : i32
    %dma_start3A_34 = tpu.memref_slice %arg8[%dma_start3A_32, %dma_start3A_33] : memref<160x128xi32, #tpu.memory_space<vmem>> -> memref<1x128xi32, #tpu.memory_space<vmem>>
    %dma_start3A_35 = tpu.memref_squeeze %dma_start3A_34 : memref<1x128xi32, #tpu.memory_space<vmem>> -> memref<128xi32, #tpu.memory_space<vmem>>
    %dma_start3A_36 = arith.constant 0 : i32
    %dma_start3A_37 = arith.constant 0 : i32
    %dma_start3A_38 = tpu.memref_slice %arg2[%dma_start3A_36, %dma_start3A_37] : memref<20480x64xi16, #tpu.memory_space<hbm>> -> memref<20480x64xi16, #tpu.memory_space<hbm>>
    tpu.enqueue_indirect_dma source(%dma_start3A_38 : memref<20480x64xi16, #tpu.memory_space<hbm>>) target(%arg14 : memref<128x64xi16, #tpu.memory_space<vmem>>) offsets(%dma_start3A_35 : memref<128xi32, #tpu.memory_space<vmem>>) semaphore(%arg19 : memref<!tpu.dma_semaphore, #tpu.memory_space<semaphore_mem>>)
    %scan3A = arith.constant 0 : i32
    %scan3A_39 = arith.constant 0 : i32
    %scan3A_40 = arith.constant 32 : i32
    %scan3A_41 = arith.addi %scan3A_39, %scan3A_40 : i32
    %scan3A_42 = arith.constant 1 : i32
    scf.for %scan3A_83 = %scan3A_39 to %scan3A_41 step %scan3A_42  : i32 {
      %mul3A_84 = arith.constant 5 : i32
      %mul3A_85 = arith.muli %mul3A_84, %scan3A_83 : i32
      %add3A_86 = arith.constant 0 : i32
      %add3A_87 = arith.addi %mul3A_85, %add3A_86 : i32
      %dma_wait3A_88 = arith.constant 0 : i32
      %dma_wait3A_89 = tpu.memref_slice %arg8[%add3A_87, %dma_wait3A_88] : memref<160x128xi32, #tpu.memory_space<vmem>> -> memref<1x128xi32, #tpu.memory_space<vmem>>
      %dma_wait3A_90 = tpu.memref_squeeze %dma_wait3A_89 : memref<1x128xi32, #tpu.memory_space<vmem>> -> memref<128xi32, #tpu.memory_space<vmem>>
      %dma_wait3A_91 = arith.constant 0 : i32
      %dma_wait3A_92 = arith.constant 0 : i32
      %dma_wait3A_93 = tpu.memref_slice %arg2[%dma_wait3A_91, %dma_wait3A_92] : memref<20480x64xi16, #tpu.memory_space<hbm>> -> memref<20480x64xi16, #tpu.memory_space<hbm>>
      tpu.wait_indirect_dma semaphore(%arg15 : memref<!tpu.dma_semaphore, #tpu.memory_space<semaphore_mem>>) src(%dma_wait3A_93 : memref<20480x64xi16, #tpu.memory_space<hbm>>) dst(%arg10 : memref<128x64xi16, #tpu.memory_space<vmem>>)
      %add3A_94 = arith.constant 0 : i32
      %add3A_95 = arith.addi %mul3A_85, %add3A_94 : i32
      %dma_start3A_96 = arith.constant 0 : i32
      %dma_start3A_97 = tpu.memref_slice %arg9[%add3A_95, %dma_start3A_96] : memref<160x128xi32, #tpu.memory_space<vmem>> -> memref<1x128xi32, #tpu.memory_space<vmem>>
      %dma_start3A_98 = tpu.memref_squeeze %dma_start3A_97 : memref<1x128xi32, #tpu.memory_space<vmem>> -> memref<128xi32, #tpu.memory_space<vmem>>
      %dma_start3A_99 = arith.constant 0 : i32
      %dma_start3A_100 = arith.constant 0 : i32
      %dma_start3A_101 = tpu.memref_slice %arg7[%dma_start3A_99, %dma_start3A_100] : memref<10240x64xi16, #tpu.memory_space<vmem_shared>> -> memref<10240x64xi16, #tpu.memory_space<vmem_shared>>
      tpu.enqueue_indirect_dma source(%arg10 : memref<128x64xi16, #tpu.memory_space<vmem>>) target(%dma_start3A_101 : memref<10240x64xi16, #tpu.memory_space<vmem_shared>>) offsets(%dma_start3A_98 : memref<128xi32, #tpu.memory_space<vmem>>) semaphore(%arg20 : memref<!tpu.dma_semaphore, #tpu.memory_space<semaphore_mem>>) {add = true}
      %add3A_102 = arith.constant 1 : i32
      %add3A_103 = arith.addi %mul3A_85, %add3A_102 : i32
      %dma_wait3A_104 = arith.constant 0 : i32
      %dma_wait3A_105 = tpu.memref_slice %arg8[%add3A_103, %dma_wait3A_104] : memref<160x128xi32, #tpu.memory_space<vmem>> -> memref<1x128xi32, #tpu.memory_space<vmem>>
      %dma_wait3A_106 = tpu.memref_squeeze %dma_wait3A_105 : memref<1x128xi32, #tpu.memory_space<vmem>> -> memref<128xi32, #tpu.memory_space<vmem>>
      %dma_wait3A_107 = arith.constant 0 : i32
      %dma_wait3A_108 = arith.constant 0 : i32
      %dma_wait3A_109 = tpu.memref_slice %arg2[%dma_wait3A_107, %dma_wait3A_108] : memref<20480x64xi16, #tpu.memory_space<hbm>> -> memref<20480x64xi16, #tpu.memory_space<hbm>>
      tpu.wait_indirect_dma semaphore(%arg16 : memref<!tpu.dma_semaphore, #tpu.memory_space<semaphore_mem>>) src(%dma_wait3A_109 : memref<20480x64xi16, #tpu.memory_space<hbm>>) dst(%arg11 : memref<128x64xi16, #tpu.memory_space<vmem>>)
      %add3A_110 = arith.constant 1 : i32
      %add3A_111 = arith.addi %mul3A_85, %add3A_110 : i32
      %dma_start3A_112 = arith.constant 0 : i32
      %dma_start3A_113 = tpu.memref_slice %arg9[%add3A_111, %dma_start3A_112] : memref<160x128xi32, #tpu.memory_space<vmem>> -> memref<1x128xi32, #tpu.memory_space<vmem>>
      %dma_start3A_114 = tpu.memref_squeeze %dma_start3A_113 : memref<1x128xi32, #tpu.memory_space<vmem>> -> memref<128xi32, #tpu.memory_space<vmem>>
      %dma_start3A_115 = arith.constant 0 : i32
      %dma_start3A_116 = arith.constant 0 : i32
      %dma_start3A_117 = tpu.memref_slice %arg7[%dma_start3A_115, %dma_start3A_116] : memref<10240x64xi16, #tpu.memory_space<vmem_shared>> -> memref<10240x64xi16, #tpu.memory_space<vmem_shared>>
      tpu.enqueue_indirect_dma source(%arg11 : memref<128x64xi16, #tpu.memory_space<vmem>>) target(%dma_start3A_117 : memref<10240x64xi16, #tpu.memory_space<vmem_shared>>) offsets(%dma_start3A_114 : memref<128xi32, #tpu.memory_space<vmem>>) semaphore(%arg21 : memref<!tpu.dma_semaphore, #tpu.memory_space<semaphore_mem>>) {add = true}
      %add3A_118 = arith.constant 2 : i32
      %add3A_119 = arith.addi %mul3A_85, %add3A_118 : i32
      %dma_wait3A_120 = arith.constant 0 : i32
      %dma_wait3A_121 = tpu.memref_slice %arg8[%add3A_119, %dma_wait3A_120] : memref<160x128xi32, #tpu.memory_space<vmem>> -> memref<1x128xi32, #tpu.memory_space<vmem>>
      %dma_wait3A_122 = tpu.memref_squeeze %dma_wait3A_121 : memref<1x128xi32, #tpu.memory_space<vmem>> -> memref<128xi32, #tpu.memory_space<vmem>>
      %dma_wait3A_123 = arith.constant 0 : i32
      %dma_wait3A_124 = arith.constant 0 : i32
      %dma_wait3A_125 = tpu.memref_slice %arg2[%dma_wait3A_123, %dma_wait3A_124] : memref<20480x64xi16, #tpu.memory_space<hbm>> -> memref<20480x64xi16, #tpu.memory_space<hbm>>
      tpu.wait_indirect_dma semaphore(%arg17 : memref<!tpu.dma_semaphore, #tpu.memory_space<semaphore_mem>>) src(%dma_wait3A_125 : memref<20480x64xi16, #tpu.memory_space<hbm>>) dst(%arg12 : memref<128x64xi16, #tpu.memory_space<vmem>>)
      %add3A_126 = arith.constant 2 : i32
      %add3A_127 = arith.addi %mul3A_85, %add3A_126 : i32
      %dma_start3A_128 = arith.constant 0 : i32
      %dma_start3A_129 = tpu.memref_slice %arg9[%add3A_127, %dma_start3A_128] : memref<160x128xi32, #tpu.memory_space<vmem>> -> memref<1x128xi32, #tpu.memory_space<vmem>>
      %dma_start3A_130 = tpu.memref_squeeze %dma_start3A_129 : memref<1x128xi32, #tpu.memory_space<vmem>> -> memref<128xi32, #tpu.memory_space<vmem>>
      %dma_start3A_131 = arith.constant 0 : i32
      %dma_start3A_132 = arith.constant 0 : i32
      %dma_start3A_133 = tpu.memref_slice %arg7[%dma_start3A_131, %dma_start3A_132] : memref<10240x64xi16, #tpu.memory_space<vmem_shared>> -> memref<10240x64xi16, #tpu.memory_space<vmem_shared>>
      tpu.enqueue_indirect_dma source(%arg12 : memref<128x64xi16, #tpu.memory_space<vmem>>) target(%dma_start3A_133 : memref<10240x64xi16, #tpu.memory_space<vmem_shared>>) offsets(%dma_start3A_130 : memref<128xi32, #tpu.memory_space<vmem>>) semaphore(%arg22 : memref<!tpu.dma_semaphore, #tpu.memory_space<semaphore_mem>>) {add = true}
      %add3A_134 = arith.constant 3 : i32
      %add3A_135 = arith.addi %mul3A_85, %add3A_134 : i32
      %dma_wait3A_136 = arith.constant 0 : i32
      %dma_wait3A_137 = tpu.memref_slice %arg8[%add3A_135, %dma_wait3A_136] : memref<160x128xi32, #tpu.memory_space<vmem>> -> memref<1x128xi32, #tpu.memory_space<vmem>>
      %dma_wait3A_138 = tpu.memref_squeeze %dma_wait3A_137 : memref<1x128xi32, #tpu.memory_space<vmem>> -> memref<128xi32, #tpu.memory_space<vmem>>
      %dma_wait3A_139 = arith.constant 0 : i32
      %dma_wait3A_140 = arith.constant 0 : i32
      %dma_wait3A_141 = tpu.memref_slice %arg2[%dma_wait3A_139, %dma_wait3A_140] : memref<20480x64xi16, #tpu.memory_space<hbm>> -> memref<20480x64xi16, #tpu.memory_space<hbm>>
      tpu.wait_indirect_dma semaphore(%arg18 : memref<!tpu.dma_semaphore, #tpu.memory_space<semaphore_mem>>) src(%dma_wait3A_141 : memref<20480x64xi16, #tpu.memory_space<hbm>>) dst(%arg13 : memref<128x64xi16, #tpu.memory_space<vmem>>)
      %add3A_142 = arith.constant 3 : i32
      %add3A_143 = arith.addi %mul3A_85, %add3A_142 : i32
      %dma_start3A_144 = arith.constant 0 : i32
      %dma_start3A_145 = tpu.memref_slice %arg9[%add3A_143, %dma_start3A_144] : memref<160x128xi32, #tpu.memory_space<vmem>> -> memref<1x128xi32, #tpu.memory_space<vmem>>
      %dma_start3A_146 = tpu.memref_squeeze %dma_start3A_145 : memref<1x128xi32, #tpu.memory_space<vmem>> -> memref<128xi32, #tpu.memory_space<vmem>>
      %dma_start3A_147 = arith.constant 0 : i32
      %dma_start3A_148 = arith.constant 0 : i32
      %dma_start3A_149 = tpu.memref_slice %arg7[%dma_start3A_147, %dma_start3A_148] : memref<10240x64xi16, #tpu.memory_space<vmem_shared>> -> memref<10240x64xi16, #tpu.memory_space<vmem_shared>>
      tpu.enqueue_indirect_dma source(%arg13 : memref<128x64xi16, #tpu.memory_space<vmem>>) target(%dma_start3A_149 : memref<10240x64xi16, #tpu.memory_space<vmem_shared>>) offsets(%dma_start3A_146 : memref<128xi32, #tpu.memory_space<vmem>>) semaphore(%arg23 : memref<!tpu.dma_semaphore, #tpu.memory_space<semaphore_mem>>) {add = true}
      %add3A_150 = arith.constant 4 : i32
      %add3A_151 = arith.addi %mul3A_85, %add3A_150 : i32
      %dma_wait3A_152 = arith.constant 0 : i32
      %dma_wait3A_153 = tpu.memref_slice %arg8[%add3A_151, %dma_wait3A_152] : memref<160x128xi32, #tpu.memory_space<vmem>> -> memref<1x128xi32, #tpu.memory_space<vmem>>
      %dma_wait3A_154 = tpu.memref_squeeze %dma_wait3A_153 : memref<1x128xi32, #tpu.memory_space<vmem>> -> memref<128xi32, #tpu.memory_space<vmem>>
      %dma_wait3A_155 = arith.constant 0 : i32
      %dma_wait3A_156 = arith.constant 0 : i32
      %dma_wait3A_157 = tpu.memref_slice %arg2[%dma_wait3A_155, %dma_wait3A_156] : memref<20480x64xi16, #tpu.memory_space<hbm>> -> memref<20480x64xi16, #tpu.memory_space<hbm>>
      tpu.wait_indirect_dma semaphore(%arg19 : memref<!tpu.dma_semaphore, #tpu.memory_space<semaphore_mem>>) src(%dma_wait3A_157 : memref<20480x64xi16, #tpu.memory_space<hbm>>) dst(%arg14 : memref<128x64xi16, #tpu.memory_space<vmem>>)
      %add3A_158 = arith.constant 4 : i32
      %add3A_159 = arith.addi %mul3A_85, %add3A_158 : i32
      %dma_start3A_160 = arith.constant 0 : i32
      %dma_start3A_161 = tpu.memref_slice %arg9[%add3A_159, %dma_start3A_160] : memref<160x128xi32, #tpu.memory_space<vmem>> -> memref<1x128xi32, #tpu.memory_space<vmem>>
      %dma_start3A_162 = tpu.memref_squeeze %dma_start3A_161 : memref<1x128xi32, #tpu.memory_space<vmem>> -> memref<128xi32, #tpu.memory_space<vmem>>
      %dma_start3A_163 = arith.constant 0 : i32
      %dma_start3A_164 = arith.constant 0 : i32
      %dma_start3A_165 = tpu.memref_slice %arg7[%dma_start3A_163, %dma_start3A_164] : memref<10240x64xi16, #tpu.memory_space<vmem_shared>> -> memref<10240x64xi16, #tpu.memory_space<vmem_shared>>
      tpu.enqueue_indirect_dma source(%arg14 : memref<128x64xi16, #tpu.memory_space<vmem>>) target(%dma_start3A_165 : memref<10240x64xi16, #tpu.memory_space<vmem_shared>>) offsets(%dma_start3A_162 : memref<128xi32, #tpu.memory_space<vmem>>) semaphore(%arg24 : memref<!tpu.dma_semaphore, #tpu.memory_space<semaphore_mem>>) {add = true}
      %add3A_166 = arith.constant 0 : i32
      %add3A_167 = arith.addi %mul3A_85, %add3A_166 : i32
      %add3A_168 = arith.constant 5 : i32
      %add3A_169 = arith.addi %add3A_167, %add3A_168 : i32
      %lt3A = arith.constant 160 : i32
      %lt3A_170 = arith.cmpi slt, %add3A_169, %lt3A : i32
      %convert_element_type3A = arith.extui %lt3A_170 : i1 to i32
      %cond3A = arith.constant 0 : i32
      %cond3A_171 = arith.cmpi ne, %convert_element_type3A, %cond3A : i32
      scf.if %cond3A_171 {
        %add3A_208 = arith.constant 0 : i32
        %add3A_209 = arith.addi %mul3A_85, %add3A_208 : i32
        %dma_wait3A_210 = arith.constant 0 : i32
        %dma_wait3A_211 = tpu.memref_slice %arg9[%add3A_209, %dma_wait3A_210] : memref<160x128xi32, #tpu.memory_space<vmem>> -> memref<1x128xi32, #tpu.memory_space<vmem>>
        %dma_wait3A_212 = tpu.memref_squeeze %dma_wait3A_211 : memref<1x128xi32, #tpu.memory_space<vmem>> -> memref<128xi32, #tpu.memory_space<vmem>>
        %dma_wait3A_213 = arith.constant 0 : i32
        %dma_wait3A_214 = arith.constant 0 : i32
        %dma_wait3A_215 = tpu.memref_slice %arg7[%dma_wait3A_213, %dma_wait3A_214] : memref<10240x64xi16, #tpu.memory_space<vmem_shared>> -> memref<10240x64xi16, #tpu.memory_space<vmem_shared>>
        tpu.wait_indirect_dma semaphore(%arg20 : memref<!tpu.dma_semaphore, #tpu.memory_space<semaphore_mem>>) src(%arg10 : memref<128x64xi16, #tpu.memory_space<vmem>>) dst(%dma_wait3A_215 : memref<10240x64xi16, #tpu.memory_space<vmem_shared>>)
        %add3A_216 = arith.constant 0 : i32
        %add3A_217 = arith.addi %mul3A_85, %add3A_216 : i32
        %add3A_218 = arith.constant 5 : i32
        %add3A_219 = arith.addi %add3A_217, %add3A_218 : i32
        %dma_start3A_220 = arith.constant 0 : i32
        %dma_start3A_221 = tpu.memref_slice %arg8[%add3A_219, %dma_start3A_220] : memref<160x128xi32, #tpu.memory_space<vmem>> -> memref<1x128xi32, #tpu.memory_space<vmem>>
        %dma_start3A_222 = tpu.memref_squeeze %dma_start3A_221 : memref<1x128xi32, #tpu.memory_space<vmem>> -> memref<128xi32, #tpu.memory_space<vmem>>
        %dma_start3A_223 = arith.constant 0 : i32
        %dma_start3A_224 = arith.constant 0 : i32
        %dma_start3A_225 = tpu.memref_slice %arg2[%dma_start3A_223, %dma_start3A_224] : memref<20480x64xi16, #tpu.memory_space<hbm>> -> memref<20480x64xi16, #tpu.memory_space<hbm>>
        tpu.enqueue_indirect_dma source(%dma_start3A_225 : memref<20480x64xi16, #tpu.memory_space<hbm>>) target(%arg10 : memref<128x64xi16, #tpu.memory_space<vmem>>) offsets(%dma_start3A_222 : memref<128xi32, #tpu.memory_space<vmem>>) semaphore(%arg15 : memref<!tpu.dma_semaphore, #tpu.memory_space<semaphore_mem>>)
      } else {
      }
      %add3A_172 = arith.constant 1 : i32
      %add3A_173 = arith.addi %mul3A_85, %add3A_172 : i32
      %add3A_174 = arith.constant 5 : i32
      %add3A_175 = arith.addi %add3A_173, %add3A_174 : i32
      %lt3A_176 = arith.constant 160 : i32
      %lt3A_177 = arith.cmpi slt, %add3A_175, %lt3A_176 : i32
      %convert_element_type3A_178 = arith.extui %lt3A_177 : i1 to i32
      %cond3A_179 = arith.constant 0 : i32
      %cond3A_180 = arith.cmpi ne, %convert_element_type3A_178, %cond3A_179 : i32
      scf.if %cond3A_180 {
        %add3A_208 = arith.constant 1 : i32
        %add3A_209 = arith.addi %mul3A_85, %add3A_208 : i32
        %dma_wait3A_210 = arith.constant 0 : i32
        %dma_wait3A_211 = tpu.memref_slice %arg9[%add3A_209, %dma_wait3A_210] : memref<160x128xi32, #tpu.memory_space<vmem>> -> memref<1x128xi32, #tpu.memory_space<vmem>>
        %dma_wait3A_212 = tpu.memref_squeeze %dma_wait3A_211 : memref<1x128xi32, #tpu.memory_space<vmem>> -> memref<128xi32, #tpu.memory_space<vmem>>
        %dma_wait3A_213 = arith.constant 0 : i32
        %dma_wait3A_214 = arith.constant 0 : i32
        %dma_wait3A_215 = tpu.memref_slice %arg7[%dma_wait3A_213, %dma_wait3A_214] : memref<10240x64xi16, #tpu.memory_space<vmem_shared>> -> memref<10240x64xi16, #tpu.memory_space<vmem_shared>>
        tpu.wait_indirect_dma semaphore(%arg21 : memref<!tpu.dma_semaphore, #tpu.memory_space<semaphore_mem>>) src(%arg11 : memref<128x64xi16, #tpu.memory_space<vmem>>) dst(%dma_wait3A_215 : memref<10240x64xi16, #tpu.memory_space<vmem_shared>>)
        %add3A_216 = arith.constant 1 : i32
        %add3A_217 = arith.addi %mul3A_85, %add3A_216 : i32
        %add3A_218 = arith.constant 5 : i32
        %add3A_219 = arith.addi %add3A_217, %add3A_218 : i32
        %dma_start3A_220 = arith.constant 0 : i32
        %dma_start3A_221 = tpu.memref_slice %arg8[%add3A_219, %dma_start3A_220] : memref<160x128xi32, #tpu.memory_space<vmem>> -> memref<1x128xi32, #tpu.memory_space<vmem>>
        %dma_start3A_222 = tpu.memref_squeeze %dma_start3A_221 : memref<1x128xi32, #tpu.memory_space<vmem>> -> memref<128xi32, #tpu.memory_space<vmem>>
        %dma_start3A_223 = arith.constant 0 : i32
        %dma_start3A_224 = arith.constant 0 : i32
        %dma_start3A_225 = tpu.memref_slice %arg2[%dma_start3A_223, %dma_start3A_224] : memref<20480x64xi16, #tpu.memory_space<hbm>> -> memref<20480x64xi16, #tpu.memory_space<hbm>>
        tpu.enqueue_indirect_dma source(%dma_start3A_225 : memref<20480x64xi16, #tpu.memory_space<hbm>>) target(%arg11 : memref<128x64xi16, #tpu.memory_space<vmem>>) offsets(%dma_start3A_222 : memref<128xi32, #tpu.memory_space<vmem>>) semaphore(%arg16 : memref<!tpu.dma_semaphore, #tpu.memory_space<semaphore_mem>>)
      } else {
      }
      %add3A_181 = arith.constant 2 : i32
      %add3A_182 = arith.addi %mul3A_85, %add3A_181 : i32
      %add3A_183 = arith.constant 5 : i32
      %add3A_184 = arith.addi %add3A_182, %add3A_183 : i32
      %lt3A_185 = arith.constant 160 : i32
      %lt3A_186 = arith.cmpi slt, %add3A_184, %lt3A_185 : i32
      %convert_element_type3A_187 = arith.extui %lt3A_186 : i1 to i32
      %cond3A_188 = arith.constant 0 : i32
      %cond3A_189 = arith.cmpi ne, %convert_element_type3A_187, %cond3A_188 : i32
      scf.if %cond3A_189 {
        %add3A_208 = arith.constant 2 : i32
        %add3A_209 = arith.addi %mul3A_85, %add3A_208 : i32
        %dma_wait3A_210 = arith.constant 0 : i32
        %dma_wait3A_211 = tpu.memref_slice %arg9[%add3A_209, %dma_wait3A_210] : memref<160x128xi32, #tpu.memory_space<vmem>> -> memref<1x128xi32, #tpu.memory_space<vmem>>
        %dma_wait3A_212 = tpu.memref_squeeze %dma_wait3A_211 : memref<1x128xi32, #tpu.memory_space<vmem>> -> memref<128xi32, #tpu.memory_space<vmem>>
        %dma_wait3A_213 = arith.constant 0 : i32
        %dma_wait3A_214 = arith.constant 0 : i32
        %dma_wait3A_215 = tpu.memref_slice %arg7[%dma_wait3A_213, %dma_wait3A_214] : memref<10240x64xi16, #tpu.memory_space<vmem_shared>> -> memref<10240x64xi16, #tpu.memory_space<vmem_shared>>
        tpu.wait_indirect_dma semaphore(%arg22 : memref<!tpu.dma_semaphore, #tpu.memory_space<semaphore_mem>>) src(%arg12 : memref<128x64xi16, #tpu.memory_space<vmem>>) dst(%dma_wait3A_215 : memref<10240x64xi16, #tpu.memory_space<vmem_shared>>)
        %add3A_216 = arith.constant 2 : i32
        %add3A_217 = arith.addi %mul3A_85, %add3A_216 : i32
        %add3A_218 = arith.constant 5 : i32
        %add3A_219 = arith.addi %add3A_217, %add3A_218 : i32
        %dma_start3A_220 = arith.constant 0 : i32
        %dma_start3A_221 = tpu.memref_slice %arg8[%add3A_219, %dma_start3A_220] : memref<160x128xi32, #tpu.memory_space<vmem>> -> memref<1x128xi32, #tpu.memory_space<vmem>>
        %dma_start3A_222 = tpu.memref_squeeze %dma_start3A_221 : memref<1x128xi32, #tpu.memory_space<vmem>> -> memref<128xi32, #tpu.memory_space<vmem>>
        %dma_start3A_223 = arith.constant 0 : i32
        %dma_start3A_224 = arith.constant 0 : i32
        %dma_start3A_225 = tpu.memref_slice %arg2[%dma_start3A_223, %dma_start3A_224] : memref<20480x64xi16, #tpu.memory_space<hbm>> -> memref<20480x64xi16, #tpu.memory_space<hbm>>
        tpu.enqueue_indirect_dma source(%dma_start3A_225 : memref<20480x64xi16, #tpu.memory_space<hbm>>) target(%arg12 : memref<128x64xi16, #tpu.memory_space<vmem>>) offsets(%dma_start3A_222 : memref<128xi32, #tpu.memory_space<vmem>>) semaphore(%arg17 : memref<!tpu.dma_semaphore, #tpu.memory_space<semaphore_mem>>)
      } else {
      }
      %add3A_190 = arith.constant 3 : i32
      %add3A_191 = arith.addi %mul3A_85, %add3A_190 : i32
      %add3A_192 = arith.constant 5 : i32
      %add3A_193 = arith.addi %add3A_191, %add3A_192 : i32
      %lt3A_194 = arith.constant 160 : i32
      %lt3A_195 = arith.cmpi slt, %add3A_193, %lt3A_194 : i32
      %convert_element_type3A_196 = arith.extui %lt3A_195 : i1 to i32
      %cond3A_197 = arith.constant 0 : i32
      %cond3A_198 = arith.cmpi ne, %convert_element_type3A_196, %cond3A_197 : i32
      scf.if %cond3A_198 {
        %add3A_208 = arith.constant 3 : i32
        %add3A_209 = arith.addi %mul3A_85, %add3A_208 : i32
        %dma_wait3A_210 = arith.constant 0 : i32
        %dma_wait3A_211 = tpu.memref_slice %arg9[%add3A_209, %dma_wait3A_210] : memref<160x128xi32, #tpu.memory_space<vmem>> -> memref<1x128xi32, #tpu.memory_space<vmem>>
        %dma_wait3A_212 = tpu.memref_squeeze %dma_wait3A_211 : memref<1x128xi32, #tpu.memory_space<vmem>> -> memref<128xi32, #tpu.memory_space<vmem>>
        %dma_wait3A_213 = arith.constant 0 : i32
        %dma_wait3A_214 = arith.constant 0 : i32
        %dma_wait3A_215 = tpu.memref_slice %arg7[%dma_wait3A_213, %dma_wait3A_214] : memref<10240x64xi16, #tpu.memory_space<vmem_shared>> -> memref<10240x64xi16, #tpu.memory_space<vmem_shared>>
        tpu.wait_indirect_dma semaphore(%arg23 : memref<!tpu.dma_semaphore, #tpu.memory_space<semaphore_mem>>) src(%arg13 : memref<128x64xi16, #tpu.memory_space<vmem>>) dst(%dma_wait3A_215 : memref<10240x64xi16, #tpu.memory_space<vmem_shared>>)
        %add3A_216 = arith.constant 3 : i32
        %add3A_217 = arith.addi %mul3A_85, %add3A_216 : i32
        %add3A_218 = arith.constant 5 : i32
        %add3A_219 = arith.addi %add3A_217, %add3A_218 : i32
        %dma_start3A_220 = arith.constant 0 : i32
        %dma_start3A_221 = tpu.memref_slice %arg8[%add3A_219, %dma_start3A_220] : memref<160x128xi32, #tpu.memory_space<vmem>> -> memref<1x128xi32, #tpu.memory_space<vmem>>
        %dma_start3A_222 = tpu.memref_squeeze %dma_start3A_221 : memref<1x128xi32, #tpu.memory_space<vmem>> -> memref<128xi32, #tpu.memory_space<vmem>>
        %dma_start3A_223 = arith.constant 0 : i32
        %dma_start3A_224 = arith.constant 0 : i32
        %dma_start3A_225 = tpu.memref_slice %arg2[%dma_start3A_223, %dma_start3A_224] : memref<20480x64xi16, #tpu.memory_space<hbm>> -> memref<20480x64xi16, #tpu.memory_space<hbm>>
        tpu.enqueue_indirect_dma source(%dma_start3A_225 : memref<20480x64xi16, #tpu.memory_space<hbm>>) target(%arg13 : memref<128x64xi16, #tpu.memory_space<vmem>>) offsets(%dma_start3A_222 : memref<128xi32, #tpu.memory_space<vmem>>) semaphore(%arg18 : memref<!tpu.dma_semaphore, #tpu.memory_space<semaphore_mem>>)
      } else {
      }
      %add3A_199 = arith.constant 4 : i32
      %add3A_200 = arith.addi %mul3A_85, %add3A_199 : i32
      %add3A_201 = arith.constant 5 : i32
      %add3A_202 = arith.addi %add3A_200, %add3A_201 : i32
      %lt3A_203 = arith.constant 160 : i32
      %lt3A_204 = arith.cmpi slt, %add3A_202, %lt3A_203 : i32
      %convert_element_type3A_205 = arith.extui %lt3A_204 : i1 to i32
      %cond3A_206 = arith.constant 0 : i32
      %cond3A_207 = arith.cmpi ne, %convert_element_type3A_205, %cond3A_206 : i32
      scf.if %cond3A_207 {
        %add3A_208 = arith.constant 4 : i32
        %add3A_209 = arith.addi %mul3A_85, %add3A_208 : i32
        %dma_wait3A_210 = arith.constant 0 : i32
        %dma_wait3A_211 = tpu.memref_slice %arg9[%add3A_209, %dma_wait3A_210] : memref<160x128xi32, #tpu.memory_space<vmem>> -> memref<1x128xi32, #tpu.memory_space<vmem>>
        %dma_wait3A_212 = tpu.memref_squeeze %dma_wait3A_211 : memref<1x128xi32, #tpu.memory_space<vmem>> -> memref<128xi32, #tpu.memory_space<vmem>>
        %dma_wait3A_213 = arith.constant 0 : i32
        %dma_wait3A_214 = arith.constant 0 : i32
        %dma_wait3A_215 = tpu.memref_slice %arg7[%dma_wait3A_213, %dma_wait3A_214] : memref<10240x64xi16, #tpu.memory_space<vmem_shared>> -> memref<10240x64xi16, #tpu.memory_space<vmem_shared>>
        tpu.wait_indirect_dma semaphore(%arg24 : memref<!tpu.dma_semaphore, #tpu.memory_space<semaphore_mem>>) src(%arg14 : memref<128x64xi16, #tpu.memory_space<vmem>>) dst(%dma_wait3A_215 : memref<10240x64xi16, #tpu.memory_space<vmem_shared>>)
        %add3A_216 = arith.constant 4 : i32
        %add3A_217 = arith.addi %mul3A_85, %add3A_216 : i32
        %add3A_218 = arith.constant 5 : i32
        %add3A_219 = arith.addi %add3A_217, %add3A_218 : i32
        %dma_start3A_220 = arith.constant 0 : i32
        %dma_start3A_221 = tpu.memref_slice %arg8[%add3A_219, %dma_start3A_220] : memref<160x128xi32, #tpu.memory_space<vmem>> -> memref<1x128xi32, #tpu.memory_space<vmem>>
        %dma_start3A_222 = tpu.memref_squeeze %dma_start3A_221 : memref<1x128xi32, #tpu.memory_space<vmem>> -> memref<128xi32, #tpu.memory_space<vmem>>
        %dma_start3A_223 = arith.constant 0 : i32
        %dma_start3A_224 = arith.constant 0 : i32
        %dma_start3A_225 = tpu.memref_slice %arg2[%dma_start3A_223, %dma_start3A_224] : memref<20480x64xi16, #tpu.memory_space<hbm>> -> memref<20480x64xi16, #tpu.memory_space<hbm>>
        tpu.enqueue_indirect_dma source(%dma_start3A_225 : memref<20480x64xi16, #tpu.memory_space<hbm>>) target(%arg14 : memref<128x64xi16, #tpu.memory_space<vmem>>) offsets(%dma_start3A_222 : memref<128xi32, #tpu.memory_space<vmem>>) semaphore(%arg19 : memref<!tpu.dma_semaphore, #tpu.memory_space<semaphore_mem>>)
      } else {
      }
    }
    %scan3A_43 = arith.constant 32 : i32
    %dma_wait3A = arith.constant 155 : i32
    %dma_wait3A_44 = arith.constant 0 : i32
    %dma_wait3A_45 = tpu.memref_slice %arg9[%dma_wait3A, %dma_wait3A_44] : memref<160x128xi32, #tpu.memory_space<vmem>> -> memref<1x128xi32, #tpu.memory_space<vmem>>
    %dma_wait3A_46 = tpu.memref_squeeze %dma_wait3A_45 : memref<1x128xi32, #tpu.memory_space<vmem>> -> memref<128xi32, #tpu.memory_space<vmem>>
    %dma_wait3A_47 = arith.constant 0 : i32
    %dma_wait3A_48 = arith.constant 0 : i32
    %dma_wait3A_49 = tpu.memref_slice %arg7[%dma_wait3A_47, %dma_wait3A_48] : memref<10240x64xi16, #tpu.memory_space<vmem_shared>> -> memref<10240x64xi16, #tpu.memory_space<vmem_shared>>
    tpu.wait_indirect_dma semaphore(%arg20 : memref<!tpu.dma_semaphore, #tpu.memory_space<semaphore_mem>>) src(%arg10 : memref<128x64xi16, #tpu.memory_space<vmem>>) dst(%dma_wait3A_49 : memref<10240x64xi16, #tpu.memory_space<vmem_shared>>)
    %dma_wait3A_50 = arith.constant 156 : i32
    %dma_wait3A_51 = arith.constant 0 : i32
    %dma_wait3A_52 = tpu.memref_slice %arg9[%dma_wait3A_50, %dma_wait3A_51] : memref<160x128xi32, #tpu.memory_space<vmem>> -> memref<1x128xi32, #tpu.memory_space<vmem>>
    %dma_wait3A_53 = tpu.memref_squeeze %dma_wait3A_52 : memref<1x128xi32, #tpu.memory_space<vmem>> -> memref<128xi32, #tpu.memory_space<vmem>>
    %dma_wait3A_54 = arith.constant 0 : i32
    %dma_wait3A_55 = arith.constant 0 : i32
    %dma_wait3A_56 = tpu.memref_slice %arg7[%dma_wait3A_54, %dma_wait3A_55] : memref<10240x64xi16, #tpu.memory_space<vmem_shared>> -> memref<10240x64xi16, #tpu.memory_space<vmem_shared>>
    tpu.wait_indirect_dma semaphore(%arg21 : memref<!tpu.dma_semaphore, #tpu.memory_space<semaphore_mem>>) src(%arg11 : memref<128x64xi16, #tpu.memory_space<vmem>>) dst(%dma_wait3A_56 : memref<10240x64xi16, #tpu.memory_space<vmem_shared>>)
    %dma_wait3A_57 = arith.constant 157 : i32
    %dma_wait3A_58 = arith.constant 0 : i32
    %dma_wait3A_59 = tpu.memref_slice %arg9[%dma_wait3A_57, %dma_wait3A_58] : memref<160x128xi32, #tpu.memory_space<vmem>> -> memref<1x128xi32, #tpu.memory_space<vmem>>
    %dma_wait3A_60 = tpu.memref_squeeze %dma_wait3A_59 : memref<1x128xi32, #tpu.memory_space<vmem>> -> memref<128xi32, #tpu.memory_space<vmem>>
    %dma_wait3A_61 = arith.constant 0 : i32
    %dma_wait3A_62 = arith.constant 0 : i32
    %dma_wait3A_63 = tpu.memref_slice %arg7[%dma_wait3A_61, %dma_wait3A_62] : memref<10240x64xi16, #tpu.memory_space<vmem_shared>> -> memref<10240x64xi16, #tpu.memory_space<vmem_shared>>
    tpu.wait_indirect_dma semaphore(%arg22 : memref<!tpu.dma_semaphore, #tpu.memory_space<semaphore_mem>>) src(%arg12 : memref<128x64xi16, #tpu.memory_space<vmem>>) dst(%dma_wait3A_63 : memref<10240x64xi16, #tpu.memory_space<vmem_shared>>)
    %dma_wait3A_64 = arith.constant 158 : i32
    %dma_wait3A_65 = arith.constant 0 : i32
    %dma_wait3A_66 = tpu.memref_slice %arg9[%dma_wait3A_64, %dma_wait3A_65] : memref<160x128xi32, #tpu.memory_space<vmem>> -> memref<1x128xi32, #tpu.memory_space<vmem>>
    %dma_wait3A_67 = tpu.memref_squeeze %dma_wait3A_66 : memref<1x128xi32, #tpu.memory_space<vmem>> -> memref<128xi32, #tpu.memory_space<vmem>>
    %dma_wait3A_68 = arith.constant 0 : i32
    %dma_wait3A_69 = arith.constant 0 : i32
    %dma_wait3A_70 = tpu.memref_slice %arg7[%dma_wait3A_68, %dma_wait3A_69] : memref<10240x64xi16, #tpu.memory_space<vmem_shared>> -> memref<10240x64xi16, #tpu.memory_space<vmem_shared>>
    tpu.wait_indirect_dma semaphore(%arg23 : memref<!tpu.dma_semaphore, #tpu.memory_space<semaphore_mem>>) src(%arg13 : memref<128x64xi16, #tpu.memory_space<vmem>>) dst(%dma_wait3A_70 : memref<10240x64xi16, #tpu.memory_space<vmem_shared>>)
    %dma_wait3A_71 = arith.constant 159 : i32
    %dma_wait3A_72 = arith.constant 0 : i32
    %dma_wait3A_73 = tpu.memref_slice %arg9[%dma_wait3A_71, %dma_wait3A_72] : memref<160x128xi32, #tpu.memory_space<vmem>> -> memref<1x128xi32, #tpu.memory_space<vmem>>
    %dma_wait3A_74 = tpu.memref_squeeze %dma_wait3A_73 : memref<1x128xi32, #tpu.memory_space<vmem>> -> memref<128xi32, #tpu.memory_space<vmem>>
    %dma_wait3A_75 = arith.constant 0 : i32
    %dma_wait3A_76 = arith.constant 0 : i32
    %dma_wait3A_77 = tpu.memref_slice %arg7[%dma_wait3A_75, %dma_wait3A_76] : memref<10240x64xi16, #tpu.memory_space<vmem_shared>> -> memref<10240x64xi16, #tpu.memory_space<vmem_shared>>
    tpu.wait_indirect_dma semaphore(%arg24 : memref<!tpu.dma_semaphore, #tpu.memory_space<semaphore_mem>>) src(%arg14 : memref<128x64xi16, #tpu.memory_space<vmem>>) dst(%dma_wait3A_77 : memref<10240x64xi16, #tpu.memory_space<vmem_shared>>)
    %barrier3A_78 = arith.constant 0 : index
    tpu.barrier barrier_id(%barrier3A_78)
    %mul3A_79 = arith.constant 640 : i32
    %mul3A_80 = arith.muli %arg1, %mul3A_79 : i32
    %mul3A_81 = arith.constant 640 : i32
    %mul3A_82 = arith.muli %arg1, %mul3A_81 : i32
    "tpu.region"() ({
      %run_scoped3A = tpu.sem_alloc : memref<!tpu.dma_semaphore, #tpu.memory_space<semaphore_mem>>
      %dma_start3A_83 = arith.constant 0 : i32
      %dma_start3A_84 = arith.constant 0 : i32
      %dma_start3A_85 = tpu.memref_slice %arg6[%arg0, %dma_start3A_83, %dma_start3A_84] : memref<2x10240x64xi16, #tpu.memory_space<hbm>> -> memref<1x10240x64xi16, #tpu.memory_space<hbm>>
      %dma_start3A_86 = tpu.memref_squeeze %dma_start3A_85 : memref<1x10240x64xi16, #tpu.memory_space<hbm>> -> memref<10240x64xi16, #tpu.memory_space<hbm>>
      %dma_start3A_87 = arith.constant 0 : i32
      %dma_start3A_88 = tpu.memref_slice %dma_start3A_86[%mul3A_82, %dma_start3A_87] : memref<10240x64xi16, #tpu.memory_space<hbm>> -> memref<640x64xi16, #tpu.memory_space<hbm>>
      %dma_start3A_89 = arith.constant 0 : i32
      %dma_start3A_90 = tpu.memref_slice %arg7[%mul3A_80, %dma_start3A_89] : memref<10240x64xi16, #tpu.memory_space<vmem_shared>> -> memref<640x64xi16, #tpu.memory_space<vmem_shared>>
      tpu.enqueue_dma source(%dma_start3A_90 : memref<640x64xi16, #tpu.memory_space<vmem_shared>>) target(%dma_start3A_88 : memref<640x64xi16, #tpu.memory_space<hbm>>) target_semaphore(%run_scoped3A : memref<!tpu.dma_semaphore, #tpu.memory_space<semaphore_mem>>)
      %dma_wait3A_91 = arith.constant 0 : i32
      %dma_wait3A_92 = arith.constant 0 : i32
      %dma_wait3A_93 = tpu.memref_slice %arg6[%arg0, %dma_wait3A_91, %dma_wait3A_92] : memref<2x10240x64xi16, #tpu.memory_space<hbm>> -> memref<1x10240x64xi16, #tpu.memory_space<hbm>>
      %dma_wait3A_94 = tpu.memref_squeeze %dma_wait3A_93 : memref<1x10240x64xi16, #tpu.memory_space<hbm>> -> memref<10240x64xi16, #tpu.memory_space<hbm>>
      %dma_wait3A_95 = arith.constant 0 : i32
      %dma_wait3A_96 = tpu.memref_slice %dma_wait3A_94[%mul3A_82, %dma_wait3A_95] : memref<10240x64xi16, #tpu.memory_space<hbm>> -> memref<640x64xi16, #tpu.memory_space<hbm>>
      %dma_wait3A_97 = arith.constant 0 : i32
      %dma_wait3A_98 = tpu.memref_slice %arg7[%mul3A_80, %dma_wait3A_97] : memref<10240x64xi16, #tpu.memory_space<vmem_shared>> -> memref<640x64xi16, #tpu.memory_space<vmem_shared>>
      tpu.wait_dma2 semaphore(%run_scoped3A : memref<!tpu.dma_semaphore, #tpu.memory_space<semaphore_mem>>) src(%dma_wait3A_98 : memref<640x64xi16, #tpu.memory_space<vmem_shared>>) dst(%dma_wait3A_96 : memref<640x64xi16, #tpu.memory_space<hbm>>)
      tpu.yield
    }) : () -> ()
    return
  }
}

module attributes {stable_mosaic.version = 14 : i64} {
  func.func @_tc1_body(%arg0: memref<2x10240x8xf32, #tpu.memory_space<vmem>>, %arg1: memref<10240x128xf32, #tpu.memory_space<vmem>>, %arg2: memref<128x128xf32, #tpu.memory_space<vmem>>, %arg3: memref<2x10240x64xi16, #tpu.memory_space<vmem>>, %arg4: memref<10240x1xf32, #tpu.memory_space<vmem>>, %arg5: memref<1x1xf32, #tpu.memory_space<vmem>>, %arg6: memref<1x1xf32, #tpu.memory_space<vmem>>) attributes {dimension_semantics = [], scalar_prefetch = 0 : i64, scratch_operands = 0 : i64, tpu.core_type = #tpu.core_type<tc>} {
    %get3A = arith.constant 0 : index
    %get3A_0 = arith.constant 0 : index
    %get3A_1 = arith.constant 0 : index
    %get3A_2 = vector.load %arg0[%get3A, %get3A_0, %get3A_1] : memref<2x10240x8xf32, #tpu.memory_space<vmem>>, vector<1x10240x8xf32>
    %get3A_3 = vector.shape_cast %get3A_2 : vector<1x10240x8xf32> to vector<10240x8xf32>
    %get3A_4 = arith.constant 1 : index
    %get3A_5 = arith.constant 0 : index
    %get3A_6 = arith.constant 0 : index
    %get3A_7 = vector.load %arg0[%get3A_4, %get3A_5, %get3A_6] : memref<2x10240x8xf32, #tpu.memory_space<vmem>>, vector<1x10240x8xf32>
    %get3A_8 = vector.shape_cast %get3A_7 : vector<1x10240x8xf32> to vector<10240x8xf32>
    %add3A = arith.addf %get3A_3, %get3A_8 : vector<10240x8xf32>
    %slice3A = vector.extract_strided_slice %add3A {offsets = [0, 0], sizes = [10240, 1], strides = [1, 1]} : vector<10240x8xf32> to vector<10240x1xf32>
    %iota3A = tpu.iota {dimensions = array<i32: 0>} : vector<10240x1xi32>
    %lt3A = arith.constant 10000 : i32
    %lt3A_9 = vector.broadcast %lt3A : i32 to vector<10240x1xi32>
    %lt3A_10 = arith.cmpi slt, %iota3A, %lt3A_9 : vector<10240x1xi32>
    %convert_element_type3A = arith.extui %lt3A_10 : vector<10240x1xi1> to vector<10240x1xi32>
    %convert_element_type3A_11 = arith.sitofp %convert_element_type3A : vector<10240x1xi32> to vector<10240x1xf32>
    %max3A = arith.constant 1.000000e+00 : f32
    %max3A_12 = vector.broadcast %max3A : f32 to vector<10240x1xf32>
    %max3A_13 = arith.maximumf %slice3A, %max3A_12 : vector<10240x1xf32>
    %rsqrt3A = math.rsqrt %max3A_13 : vector<10240x1xf32>
    %swap3A = arith.constant 0 : index
    %swap3A_14 = arith.constant 0 : index
    %swap3A_15 = vector.load %arg4[%swap3A, %swap3A_14] : memref<10240x1xf32, #tpu.memory_space<vmem>>, vector<10240x1xf32>
    tpu.vector_store %arg4[%swap3A, %swap3A_14], %rsqrt3A {strides = array<i32>} : memref<10240x1xf32, #tpu.memory_space<vmem>>, vector<10240x1xf32>,
    %mul3A = arith.mulf %slice3A, %convert_element_type3A_11 : vector<10240x1xf32>
    %reduce_max3A = vector.shape_cast %mul3A : vector<10240x1xf32> to vector<1x10240x1xf32>
    %reduce_max3A_16 = arith.constant dense<0xFF800000> : vector<1xf32>
    %reduce_max3A_17 = vector.multi_reduction <maximumf>, %reduce_max3A, %reduce_max3A_16 [1, 2] : vector<1x10240x1xf32> to vector<1xf32>
    %reduce_max3A_18 = vector.shape_cast %reduce_max3A_17 : vector<1xf32> to vector<1x1x1xf32>
    %reduce_max3A_19 = vector.extract %reduce_max3A_18[0, 0, 0] : f32 from vector<1x1x1xf32>
    %max3A_20 = arith.constant 1.000000e+00 : f32
    %max3A_21 = arith.maximumf %reduce_max3A_19, %max3A_20 : f32
    %broadcast_in_dim3A = arith.constant 1.000000e+00 : f32
    %broadcast_in_dim3A_22 = vector.broadcast %broadcast_in_dim3A : f32 to vector<1x1xf32>
    %mul3A_23 = vector.broadcast %max3A_21 : f32 to vector<1x1xf32>
    %mul3A_24 = arith.mulf %broadcast_in_dim3A_22, %mul3A_23 : vector<1x1xf32>
    %swap3A_25 = arith.constant 0 : index
    %swap3A_26 = arith.constant 0 : index
    %swap3A_27 = vector.load %arg6[%swap3A_25, %swap3A_26] : memref<1x1xf32, #tpu.memory_space<vmem>>, vector<1x1xf32>
    tpu.vector_store %arg6[%swap3A_25, %swap3A_26], %mul3A_24 {strides = array<i32>} : memref<1x1xf32, #tpu.memory_space<vmem>>, vector<1x1xf32>,
    %get3A_28 = arith.constant 0 : index
    %get3A_29 = arith.constant 0 : index
    %get3A_30 = vector.load %arg1[%get3A_28, %get3A_29] : memref<10240x128xf32, #tpu.memory_space<vmem>>, vector<10240x128xf32>
    %mul3A_31 = vector.broadcast %rsqrt3A : vector<10240x1xf32> to vector<10240x128xf32>
    %mul3A_32 = arith.mulf %get3A_30, %mul3A_31 : vector<10240x128xf32>
    %get3A_33 = arith.constant 0 : index
    %get3A_34 = arith.constant 0 : index
    %get3A_35 = vector.load %arg2[%get3A_33, %get3A_34] : memref<128x128xf32, #tpu.memory_space<vmem>>, vector<128x128xf32>
    %dot_general3A = arith.constant dense<0.000000e+00> : vector<10240x128xf32>
    %dot_general3A_36 = tpu.matmul %mul3A_32, %get3A_35, %dot_general3A {dimension_numbers = #tpu.dot_dimension_numbers<[1], [0], [0], [1], [0, 0, 1, 1], [], []>, transpose_lhs_hint = false} : vector<10240x128xf32>, vector<128x128xf32>, vector<10240x128xf32> -> vector<10240x128xf32>
    %abs3A = math.absf %dot_general3A_36 : vector<10240x128xf32>
    %reduce_max3A_37 = vector.shape_cast %abs3A : vector<10240x128xf32> to vector<1x10240x128xf32>
    %reduce_max3A_38 = arith.constant dense<0xFF800000> : vector<1xf32>
    %reduce_max3A_39 = vector.multi_reduction <maximumf>, %reduce_max3A_37, %reduce_max3A_38 [1, 2] : vector<1x10240x128xf32> to vector<1xf32>
    %reduce_max3A_40 = vector.shape_cast %reduce_max3A_39 : vector<1xf32> to vector<1x1x1xf32>
    %reduce_max3A_41 = vector.extract %reduce_max3A_40[0, 0, 0] : f32 from vector<1x1x1xf32>
    %max3A_42 = arith.constant 1.000000e-30 : f32
    %max3A_43 = arith.maximumf %reduce_max3A_41, %max3A_42 : f32
    %mul3A_44 = arith.mulf %max3A_43, %max3A_21 : f32
    %div3A = arith.constant 3.276700e+04 : f32
    %div3A_45 = arith.divf %div3A, %mul3A_44 : f32
    %broadcast_in_dim3A_46 = arith.constant 1.000000e+00 : f32
    %broadcast_in_dim3A_47 = vector.broadcast %broadcast_in_dim3A_46 : f32 to vector<1x1xf32>
    %mul3A_48 = vector.broadcast %div3A_45 : f32 to vector<1x1xf32>
    %mul3A_49 = arith.mulf %broadcast_in_dim3A_47, %mul3A_48 : vector<1x1xf32>
    %swap3A_50 = arith.constant 0 : index
    %swap3A_51 = arith.constant 0 : index
    %swap3A_52 = vector.load %arg5[%swap3A_50, %swap3A_51] : memref<1x1xf32, #tpu.memory_space<vmem>>, vector<1x1xf32>
    tpu.vector_store %arg5[%swap3A_50, %swap3A_51], %mul3A_49 {strides = array<i32>} : memref<1x1xf32, #tpu.memory_space<vmem>>, vector<1x1xf32>,
    %mul3A_53 = vector.broadcast %div3A_45 : f32 to vector<10240x128xf32>
    %mul3A_54 = arith.mulf %dot_general3A_36, %mul3A_53 : vector<10240x128xf32>
    %round3A = math.roundeven %mul3A_54 : vector<10240x128xf32>
    %jit3A = arith.constant -3.276700e+04 : f32
    %jit3A_55 = arith.constant 3.276700e+04 : f32
    %max3A_56 = vector.broadcast %jit3A : f32 to vector<10240x128xf32>
    %max3A_57 = arith.maximumf %max3A_56, %round3A : vector<10240x128xf32>
    %min3A = vector.broadcast %jit3A_55 : f32 to vector<10240x128xf32>
    %min3A_58 = arith.minimumf %min3A, %max3A_57 : vector<10240x128xf32>
    %convert_element_type3A_59 = arith.fptosi %min3A_58 : vector<10240x128xf32> to vector<10240x128xi16>
    %slice3A_60 = vector.extract_strided_slice %convert_element_type3A_59 {offsets = [0, 0], sizes = [10240, 64], strides = [1, 1]} : vector<10240x128xi16> to vector<10240x64xi16>
    %swap3A_61 = arith.constant 0 : index
    %swap3A_62 = arith.constant 0 : index
    %swap3A_63 = arith.constant 0 : index
    %swap3A_64 = vector.load %arg3[%swap3A_61, %swap3A_62, %swap3A_63] : memref<2x10240x64xi16, #tpu.memory_space<vmem>>, vector<1x10240x64xi16>
    %swap3A_65 = vector.shape_cast %swap3A_64 : vector<1x10240x64xi16> to vector<10240x64xi16>
    %swap3A_66 = vector.shape_cast %slice3A_60 : vector<10240x64xi16> to vector<1x10240x64xi16>
    tpu.vector_store %arg3[%swap3A_61, %swap3A_62, %swap3A_63], %swap3A_66 {strides = array<i32>} : memref<2x10240x64xi16, #tpu.memory_space<vmem>>, vector<1x10240x64xi16>,
    %slice3A_67 = vector.extract_strided_slice %convert_element_type3A_59 {offsets = [0, 64], sizes = [10240, 64], strides = [1, 1]} : vector<10240x128xi16> to vector<10240x64xi16>
    %swap3A_68 = arith.constant 1 : index
    %swap3A_69 = arith.constant 0 : index
    %swap3A_70 = arith.constant 0 : index
    %swap3A_71 = vector.load %arg3[%swap3A_68, %swap3A_69, %swap3A_70] : memref<2x10240x64xi16, #tpu.memory_space<vmem>>, vector<1x10240x64xi16>
    %swap3A_72 = vector.shape_cast %swap3A_71 : vector<1x10240x64xi16> to vector<10240x64xi16>
    %swap3A_73 = vector.shape_cast %slice3A_67 : vector<10240x64xi16> to vector<1x10240x64xi16>
    tpu.vector_store %arg3[%swap3A_68, %swap3A_69, %swap3A_70], %swap3A_73 {strides = array<i32>} : memref<2x10240x64xi16, #tpu.memory_space<vmem>>, vector<1x10240x64xi16>,
    return
  }
}

module attributes {stable_mosaic.version = 14 : i64} {
  func.func @_tc2_body(%arg0: memref<2x10240x64xi16, #tpu.memory_space<vmem>>, %arg1: memref<10240x1xf32, #tpu.memory_space<vmem>>, %arg2: memref<1x1xf32, #tpu.memory_space<vmem>>, %arg3: memref<1x1xf32, #tpu.memory_space<vmem>>, %arg4: memref<1x128xf32, #tpu.memory_space<vmem>>, %arg5: memref<1x128xf32, #tpu.memory_space<vmem>>, %arg6: memref<1x128xf32, #tpu.memory_space<vmem>>, %arg7: memref<128x128xf32, #tpu.memory_space<vmem>>, %arg8: memref<2x10240x64xi16, #tpu.memory_space<vmem>>, %arg9: memref<1x1xf32, #tpu.memory_space<vmem>>) attributes {dimension_semantics = [], scalar_prefetch = 0 : i64, scratch_operands = 0 : i64, tpu.core_type = #tpu.core_type<tc>} {
    %get3A = arith.constant 0 : index
    %get3A_0 = arith.constant 0 : index
    %get3A_1 = arith.constant 0 : index
    %get3A_2 = vector.load %arg0[%get3A, %get3A_0, %get3A_1] : memref<2x10240x64xi16, #tpu.memory_space<vmem>>, vector<1x10240x64xi16>
    %get3A_3 = vector.shape_cast %get3A_2 : vector<1x10240x64xi16> to vector<10240x64xi16>
    %get3A_4 = arith.constant 1 : index
    %get3A_5 = arith.constant 0 : index
    %get3A_6 = arith.constant 0 : index
    %get3A_7 = vector.load %arg0[%get3A_4, %get3A_5, %get3A_6] : memref<2x10240x64xi16, #tpu.memory_space<vmem>>, vector<1x10240x64xi16>
    %get3A_8 = vector.shape_cast %get3A_7 : vector<1x10240x64xi16> to vector<10240x64xi16>
    %concatenate3A = tpu.concatenate %get3A_3, %get3A_8 in 1 : vector<10240x64xi16>, vector<10240x64xi16> -> vector<10240x128xi16>
    %convert_element_type3A = arith.sitofp %concatenate3A : vector<10240x128xi16> to vector<10240x128xf32>
    %get3A_9 = arith.constant 0 : index
    %get3A_10 = arith.constant 0 : index
    %get3A_11 = vector.load %arg1[%get3A_9, %get3A_10] : memref<10240x1xf32, #tpu.memory_space<vmem>>, vector<10240x1xf32>
    %get3A_12 = arith.constant 0 : index
    %get3A_13 = arith.constant 0 : index
    %get3A_14 = vector.load %arg2[%get3A_12, %get3A_13] : memref<1x1xf32, #tpu.memory_space<vmem>>, vector<1x1xf32>
    %div3A = vector.broadcast %get3A_14 : vector<1x1xf32> to vector<10240x1xf32>
    %div3A_15 = arith.divf %get3A_11, %div3A : vector<10240x1xf32>
    %mul3A = vector.broadcast %div3A_15 : vector<10240x1xf32> to vector<10240x128xf32>
    %mul3A_16 = arith.mulf %convert_element_type3A, %mul3A : vector<10240x128xf32>
    %get3A_17 = arith.constant 0 : index
    %get3A_18 = arith.constant 0 : index
    %get3A_19 = vector.load %arg4[%get3A_17, %get3A_18] : memref<1x128xf32, #tpu.memory_space<vmem>>, vector<1x128xf32>
    %add3A = vector.broadcast %get3A_19 : vector<1x128xf32> to vector<10240x128xf32>
    %add3A_20 = arith.addf %mul3A_16, %add3A : vector<10240x128xf32>
    %iota3A = tpu.iota {dimensions = array<i32: 0>} : vector<10240x1xi32>
    %lt3A = arith.constant 10000 : i32
    %lt3A_21 = vector.broadcast %lt3A : i32 to vector<10240x1xi32>
    %lt3A_22 = arith.cmpi slt, %iota3A, %lt3A_21 : vector<10240x1xi32>
    %convert_element_type3A_23 = arith.extui %lt3A_22 : vector<10240x1xi1> to vector<10240x1xi32>
    %convert_element_type3A_24 = arith.sitofp %convert_element_type3A_23 : vector<10240x1xi32> to vector<10240x1xf32>
    %mul3A_25 = vector.broadcast %convert_element_type3A_24 : vector<10240x1xf32> to vector<10240x128xf32>
    %mul3A_26 = arith.mulf %add3A_20, %mul3A_25 : vector<10240x128xf32>
    %reduce_sum3A = arith.constant dense<0.000000e+00> : vector<128xf32>
    %reduce_sum3A_27 = vector.multi_reduction <add>, %mul3A_26, %reduce_sum3A [0] : vector<10240x128xf32> to vector<128xf32>
    %broadcast_in_dim3A = vector.shape_cast %reduce_sum3A_27 : vector<128xf32> to vector<1x128xf32>
    %mul3A_28 = arith.constant 9.99999974E-5 : f32
    %mul3A_29 = vector.broadcast %mul3A_28 : f32 to vector<1x128xf32>
    %mul3A_30 = arith.mulf %broadcast_in_dim3A, %mul3A_29 : vector<1x128xf32>
    %mul3A_31 = arith.mulf %mul3A_26, %mul3A_26 : vector<10240x128xf32>
    %reduce_sum3A_32 = arith.constant dense<0.000000e+00> : vector<128xf32>
    %reduce_sum3A_33 = vector.multi_reduction <add>, %mul3A_31, %reduce_sum3A_32 [0] : vector<10240x128xf32> to vector<128xf32>
    %broadcast_in_dim3A_34 = vector.shape_cast %reduce_sum3A_33 : vector<128xf32> to vector<1x128xf32>
    %mul3A_35 = arith.constant 9.99999974E-5 : f32
    %mul3A_36 = vector.broadcast %mul3A_35 : f32 to vector<1x128xf32>
    %mul3A_37 = arith.mulf %broadcast_in_dim3A_34, %mul3A_36 : vector<1x128xf32>
    %mul3A_38 = arith.mulf %mul3A_30, %mul3A_30 : vector<1x128xf32>
    %sub3A = arith.subf %mul3A_37, %mul3A_38 : vector<1x128xf32>
    %get3A_39 = arith.constant 0 : index
    %get3A_40 = arith.constant 0 : index
    %get3A_41 = vector.load %arg5[%get3A_39, %get3A_40] : memref<1x128xf32, #tpu.memory_space<vmem>>, vector<1x128xf32>
    %sub3A_42 = vector.broadcast %mul3A_30 : vector<1x128xf32> to vector<10240x128xf32>
    %sub3A_43 = arith.subf %add3A_20, %sub3A_42 : vector<10240x128xf32>
    %mul3A_44 = vector.broadcast %get3A_41 : vector<1x128xf32> to vector<10240x128xf32>
    %mul3A_45 = arith.mulf %mul3A_44, %sub3A_43 : vector<10240x128xf32>
    %add3A_46 = arith.constant 9.99999974E-6 : f32
    %add3A_47 = vector.broadcast %add3A_46 : f32 to vector<1x128xf32>
    %add3A_48 = arith.addf %sub3A, %add3A_47 : vector<1x128xf32>
    %rsqrt3A = math.rsqrt %add3A_48 : vector<1x128xf32>
    %mul3A_49 = vector.broadcast %rsqrt3A : vector<1x128xf32> to vector<10240x128xf32>
    %mul3A_50 = arith.mulf %mul3A_45, %mul3A_49 : vector<10240x128xf32>
    %get3A_51 = arith.constant 0 : index
    %get3A_52 = arith.constant 0 : index
    %get3A_53 = vector.load %arg6[%get3A_51, %get3A_52] : memref<1x128xf32, #tpu.memory_space<vmem>>, vector<1x128xf32>
    %add3A_54 = vector.broadcast %get3A_53 : vector<1x128xf32> to vector<10240x128xf32>
    %add3A_55 = arith.addf %mul3A_50, %add3A_54 : vector<10240x128xf32>
    %max3A = arith.constant 0.000000e+00 : f32
    %max3A_56 = vector.broadcast %max3A : f32 to vector<10240x128xf32>
    %max3A_57 = arith.maximumf %add3A_55, %max3A_56 : vector<10240x128xf32>
    %mul3A_58 = vector.broadcast %get3A_11 : vector<10240x1xf32> to vector<10240x128xf32>
    %mul3A_59 = arith.mulf %max3A_57, %mul3A_58 : vector<10240x128xf32>
    %mul3A_60 = vector.broadcast %convert_element_type3A_24 : vector<10240x1xf32> to vector<10240x128xf32>
    %mul3A_61 = arith.mulf %mul3A_59, %mul3A_60 : vector<10240x128xf32>
    %get3A_62 = arith.constant 0 : index
    %get3A_63 = arith.constant 0 : index
    %get3A_64 = vector.load %arg7[%get3A_62, %get3A_63] : memref<128x128xf32, #tpu.memory_space<vmem>>, vector<128x128xf32>
    %dot_general3A = arith.constant dense<0.000000e+00> : vector<10240x128xf32>
    %dot_general3A_65 = tpu.matmul %mul3A_61, %get3A_64, %dot_general3A {dimension_numbers = #tpu.dot_dimension_numbers<[1], [0], [0], [1], [0, 0, 1, 1], [], []>, transpose_lhs_hint = false} : vector<10240x128xf32>, vector<128x128xf32>, vector<10240x128xf32> -> vector<10240x128xf32>
    %abs3A = math.absf %dot_general3A_65 : vector<10240x128xf32>
    %reduce_max3A = vector.shape_cast %abs3A : vector<10240x128xf32> to vector<1x10240x128xf32>
    %reduce_max3A_66 = arith.constant dense<0xFF800000> : vector<1xf32>
    %reduce_max3A_67 = vector.multi_reduction <maximumf>, %reduce_max3A, %reduce_max3A_66 [1, 2] : vector<1x10240x128xf32> to vector<1xf32>
    %reduce_max3A_68 = vector.shape_cast %reduce_max3A_67 : vector<1xf32> to vector<1x1x1xf32>
    %reduce_max3A_69 = vector.extract %reduce_max3A_68[0, 0, 0] : f32 from vector<1x1x1xf32>
    %max3A_70 = arith.constant 1.000000e-30 : f32
    %max3A_71 = arith.maximumf %reduce_max3A_69, %max3A_70 : f32
    %get3A_72 = arith.constant 0 : index
    %get3A_73 = arith.constant 0 : index
    %get3A_74 = vector.load %arg3[%get3A_72, %get3A_73] : memref<1x1xf32, #tpu.memory_space<vmem>>, vector<1x1xf32>
    %mul3A_75 = vector.broadcast %max3A_71 : f32 to vector<1x1xf32>
    %mul3A_76 = arith.mulf %mul3A_75, %get3A_74 : vector<1x1xf32>
    %div3A_77 = arith.constant 3.276700e+04 : f32
    %div3A_78 = vector.broadcast %div3A_77 : f32 to vector<1x1xf32>
    %div3A_79 = arith.divf %div3A_78, %mul3A_76 : vector<1x1xf32>
    %swap3A = arith.constant 0 : index
    %swap3A_80 = arith.constant 0 : index
    %swap3A_81 = vector.load %arg9[%swap3A, %swap3A_80] : memref<1x1xf32, #tpu.memory_space<vmem>>, vector<1x1xf32>
    tpu.vector_store %arg9[%swap3A, %swap3A_80], %div3A_79 {strides = array<i32>} : memref<1x1xf32, #tpu.memory_space<vmem>>, vector<1x1xf32>,
    %squeeze3A = vector.extract %div3A_79[0, 0] : f32 from vector<1x1xf32>
    %mul3A_82 = vector.broadcast %squeeze3A : f32 to vector<10240x128xf32>
    %mul3A_83 = arith.mulf %dot_general3A_65, %mul3A_82 : vector<10240x128xf32>
    %round3A = math.roundeven %mul3A_83 : vector<10240x128xf32>
    %jit3A = arith.constant -3.276700e+04 : f32
    %jit3A_84 = arith.constant 3.276700e+04 : f32
    %max3A_85 = vector.broadcast %jit3A : f32 to vector<10240x128xf32>
    %max3A_86 = arith.maximumf %max3A_85, %round3A : vector<10240x128xf32>
    %min3A = vector.broadcast %jit3A_84 : f32 to vector<10240x128xf32>
    %min3A_87 = arith.minimumf %min3A, %max3A_86 : vector<10240x128xf32>
    %convert_element_type3A_88 = arith.fptosi %min3A_87 : vector<10240x128xf32> to vector<10240x128xi16>
    %slice3A = vector.extract_strided_slice %convert_element_type3A_88 {offsets = [0, 0], sizes = [10240, 64], strides = [1, 1]} : vector<10240x128xi16> to vector<10240x64xi16>
    %swap3A_89 = arith.constant 0 : index
    %swap3A_90 = arith.constant 0 : index
    %swap3A_91 = arith.constant 0 : index
    %swap3A_92 = vector.load %arg8[%swap3A_89, %swap3A_90, %swap3A_91] : memref<2x10240x64xi16, #tpu.memory_space<vmem>>, vector<1x10240x64xi16>
    %swap3A_93 = vector.shape_cast %swap3A_92 : vector<1x10240x64xi16> to vector<10240x64xi16>
    %swap3A_94 = vector.shape_cast %slice3A : vector<10240x64xi16> to vector<1x10240x64xi16>
    tpu.vector_store %arg8[%swap3A_89, %swap3A_90, %swap3A_91], %swap3A_94 {strides = array<i32>} : memref<2x10240x64xi16, #tpu.memory_space<vmem>>, vector<1x10240x64xi16>,
    %slice3A_95 = vector.extract_strided_slice %convert_element_type3A_88 {offsets = [0, 64], sizes = [10240, 64], strides = [1, 1]} : vector<10240x128xi16> to vector<10240x64xi16>
    %swap3A_96 = arith.constant 1 : index
    %swap3A_97 = arith.constant 0 : index
    %swap3A_98 = arith.constant 0 : index
    %swap3A_99 = vector.load %arg8[%swap3A_96, %swap3A_97, %swap3A_98] : memref<2x10240x64xi16, #tpu.memory_space<vmem>>, vector<1x10240x64xi16>
    %swap3A_100 = vector.shape_cast %swap3A_99 : vector<1x10240x64xi16> to vector<10240x64xi16>
    %swap3A_101 = vector.shape_cast %slice3A_95 : vector<10240x64xi16> to vector<1x10240x64xi16>
    tpu.vector_store %arg8[%swap3A_96, %swap3A_97, %swap3A_98], %swap3A_101 {strides = array<i32>} : memref<2x10240x64xi16, #tpu.memory_space<vmem>>, vector<1x10240x64xi16>,
    return
  }
}

module attributes {stable_mosaic.version = 14 : i64} {
  func.func @_tc3_body(%arg0: memref<2x10240x64xi16, #tpu.memory_space<vmem>>, %arg1: memref<10240x1xf32, #tpu.memory_space<vmem>>, %arg2: memref<1x1xf32, #tpu.memory_space<vmem>>, %arg3: memref<1x128xf32, #tpu.memory_space<vmem>>, %arg4: memref<10240x128xf32, #tpu.memory_space<vmem>>) attributes {dimension_semantics = [], scalar_prefetch = 0 : i64, scratch_operands = 0 : i64, tpu.core_type = #tpu.core_type<tc>} {
    %get3A = arith.constant 0 : index
    %get3A_0 = arith.constant 0 : index
    %get3A_1 = arith.constant 0 : index
    %get3A_2 = vector.load %arg0[%get3A, %get3A_0, %get3A_1] : memref<2x10240x64xi16, #tpu.memory_space<vmem>>, vector<1x10240x64xi16>
    %get3A_3 = vector.shape_cast %get3A_2 : vector<1x10240x64xi16> to vector<10240x64xi16>
    %get3A_4 = arith.constant 1 : index
    %get3A_5 = arith.constant 0 : index
    %get3A_6 = arith.constant 0 : index
    %get3A_7 = vector.load %arg0[%get3A_4, %get3A_5, %get3A_6] : memref<2x10240x64xi16, #tpu.memory_space<vmem>>, vector<1x10240x64xi16>
    %get3A_8 = vector.shape_cast %get3A_7 : vector<1x10240x64xi16> to vector<10240x64xi16>
    %concatenate3A = tpu.concatenate %get3A_3, %get3A_8 in 1 : vector<10240x64xi16>, vector<10240x64xi16> -> vector<10240x128xi16>
    %convert_element_type3A = arith.sitofp %concatenate3A : vector<10240x128xi16> to vector<10240x128xf32>
    %get3A_9 = arith.constant 0 : index
    %get3A_10 = arith.constant 0 : index
    %get3A_11 = vector.load %arg1[%get3A_9, %get3A_10] : memref<10240x1xf32, #tpu.memory_space<vmem>>, vector<10240x1xf32>
    %get3A_12 = arith.constant 0 : index
    %get3A_13 = arith.constant 0 : index
    %get3A_14 = vector.load %arg2[%get3A_12, %get3A_13] : memref<1x1xf32, #tpu.memory_space<vmem>>, vector<1x1xf32>
    %div3A = vector.broadcast %get3A_14 : vector<1x1xf32> to vector<10240x1xf32>
    %div3A_15 = arith.divf %get3A_11, %div3A : vector<10240x1xf32>
    %mul3A = vector.broadcast %div3A_15 : vector<10240x1xf32> to vector<10240x128xf32>
    %mul3A_16 = arith.mulf %convert_element_type3A, %mul3A : vector<10240x128xf32>
    %get3A_17 = arith.constant 0 : index
    %get3A_18 = arith.constant 0 : index
    %get3A_19 = vector.load %arg3[%get3A_17, %get3A_18] : memref<1x128xf32, #tpu.memory_space<vmem>>, vector<1x128xf32>
    %add3A = vector.broadcast %get3A_19 : vector<1x128xf32> to vector<10240x128xf32>
    %add3A_20 = arith.addf %mul3A_16, %add3A : vector<10240x128xf32>
    %swap3A = arith.constant 0 : index
    %swap3A_21 = arith.constant 0 : index
    %swap3A_22 = vector.load %arg4[%swap3A, %swap3A_21] : memref<10240x128xf32, #tpu.memory_space<vmem>>, vector<10240x128xf32>
    tpu.vector_store %arg4[%swap3A, %swap3A_21], %add3A_20 {strides = array<i32>} : memref<10240x128xf32, #tpu.memory_space<vmem>>, vector<10240x128xf32>,
    return
  }
}

</mosaic_0001>

<sc_bundles>
// kernel: kernel.11.cloned.1.call-start
scs
__scs_entry_jumppad:
0x0: {  	(pc) =	sbr.rel $0x88, $3  }
0x1: {  	(tag) =	ssettag $0x0;
	lr =	simm.s32 $0x1  }
0x2: {  	[smem:$0x3F99] =	sst lr;
	_ =	strace $0xD0000000  }
0x3: {  	_ = 	snop  }
0x4: {  	_ = 	snop  }
0x5: {  	_ = 	snop  }
0x6: {  	_ = 	snop  }
0x7: {  	_ = 	snop  }
__scs_overlays_trampoline_lowered:
0x8: {  	[smem:$0x3FA8] =	sst s0  }
0x9: {  	[smem:$0x3FA9] =	sst s1  }
0xa: {  	[smem:$0x3FAA] =	sst s2  }
0xb: {  	[smem:$0x3FAB] =	sst s3  }
0xc: {  	[smem:$0x3FAC] =	sst s4  }
0xd: {  	[smem:$0x3FAD] =	sst s5  }
0xe: {  	[smem:$0x3FAE] =	sst s6  }
0xf: {  	[smem:$0x3FAF] =	sst s7  }
0x10: {  	[smem:$0x3FB0] =	sst s8  }
0x11: {  	[smem:$0x3FB1] =	sst s9;
	s0 =	simm.s32 @!p0 $0x0  }
0x12: {  	s1 =	sld [smem:$0x3F97];
	s0 =	simm.s32 @p0 $0x1  }
0x13: {  	[smem:$0x3FB2] =	sst s0;
	s0 =	simm.s32 @!p1 $0x0  }
0x14: {  	s2 =	sld [smem:$0x3F96];
	s0 =	simm.s32 @p1 $0x1  }
0x15: {  	[smem:$0x3FB3] =	sst s0;
	s0 =	simm.s32 @!p2 $0x0  }
0x16: {  	s3 =	sld [smem:$0x3FDB];
	s0 =	simm.s32 @p2 $0x1  }
0x17: {  	s4 =	simm.s32 $0x1BF5;
	[smem:$0x3FB5] =	sst s0  }
0x18: {  	s0 =	sld [smem:$0x3F98];
	_ =	swait.ge [sflag:s4], $0x0  }
0x19: {  	s7 =	sld [smem:$0x3F99]  }
0x1a: {  	s8 =	sadd.s32 $0xFFFFE003, lr  }
0x1b: {  	s9 =	sadd.s32 $0xFFFFFEF7, lr;
	s5 =	simm.s32 $0xFFFFFFFF;
	p2 =	slt.u32 s8, $0xFFFFF086  }
0x1c: {  	p1 =	slt.u32 s9, $0xF7A;
	s5 =	simm.s32 @!p2 $0x0  }
0x1d: {  	s5 =	simm.s32 @p1 $0x1;
	p0 =	seq.s32 s7, s2  }
0x1e: {  	s7 =	smul.u32 @!p0 $0xF7A, s2;
	p2 =	seq.s32 @!p0 s5, $0x0  }
0x1f: {  	s9 =	smul.u32 $0xF7A, s1;
	s8 =	simm.s32 @!p0 $0x1BF5;
	p2 =	por !p2, p0  }
0x20: {  	[sflag:s8] =	ssyncset.s32 @!p0 $0xFFFFF086;
	s6 =	sadd.s32 @!p0 s3, s7;
	s7 =	simm.s32 @!p0 $0x108  }
0x21: {  	s3 =	sadd.s32 s3, s9;
	s6 =	sadd.s32 @!p0 $0x88, s6;
	s7 =	simm.s32 @p2 $0x1082  }
0x22: {  	[simem:s7], [sflag:s8] =	dma.local @!p0 [hbm:s6], $0xF7A  }
0x23: {  	s9 =	sor.u32 $0xD0000000, s2;
	s6 =	simm.s32 $0x108;
	_ =	swait.ge @!p0 [sflag:s8], $0x0  }
0x24: {  	s3 =	sadd.s32 $0x88, s3;
	s6 =	simm.s32 @!p1 $0x1082;
	[sflag:s4] =	ssyncset.s32 $0xFFFFF086  }
0x25: {  	[simem:s6], [sflag:s4] =	dma.local [hbm:s3], $0xF7A  }
0x26: {  	[smem:$0x3F99] =	sst s1;
	(tag) =	ssettag s2;
	_ =	strace s9  }
0x27: {  	s1 =	sld [smem:$0x3FA9]  }
0x28: {  	s2 =	sld [smem:$0x3FAA]  }
0x29: {  	s4 =	sld [smem:$0x3FAC]  }
0x2a: {  	p0 =	seq.s32 s5, $0x0;
	s5 =	sld [smem:$0x3FAD]  }
0x2b: {  	s6 =	sld [smem:$0x3FAE]  }
0x2c: {  	s7 =	sld [smem:$0x3FAF]  }
0x2d: {  	s3 =	simm.s32 $0x108;
	s8 =	sld [smem:$0x3FB0]  }
0x2e: {  	s3 =	simm.s32 @!p0 $0x1082;
	s9 =	sld [smem:$0x3FB1]  }
0x2f: {  	lr =	sadd.s32 s0, s3;
	s0 =	sld [smem:$0x3FA8]  }
0x30: {  	s3 =	sld [smem:$0x3FAB]  }
0x31: {  	[smem:$0x3FB4] =	sst s10  }
0x32: {  	s10 =	sld [smem:$0x3FB2];
	_ =	sdelay $0x3  }
0x33: {  	p0 =	seq.s32 s10, $0x1;
	s10 =	sld [smem:$0x3FB4];
	_ =	sdelay $0x3  }
0x34: {  	[smem:$0x3FB4] =	sst s10  }
0x35: {  	s10 =	sld [smem:$0x3FB3];
	_ =	sdelay $0x3  }
0x36: {  	p1 =	seq.s32 s10, $0x1;
	s10 =	sld [smem:$0x3FB4];
	_ =	sdelay $0x3  }
0x37: {  	[smem:$0x3FB4] =	sst s10  }
0x38: {  	s10 =	sld [smem:$0x3FB5]  }
0x39: {  	_ = 	snop;
	(pc) =	sbr.ind lr, $3  }
0x3a: {  	_ = 	snop  }
0x3b: {  	_ = 	snop  }
0x3c: {  	p2 =	seq.s32 s10, $0x1;
	s10 =	sld [smem:$0x3FB4]  }
0x3d: {  	_ =	shalt  }
0x3e: {  	_ =	shalt  }
0x3f: {  	_ =	shalt  }
0x40: {  	_ =	shalt  }
0x41: {  	_ =	shalt  }
0x42: {  	_ =	shalt  }
0x43: {  	_ =	shalt  }
0x44: {  	_ =	shalt  }
0x45: {  	_ =	shalt  }
0x46: {  	_ =	shalt  }
0x47: {  	_ =	shalt  }
0x48: {  	_ =	shalt  }
0x49: {  	_ =	shalt  }
0x4a: {  	_ =	shalt  }
0x4b: {  	_ =	shalt  }
0x4c: {  	_ =	shalt  }
0x4d: {  	_ =	shalt  }
0x4e: {  	_ =	shalt  }
0x4f: {  	_ =	shalt  }
0x50: {  	_ =	shalt  }
0x51: {  	_ =	shalt  }
0x52: {  	_ =	shalt  }
0x53: {  	_ =	shalt  }
0x54: {  	_ =	shalt  }
0x55: {  	_ =	shalt  }
0x56: {  	_ =	shalt  }
0x57: {  	_ =	shalt  }
0x58: {  	_ =	shalt  }
0x59: {  	_ =	shalt  }
0x5a: {  	_ =	shalt  }
0x5b: {  	_ =	shalt  }
0x5c: {  	_ =	shalt  }
0x5d: {  	_ =	shalt  }
0x5e: {  	_ =	shalt  }
0x5f: {  	_ =	shalt  }
0x60: {  	_ =	shalt  }
0x61: {  	_ =	shalt  }
0x62: {  	_ =	shalt  }
0x63: {  	_ =	shalt  }
0x64: {  	_ =	shalt  }
0x65: {  	_ =	shalt  }
0x66: {  	_ =	shalt  }
0x67: {  	_ =	shalt  }
0x68: {  	_ =	shalt  }
0x69: {  	_ =	shalt  }
0x6a: {  	_ =	shalt  }
0x6b: {  	_ =	shalt  }
0x6c: {  	_ =	shalt  }
0x6d: {  	_ =	shalt  }
0x6e: {  	_ =	shalt  }
0x6f: {  	_ =	shalt  }
0x70: {  	_ =	shalt  }
0x71: {  	_ =	shalt  }
0x72: {  	_ =	shalt  }
0x73: {  	_ =	shalt  }
0x74: {  	_ =	shalt  }
0x75: {  	_ =	shalt  }
0x76: {  	_ =	shalt  }
0x77: {  	_ =	shalt  }
0x78: {  	_ =	shalt  }
0x79: {  	_ =	shalt  }
0x7a: {  	_ =	shalt  }
0x7b: {  	_ =	shalt  }
0x7c: {  	_ =	shalt  }
0x7d: {  	_ =	shalt  }
0x7e: {  	_ =	shalt  }
0x7f: {  	_ =	shalt  }
0x80: {  	_ =	shalt  }
0x81: {  	_ =	shalt  }
0x82: {  	_ =	shalt  }
0x83: {  	_ =	shalt  }
0x84: {  	_ =	shalt  }
0x85: {  	_ =	shalt  }
0x86: {  	_ =	shalt  }
0x87: {  	_ =	shalt  }
.Lfunc_end0:
.L_simem_size_0:
called_computation.1_lowered:
.L_overlay_start_0:
0x88: {  	s2 =	sld [smem:$0x3FD9]  }
0x89: {  	s3 =	sld [smem:$0x3FFE];
	_ =	sdelay $0x1  }
0x8a: {  	s1 =	srdreg.scid  }
0x8b: {  	s0 =	sand.u32 $0x1, s1  }
0x8c: {  	s17 =	sshll.u32 s0, $0xA;
	s2 =	sadd.s32 s3, s2  }
0x8d: {  	s2 =	sadd.s32 s2, s17  }
0x8e: {  	[smem:$0x3FC0] =	sst s2  }
0x8f: {  	_ = 	snop  }
0x90: {  	s2 =	sld [smem:$0x3FD0];
	(tm) =	ssettm $0x1  }
0x91: {  	s18 =	sld [smem:$0x3FFB];
	_ =	sdelay $0x3  }
0x92: {  	_ =	strace s18  }
0x93: {  	s3 =	sld [smem:$0x3FFC];
	_ =	sdelay $0x3  }
0x94: {  	_ =	strace s3  }
0x95: {  	s3 =	sld [smem:$0x3FFD];
	_ =	sdelay $0x3  }
0x96: {  	_ =	strace s3  }
0x97: {  	_ =	strace $0x8FFFFFFF  }
0x98: {  	s19 =	sld [smem:$0x3FDB];
	_ =	sdelay $0x1  }
0x99: {  	s4 =	simm.s32 $_scs_section_size  }
0x9a: {  	s5 =	simm.s32 $_size__tile_overlayer_lowered;
	s6 =	simm.s32 $_tile_overlayer_lowered  }
0x9b: {  	s22 =	simm.s32 $0x1BFF;
	s21 =	sshll.u32 s6, $0x1;
	s3 =	sadd.s32 s4, s19  }
0x9c: {  	s7 =	simm.s32 $0x0;
	s20 =	sshll.u32 s5, $0x1;
	s5 =	sadd.s32 s21, s3  }
0x9d: {  	[timem:s7], [sflag:s22] =	dma.local [hbm:s5], s20  }
0x9e: {  	_ =	swait.ge [sflag:s22], s20  }
0x9f: {  	s4 =	ssub.s32 $0x0, s20;
	[sflag:s22] =	ssyncset.done $0x0  }
0xa0: {  	[sflag:s22] =	ssyncadd.s32 s4;
	_ =	sdelay $0x1  }
0xa1: {  	s23 =	simm.s32 $0x1B8B  }
0xa2: {  	_ =	swait.ge [sflag:s23], $0x1  }
0xa3: {  	[sflag:s23] =	ssyncset.done $0x0  }
0xa4: {  	s25 =	simm.s32 $0x1B8E;
	s24 =	sld [smem:$0x3FFE];
	[sflag:s23] =	ssyncadd.s32 $0xFFFFFFFF  }
0xa5: {  	s26 =	simm.s32 $execute0_lowered;
	[smem:$0x3FD2] =	sst s25  }
0xa6: {  	s5 =	sshll.u32 s26, $0x1;
	_ =	strace $0x80000049;
	[dreg:$0x1] =	wrdreg $0xFFFFFFFF  }
0xa7: {  	s28 =	simm.s32 $_size_execute0_lowered;
	s3 =	sadd.s32 s3, s5;
	[dreg:$0x0] =	wrdreg $0x0  }
0xa8: {  	s5 =	sshll.u32 s28, $0x1;
	[dreg:$0x2] =	wrdreg s3  }
0xa9: {  	[dreg:$0x3] =	wrdreg s5  }
0xaa: {  	[dreg:$0x4] =	wrdreg $0xC0  }
0xab: {  	_ =	task [dreg:s7], $0x5FFFF  }
0xac: {  	[dreg:$0x1] =	wrdreg $0xFFFFFFFF  }
0xad: {  	[dreg:$0x0] =	wrdreg $0x60  }
0xae: {  	[dreg:$0x2] =	wrdreg s2  }
0xaf: {  	[dreg:$0x3] =	wrdreg s24  }
0xb0: {  	[dreg:$0x4] =	wrdreg $0x0  }
0xb1: {  	[dreg:$0x5] =	wrdreg $0x9  }
0xb2: {  	_ =	task.clear_ibuf [dreg:s7], $0x6FFFF;
	_ =	strace $0x90000049  }
0xb3: {  	s29 =	simm.s32 $0x9;
	_ =	strace $0x8000004B  }
0xb4: {  	_ =	swait.ge [sflag:s29], $0x1  }
0xb5: {  	[sflag:s29] =	ssyncadd.s32 $0xFFFFFFFF  }
0xb6: {  	_ =	strace $0x9000004B  }
0xb7: {  	_ =	sfence  }
0xb8: {  	s30 =	sld [smem:$0x0];
	_ =	sdelay $0x2  }
0xb9: {  	s31 =	sshll.u32 s1, $0xD;
	s1 =	sshrl.u32 s1, $0x2  }
0xba: {  	s3 =	sand.u32 $0x4000, s31;
	s1 =	sadd.s32 s1, s30  }
0xbb: {  	s0 =	sor.u32 s3, s0;
	s1 =	sshll.u32 s1, $0x11  }
0xbc: {  	s0 =	sor.u32 s1, s0  }
0xbd: {  	s0 =	sadd.s32 $0x8F2B, s0  }
0xbe: {  	[sflag:s0] =	ssyncadd.remote.s32 $0x1  }
0xbf: {  	_ =	sfence.sel $0xFFFF  }
0xc0: {  	[dreg:$0x0] =	wrdreg $0xFFFFFFFF;
	(pc) =	sbr.abs _section_cstart, $3  }
0xc1: {  	[dreg:$0x1] =	wrdreg $0xFFFFFFFF  }
0xc2: {  	_ =	task.clear_ibuf [dreg:s7], $0x2FFFF;
	_ =	strace $0x9FFFFFFF  }
0xc3: {  	(tm) =	ssettm $0x7FFFFFFF  }
tec
execute0_lowered:
.L_overlay_start_1:
0x0: {  	(tag) =	ssettag $0x1  }
0x1: {  	s1 =	rddreg [dreg:$0x0]  }
0x2: {  	s0 =	srdreg.scid;
	s2 =	rddreg [dreg:$0x1]  }
0x3: {  	s11 =	stileid.u32;
	s3 =	rddreg [dreg:$0x2]  }
0x4: {  	s22 =	simm.s32 $0x0;
	s12 =	simm.s32 $0x5000;
	s14 =	simm.s32 $0x80  }
0x5: {  	s15 =	simm.s32 $0xF000;
	s17 =	simm.s32 $0x10000;
	s19 =	simm.s32 $0x11000  }
0x6: {  	s21 =	simm.s32 $0x12000;
	s28 =	simm.s32 $0x3;
	s29 =	simm.s32 $0x4  }
0x7: {  	s30 =	simm.s32 $0x5;
	s31 =	simm.s32 $0x6;
	s16 =	simm.s32 $0xA  }
0x8: {  	s0 =	sand.u32 $0x1, s0;
	[smem:$0x7FF] =	sst s22;
	s6 =	smul.u32 $0xA000, s11  }
0x9: {  	s23 =	smul.u32 $0xA00, s11;
	s26 =	sshll.u32 s11, $0x6;
	s22 =	simm.s32 $0x0  }
0xa: {  	s4 =	sshll.u32 s0, $0x4;
	_ =	strace $0x8000004A;
	s8 =	smul.u32 $0xA000, s0  }
0xb: {  	s0 =	ssub.s32 $0x2, s0;
	s5 =	sor.u32 s11, s4;
	s13 =	sshrl.u32 s6, $0x4  }
0xc: {  	s9 =	sadd.s32 s23, s2;
	s10 =	sshrl.u32 s0, $0x1;
	s6 =	sshrl.u32 s6, $0x1  }
0xd: {  	s11 =	simm.s32 $0xB;
	s23 =	simm.s32 $0x13000;
	s5 =	smul.u32 $0xA00, s5  }
0xe: {  	s24 =	sadd.s32 s13, s2;
	s0 =	ssub.s32 s0, s10;
	s25 =	sadd.s32 s6, s3  }
0xf: {  	s6 =	sor.u32 $0x1C0B, s26;
	s26 =	simm.s32 $0x2;
	s10 =	sshrl.u32 s25, $0x3  }
0x10: {  	s25 =	simm.s32 $0x1;
	s7 =	sadd.s32 s5, s2;
	s2 =	sadd.s32 s8, s2  }
0x11: {  	s5 =	sadd.s32 $0x22800, s24;
	s8 =	sadd.s32 $0x1E00, s9;
	s9 =	smax.u32 s0, $0x1  }
0x12: {  	s0 =	simm.s32 $0x8;
	s7 =	sadd.s32 $0xE800, s7;
	s2 =	sadd.s32 $0x2C800, s2  }
0x13: {  	s24 =	sadd.s32 s13, s2;
	s2 =	simm.s32 $0x7;
	s13 =	simm.s32 $0x9  }
.LBB2_1:
0x14: {  	[spmem:s10], [sflag:s6] =	dma.local [hbm:s5], $0xA00  }
0x15: {  	_ =	swait.ge [sflag:s11], $0xA00  }
0x16: {  	[sflag:s11] =	ssyncset.done $0x0  }
0x17: {  	s4 =	simm.s32 $0x0;
	[sflag:s11] =	ssyncadd.s32 $0xFFFFF600  }
0x18: {  	[tilespmem:s12], [sflag:$0xB] =	stream.linear.gather [hbm4b:s7+s4], $0x5000, $0x38;
	[tilespmem:$0x14000] =	vst v63  }
0x19: {  	_ =	swait.ge [sflag:s11], $0x5000  }
0x1a: {  	[sflag:s11] =	ssyncset.done $0x0  }
0x1b: {  	s18 =	simm.s32 $0xA000;
	[sflag:s11] =	ssyncadd.s32 $0xFFFFB000  }
0x1c: {  	[tilespmem:s18], [sflag:$0xB] =	stream.linear.gather [hbm4b:s8+s4], $0x5000, $0x38;
	[tilespmem:$0x14000] =	vst v63  }
0x1d: {  	_ =	swait.ge [sflag:s11], $0x5000  }
0x1e: {  	[sflag:s11] =	ssyncset.done $0x0  }
0x1f: {  	[sflag:s11] =	ssyncadd.s32 $0xFFFFB000  }
0x20: {  	[bflag:$0x0] =	sbarrier.arrive $0xFFFF  }
0x21: {  	[tilespmem:s15], [sflag:$0x1] =	stream.indirect.gather [hbm4b:s1+s14], $0x20, s12, s14, $0xb8;
	[tilespmem:$0x14000] =	vst v63  }
0x22: {  	s20 =	simm.s32 $0x5080  }
0x23: {  	[tilespmem:s17], [sflag:$0x2] =	stream.indirect.gather [hbm4b:s1+s14], $0x20, s20, s14, $0xb8;
	[tilespmem:$0x14000] =	vst v63  }
0x24: {  	s18 =	simm.s32 $0x5100  }
0x25: {  	[tilespmem:s19], [sflag:$0x3] =	stream.indirect.gather [hbm4b:s1+s14], $0x20, s18, s14, $0xb8;
	[tilespmem:$0x14000] =	vst v63  }
0x26: {  	s20 =	simm.s32 $0x5180  }
0x27: {  	[tilespmem:s21], [sflag:$0x4] =	stream.indirect.gather [hbm4b:s1+s14], $0x20, s20, s14, $0xb8;
	[tilespmem:$0x14000] =	vst v63  }
0x28: {  	s18 =	simm.s32 $0x5200  }
0x29: {  	[tilespmem:s23], [sflag:$0x5] =	stream.indirect.gather [hbm4b:s1+s14], $0x20, s18, s14, $0xb8;
	[tilespmem:$0x14000] =	vst v63  }
0x2a: {  	_ =	swait.ge [sflag:s25], $0x1000  }
0x2b: {  	[sflag:s25] =	ssyncset.done $0x0  }
0x2c: {  	s20 =	simm.s32 $0xA000;
	[sflag:s25] =	ssyncadd.s32 $0xFFFFF000  }
0x2d: {  	[spmem:s3] =	stream.indirect.scatter.add.s16 [tilespmem:s15], [sflag:$0x6], $0x20, s20, s14, $0xb8;
	[tilespmem:$0x14000] =	vst v63  }
0x2e: {  	_ =	swait.ge [sflag:s26], $0x1000  }
0x2f: {  	[sflag:s26] =	ssyncset.done $0x0  }
0x30: {  	s4 =	simm.s32 $0xA080;
	[sflag:s26] =	ssyncadd.s32 $0xFFFFF000  }
0x31: {  	[spmem:s3] =	stream.indirect.scatter.add.s16 [tilespmem:s17], [sflag:$0x7], $0x20, s4, s14, $0xb8;
	[tilespmem:$0x14000] =	vst v63  }
0x32: {  	_ =	swait.ge [sflag:s28], $0x1000  }
0x33: {  	[sflag:s28] =	ssyncset.done $0x0  }
0x34: {  	s20 =	simm.s32 $0xA100;
	[sflag:s28] =	ssyncadd.s32 $0xFFFFF000  }
0x35: {  	[spmem:s3] =	stream.indirect.scatter.add.s16 [tilespmem:s19], [sflag:$0x8], $0x20, s20, s14, $0xb8;
	[tilespmem:$0x14000] =	vst v63  }
0x36: {  	_ =	swait.ge [sflag:s29], $0x1000  }
0x37: {  	[sflag:s29] =	ssyncset.done $0x0  }
0x38: {  	s4 =	simm.s32 $0xA180;
	[sflag:s29] =	ssyncadd.s32 $0xFFFFF000  }
0x39: {  	[spmem:s3] =	stream.indirect.scatter.add.s16 [tilespmem:s21], [sflag:$0x9], $0x20, s4, s14, $0xb8;
	[tilespmem:$0x14000] =	vst v63  }
0x3a: {  	_ =	swait.ge [sflag:s30], $0x1000  }
0x3b: {  	[sflag:s30] =	ssyncset.done $0x0  }
0x3c: {  	s20 =	simm.s32 $0xA200;
	[sflag:s30] =	ssyncadd.s32 $0xFFFFF000  }
0x3d: {  	[spmem:s3] =	stream.indirect.scatter.add.s16 [tilespmem:s23], [sflag:$0xA], $0x20, s20, s14, $0xb8;
	[tilespmem:$0x14000] =	vst v63  }
0x3e: {  	_ =	swait.ge [sflag:s31], $0x1000  }
0x3f: {  	[sflag:s31] =	ssyncset.done $0x0  }
0x40: {  	s4 =	simm.s32 $0x5280;
	[sflag:s31] =	ssyncadd.s32 $0xFFFFF000  }
0x41: {  	[tilespmem:s15], [sflag:$0x1] =	stream.indirect.gather [hbm4b:s1+s14], $0x20, s4, s14, $0xb8;
	[tilespmem:$0x14000] =	vst v63  }
0x42: {  	_ =	swait.ge [sflag:s2], $0x1000  }
0x43: {  	[sflag:s2] =	ssyncset.done $0x0  }
0x44: {  	s20 =	simm.s32 $0x5300;
	[sflag:s2] =	ssyncadd.s32 $0xFFFFF000  }
0x45: {  	[tilespmem:s17], [sflag:$0x2] =	stream.indirect.gather [hbm4b:s1+s14], $0x20, s20, s14, $0xb8;
	[tilespmem:$0x14000] =	vst v63  }
0x46: {  	_ =	swait.ge [sflag:s0], $0x1000  }
0x47: {  	[sflag:s0] =	ssyncset.done $0x0  }
0x48: {  	s4 =	simm.s32 $0x5380;
	[sflag:s0] =	ssyncadd.s32 $0xFFFFF000  }
0x49: {  	[tilespmem:s19], [sflag:$0x3] =	stream.indirect.gather [hbm4b:s1+s14], $0x20, s4, s14, $0xb8;
	[tilespmem:$0x14000] =	vst v63  }
0x4a: {  	_ =	swait.ge [sflag:s13], $0x1000  }
0x4b: {  	[sflag:s13] =	ssyncset.done $0x0  }
0x4c: {  	s20 =	simm.s32 $0x5400;
	[sflag:s13] =	ssyncadd.s32 $0xFFFFF000  }
0x4d: {  	[tilespmem:s21], [sflag:$0x4] =	stream.indirect.gather [hbm4b:s1+s14], $0x20, s20, s14, $0xb8;
	[tilespmem:$0x14000] =	vst v63  }
0x4e: {  	_ =	swait.ge [sflag:s16], $0x1000  }
0x4f: {  	[sflag:s16] =	ssyncset.done $0x0  }
0x50: {  	s18 =	simm.s32 $0xA00;
	s20 =	simm.s32 $0x5480;
	[sflag:s16] =	ssyncadd.s32 $0xFFFFF000  }
.LBB2_2:
0x51: {  	[tilespmem:s23], [sflag:$0x5] =	stream.indirect.gather [hbm4b:s1+s14], $0x20, s20, s14, $0xb8;
	[tilespmem:$0x14000] =	vst v63  }
0x52: {  	s20 =	smov.u32 s18  }
0x53: {  	p0 =	sne.s32 s18, $0x12C00;
	s18 =	sadd.s32 $0xA00, s18;
	_ =	swait.ge [sflag:s25], $0x1000  }
0x54: {  	s20 =	sshra.s32 s20, $0x2;
	[sflag:s25] =	ssyncset.done $0x0  }
0x55: {  	s4 =	sadd.s32 $0xA000, s20;
	[sflag:s25] =	ssyncadd.s32 $0xFFFFF000  }
0x56: {  	[spmem:s3] =	stream.indirect.scatter.add.s16 [tilespmem:s15], [sflag:$0x6], $0x20, s4, s14, $0xb8;
	[tilespmem:$0x14000] =	vst v63  }
0x57: {  	_ =	swait.ge [sflag:s26], $0x1000  }
0x58: {  	[sflag:s26] =	ssyncset.done $0x0  }
0x59: {  	s4 =	sadd.s32 $0xA080, s20;
	[sflag:s26] =	ssyncadd.s32 $0xFFFFF000  }
0x5a: {  	[spmem:s3] =	stream.indirect.scatter.add.s16 [tilespmem:s17], [sflag:$0x7], $0x20, s4, s14, $0xb8;
	[tilespmem:$0x14000] =	vst v63  }
0x5b: {  	_ =	swait.ge [sflag:s28], $0x1000  }
0x5c: {  	[sflag:s28] =	ssyncset.done $0x0  }
0x5d: {  	s4 =	sadd.s32 $0xA100, s20;
	[sflag:s28] =	ssyncadd.s32 $0xFFFFF000  }
0x5e: {  	[spmem:s3] =	stream.indirect.scatter.add.s16 [tilespmem:s19], [sflag:$0x8], $0x20, s4, s14, $0xb8;
	[tilespmem:$0x14000] =	vst v63  }
0x5f: {  	_ =	swait.ge [sflag:s29], $0x1000  }
0x60: {  	[sflag:s29] =	ssyncset.done $0x0  }
0x61: {  	s4 =	sadd.s32 $0xA180, s20;
	[sflag:s29] =	ssyncadd.s32 $0xFFFFF000  }
0x62: {  	[spmem:s3] =	stream.indirect.scatter.add.s16 [tilespmem:s21], [sflag:$0x9], $0x20, s4, s14, $0xb8;
	[tilespmem:$0x14000] =	vst v63  }
0x63: {  	_ =	swait.ge [sflag:s30], $0x1000  }
0x64: {  	[sflag:s30] =	ssyncset.done $0x0  }
0x65: {  	s4 =	sadd.s32 $0xA200, s20;
	[sflag:s30] =	ssyncadd.s32 $0xFFFFF000  }
0x66: {  	[spmem:s3] =	stream.indirect.scatter.add.s16 [tilespmem:s23], [sflag:$0xA], $0x20, s4, s14, $0xb8;
	[tilespmem:$0x14000] =	vst v63  }
0x67: {  	_ =	swait.ge [sflag:s31], $0x1000  }
0x68: {  	[sflag:s31] =	ssyncset.done $0x0  }
0x69: {  	s4 =	sadd.s32 $0x5280, s20;
	[sflag:s31] =	ssyncadd.s32 $0xFFFFF000  }
0x6a: {  	[tilespmem:s15], [sflag:$0x1] =	stream.indirect.gather [hbm4b:s1+s14], $0x20, s4, s14, $0xb8;
	[tilespmem:$0x14000] =	vst v63  }
0x6b: {  	_ =	swait.ge [sflag:s2], $0x1000  }
0x6c: {  	[sflag:s2] =	ssyncset.done $0x0  }
0x6d: {  	s4 =	sadd.s32 $0x5300, s20;
	[sflag:s2] =	ssyncadd.s32 $0xFFFFF000  }
0x6e: {  	[tilespmem:s17], [sflag:$0x2] =	stream.indirect.gather [hbm4b:s1+s14], $0x20, s4, s14, $0xb8;
	[tilespmem:$0x14000] =	vst v63  }
0x6f: {  	_ =	swait.ge [sflag:s0], $0x1000  }
0x70: {  	[sflag:s0] =	ssyncset.done $0x0  }
0x71: {  	s4 =	sadd.s32 $0x5380, s20;
	[sflag:s0] =	ssyncadd.s32 $0xFFFFF000  }
0x72: {  	[tilespmem:s19], [sflag:$0x3] =	stream.indirect.gather [hbm4b:s1+s14], $0x20, s4, s14, $0xb8;
	[tilespmem:$0x14000] =	vst v63  }
0x73: {  	_ =	swait.ge [sflag:s13], $0x1000  }
0x74: {  	[sflag:s13] =	ssyncset.done $0x0  }
.Ltmp0:
0x75: {  	s4 =	sadd.s32 $0x5400, s20;
	[sflag:s13] =	ssyncadd.s32 $0xFFFFF000;
	(pc) =	sbr.rel @p0 .LBB2_2-.Ltmp0, $4  }
0x76: {  	[tilespmem:s21], [sflag:$0x4] =	stream.indirect.gather [hbm4b:s1+s14], $0x20, s4, s14, $0xb8;
	[tilespmem:$0x14000] =	vst v63  }
0x77: {  	_ =	swait.ge [sflag:s16], $0x1000  }
0x78: {  	[sflag:s16] =	ssyncset.done $0x0  }
0x79: {  	s20 =	sadd.s32 $0x5480, s20;
	[sflag:s16] =	ssyncadd.s32 $0xFFFFF000  }
0x7a: {  	[tilespmem:s23], [sflag:$0x5] =	stream.indirect.gather [hbm4b:s1+s14], $0x20, s20, s14, $0xb8;
	[tilespmem:$0x14000] =	vst v63  }
0x7b: {  	_ =	swait.ge [sflag:s25], $0x1000  }
0x7c: {  	[sflag:s25] =	ssyncset.done $0x0  }
0x7d: {  	s4 =	simm.s32 $0xED80;
	[sflag:s25] =	ssyncadd.s32 $0xFFFFF000  }
0x7e: {  	[spmem:s3] =	stream.indirect.scatter.add.s16 [tilespmem:s15], [sflag:$0x6], $0x20, s4, s14, $0xb8;
	[tilespmem:$0x14000] =	vst v63  }
0x7f: {  	_ =	swait.ge [sflag:s26], $0x1000  }
0x80: {  	[sflag:s26] =	ssyncset.done $0x0  }
0x81: {  	s18 =	simm.s32 $0xEE00;
	[sflag:s26] =	ssyncadd.s32 $0xFFFFF000  }
0x82: {  	[spmem:s3] =	stream.indirect.scatter.add.s16 [tilespmem:s17], [sflag:$0x7], $0x20, s18, s14, $0xb8;
	[tilespmem:$0x14000] =	vst v63  }
0x83: {  	_ =	swait.ge [sflag:s28], $0x1000  }
0x84: {  	[sflag:s28] =	ssyncset.done $0x0  }
0x85: {  	s20 =	simm.s32 $0xEE80;
	[sflag:s28] =	ssyncadd.s32 $0xFFFFF000  }
0x86: {  	[spmem:s3] =	stream.indirect.scatter.add.s16 [tilespmem:s19], [sflag:$0x8], $0x20, s20, s14, $0xb8;
	[tilespmem:$0x14000] =	vst v63  }
0x87: {  	_ =	swait.ge [sflag:s29], $0x1000  }
0x88: {  	[sflag:s29] =	ssyncset.done $0x0  }
0x89: {  	s18 =	simm.s32 $0xEF00;
	[sflag:s29] =	ssyncadd.s32 $0xFFFFF000  }
0x8a: {  	[spmem:s3] =	stream.indirect.scatter.add.s16 [tilespmem:s21], [sflag:$0x9], $0x20, s18, s14, $0xb8;
	[tilespmem:$0x14000] =	vst v63  }
0x8b: {  	_ =	swait.ge [sflag:s30], $0x1000  }
0x8c: {  	[sflag:s30] =	ssyncset.done $0x0  }
0x8d: {  	s20 =	simm.s32 $0xEF80;
	[sflag:s30] =	ssyncadd.s32 $0xFFFFF000  }
0x8e: {  	[spmem:s3] =	stream.indirect.scatter.add.s16 [tilespmem:s23], [sflag:$0xA], $0x20, s20, s14, $0xb8;
	[tilespmem:$0x14000] =	vst v63  }
0x8f: {  	_ =	swait.ge [sflag:s31], $0x1000  }
0x90: {  	[sflag:s31] =	ssyncset.done $0x0  }
0x91: {  	[sflag:s31] =	ssyncadd.s32 $0xFFFFF000  }
0x92: {  	_ =	swait.ge [sflag:s2], $0x1000  }
0x93: {  	[sflag:s2] =	ssyncset.done $0x0  }
0x94: {  	[sflag:s2] =	ssyncadd.s32 $0xFFFFF000  }
0x95: {  	_ =	swait.ge [sflag:s0], $0x1000  }
0x96: {  	[sflag:s0] =	ssyncset.done $0x0  }
0x97: {  	[sflag:s0] =	ssyncadd.s32 $0xFFFFF000  }
0x98: {  	_ =	swait.ge [sflag:s13], $0x1000  }
0x99: {  	[sflag:s13] =	ssyncset.done $0x0  }
0x9a: {  	[sflag:s13] =	ssyncadd.s32 $0xFFFFF000  }
0x9b: {  	_ =	swait.ge [sflag:s16], $0x1000  }
0x9c: {  	s22 =	sadd.s32 $0x1, s22;
	[sflag:s16] =	ssyncset.done $0x0  }
0x9d: {  	p0 =	sne.s32 s22, s9;
	[sflag:s16] =	ssyncadd.s32 $0xFFFFF000  }
.Ltmp1:
0x9e: {  	[bflag:$0x0] =	sbarrier.arrive $0xFFFF;
	(pc) =	sbr.rel @p0 .LBB2_1-.Ltmp1, $4  }
0x9f: {  	[hbm:s24], [sflag:s6] =	dma.local [spmem:s10], $0xA00  }
0xa0: {  	_ =	swait.ge [sflag:s11], $0xA00  }
0xa1: {  	[sflag:s11] =	ssyncset.done $0x0  }
0xa2: {  	[sflag:s11] =	ssyncadd.s32 $0xFFFFF600  }
0xa3: {  	_ =	sfence.sel $0x180000  }
0xa4: {  	[bflag:$0x0] =	sbarrier.arrive $0xFFFF  }
0xa5: {  	_ =	strace $0x9000004A  }
0xa6: {  	s0 =	stileid.u32;
	[bflag:$0x2] =	sbarrier.arrive $0xFFFF  }
0xa7: {  	p0 =	sne.s32 s0, $0x0;
	s0 =	rddreg [dreg:$0x3]  }
0xa8: {  	s0 =	sadd.s32 @!p0 $0x100000, s0  }
0xa9: {  	[sflag:s0] =	ssyncadd.tile.s32 @!p0 $0x1;
	_ =	shalt  }
.Lfunc_end2:
_tile_overlayer_lowered:
.L_overlay_start_2:
0xaa: {  	(tag) =	ssettag $0x2  }
0xab: {  	s0 =	rddreg [dreg:$0x0];
	s2 =	stileid.u32  }
0xac: {  	s1 =	rddreg [dreg:$0x1];
	p0 =	sne.s32 s2, $0x0  }
0xad: {  	s3 =	rddreg [dreg:$0x2];
	[bflag:$0x3] =	sbarrier.arrive $0xFFFF;
	s2 =	simm.s32 @!p0 $0x1C0B  }
0xae: {  	[timem:s3], [sflag:s2] =	dma.local @!p0 [hbm:s0], s1  }
0xaf: {  	s0 =	simm.s32 @!p0 $0xB  }
0xb0: {  	_ =	swait.ge @!p0 [sflag:s0], s1  }
0xb1: {  	s1 =	ssub.s32 @!p0 $0x0, s1;
	[sflag:s0] =	ssyncset.done @!p0 $0x0  }
0xb2: {  	[sflag:s0] =	ssyncadd.s32 @!p0 s1  }
0xb3: {  	[bflag:$0x3] =	sbarrier.arrive $0xFFFF  }
0xb4: {  	_ =	shalt  }

// kernel: kernel.14.cloned.1.call-start
scs
__scs_entry_jumppad:
0x0: {  	(pc) =	sbr.rel $0x88, $3  }
0x1: {  	(tag) =	ssettag $0x0;
	lr =	simm.s32 $0x1  }
0x2: {  	[smem:$0x3F99] =	sst lr;
	_ =	strace $0xD0000000  }
0x3: {  	_ = 	snop  }
0x4: {  	_ = 	snop  }
0x5: {  	_ = 	snop  }
0x6: {  	_ = 	snop  }
0x7: {  	_ = 	snop  }
__scs_overlays_trampoline_lowered:
0x8: {  	[smem:$0x3FA8] =	sst s0  }
0x9: {  	[smem:$0x3FA9] =	sst s1  }
0xa: {  	[smem:$0x3FAA] =	sst s2  }
0xb: {  	[smem:$0x3FAB] =	sst s3  }
0xc: {  	[smem:$0x3FAC] =	sst s4  }
0xd: {  	[smem:$0x3FAD] =	sst s5  }
0xe: {  	[smem:$0x3FAE] =	sst s6  }
0xf: {  	[smem:$0x3FAF] =	sst s7  }
0x10: {  	[smem:$0x3FB0] =	sst s8  }
0x11: {  	[smem:$0x3FB1] =	sst s9;
	s0 =	simm.s32 @!p0 $0x0  }
0x12: {  	s1 =	sld [smem:$0x3F97];
	s0 =	simm.s32 @p0 $0x1  }
0x13: {  	[smem:$0x3FB2] =	sst s0;
	s0 =	simm.s32 @!p1 $0x0  }
0x14: {  	s2 =	sld [smem:$0x3F96];
	s0 =	simm.s32 @p1 $0x1  }
0x15: {  	[smem:$0x3FB3] =	sst s0;
	s0 =	simm.s32 @!p2 $0x0  }
0x16: {  	s3 =	sld [smem:$0x3FDB];
	s0 =	simm.s32 @p2 $0x1  }
0x17: {  	s4 =	simm.s32 $0x1BF5;
	[smem:$0x3FB5] =	sst s0  }
0x18: {  	s0 =	sld [smem:$0x3F98];
	_ =	swait.ge [sflag:s4], $0x0  }
0x19: {  	s7 =	sld [smem:$0x3F99]  }
0x1a: {  	s8 =	sadd.s32 $0xFFFFE003, lr  }
0x1b: {  	s9 =	sadd.s32 $0xFFFFFEF7, lr;
	s5 =	simm.s32 $0xFFFFFFFF;
	p2 =	slt.u32 s8, $0xFFFFF086  }
0x1c: {  	p1 =	slt.u32 s9, $0xF7A;
	s5 =	simm.s32 @!p2 $0x0  }
0x1d: {  	s5 =	simm.s32 @p1 $0x1;
	p0 =	seq.s32 s7, s2  }
0x1e: {  	s7 =	smul.u32 @!p0 $0xF7A, s2;
	p2 =	seq.s32 @!p0 s5, $0x0  }
0x1f: {  	s9 =	smul.u32 $0xF7A, s1;
	s8 =	simm.s32 @!p0 $0x1BF5;
	p2 =	por !p2, p0  }
0x20: {  	[sflag:s8] =	ssyncset.s32 @!p0 $0xFFFFF086;
	s6 =	sadd.s32 @!p0 s3, s7;
	s7 =	simm.s32 @!p0 $0x108  }
0x21: {  	s3 =	sadd.s32 s3, s9;
	s6 =	sadd.s32 @!p0 $0x88, s6;
	s7 =	simm.s32 @p2 $0x1082  }
0x22: {  	[simem:s7], [sflag:s8] =	dma.local @!p0 [hbm:s6], $0xF7A  }
0x23: {  	s9 =	sor.u32 $0xD0000000, s2;
	s6 =	simm.s32 $0x108;
	_ =	swait.ge @!p0 [sflag:s8], $0x0  }
0x24: {  	s3 =	sadd.s32 $0x88, s3;
	s6 =	simm.s32 @!p1 $0x1082;
	[sflag:s4] =	ssyncset.s32 $0xFFFFF086  }
0x25: {  	[simem:s6], [sflag:s4] =	dma.local [hbm:s3], $0xF7A  }
0x26: {  	[smem:$0x3F99] =	sst s1;
	(tag) =	ssettag s2;
	_ =	strace s9  }
0x27: {  	s1 =	sld [smem:$0x3FA9]  }
0x28: {  	s2 =	sld [smem:$0x3FAA]  }
0x29: {  	s4 =	sld [smem:$0x3FAC]  }
0x2a: {  	p0 =	seq.s32 s5, $0x0;
	s5 =	sld [smem:$0x3FAD]  }
0x2b: {  	s6 =	sld [smem:$0x3FAE]  }
0x2c: {  	s7 =	sld [smem:$0x3FAF]  }
0x2d: {  	s3 =	simm.s32 $0x108;
	s8 =	sld [smem:$0x3FB0]  }
0x2e: {  	s3 =	simm.s32 @!p0 $0x1082;
	s9 =	sld [smem:$0x3FB1]  }
0x2f: {  	lr =	sadd.s32 s0, s3;
	s0 =	sld [smem:$0x3FA8]  }
0x30: {  	s3 =	sld [smem:$0x3FAB]  }
0x31: {  	[smem:$0x3FB4] =	sst s10  }
0x32: {  	s10 =	sld [smem:$0x3FB2];
	_ =	sdelay $0x3  }
0x33: {  	p0 =	seq.s32 s10, $0x1;
	s10 =	sld [smem:$0x3FB4];
	_ =	sdelay $0x3  }
0x34: {  	[smem:$0x3FB4] =	sst s10  }
0x35: {  	s10 =	sld [smem:$0x3FB3];
	_ =	sdelay $0x3  }
0x36: {  	p1 =	seq.s32 s10, $0x1;
	s10 =	sld [smem:$0x3FB4];
	_ =	sdelay $0x3  }
0x37: {  	[smem:$0x3FB4] =	sst s10  }
0x38: {  	s10 =	sld [smem:$0x3FB5]  }
0x39: {  	_ = 	snop;
	(pc) =	sbr.ind lr, $3  }
0x3a: {  	_ = 	snop  }
0x3b: {  	_ = 	snop  }
0x3c: {  	p2 =	seq.s32 s10, $0x1;
	s10 =	sld [smem:$0x3FB4]  }
0x3d: {  	_ =	shalt  }
0x3e: {  	_ =	shalt  }
0x3f: {  	_ =	shalt  }
0x40: {  	_ =	shalt  }
0x41: {  	_ =	shalt  }
0x42: {  	_ =	shalt  }
0x43: {  	_ =	shalt  }
0x44: {  	_ =	shalt  }
0x45: {  	_ =	shalt  }
0x46: {  	_ =	shalt  }
0x47: {  	_ =	shalt  }
0x48: {  	_ =	shalt  }
0x49: {  	_ =	shalt  }
0x4a: {  	_ =	shalt  }
0x4b: {  	_ =	shalt  }
0x4c: {  	_ =	shalt  }
0x4d: {  	_ =	shalt  }
0x4e: {  	_ =	shalt  }
0x4f: {  	_ =	shalt  }
0x50: {  	_ =	shalt  }
0x51: {  	_ =	shalt  }
0x52: {  	_ =	shalt  }
0x53: {  	_ =	shalt  }
0x54: {  	_ =	shalt  }
0x55: {  	_ =	shalt  }
0x56: {  	_ =	shalt  }
0x57: {  	_ =	shalt  }
0x58: {  	_ =	shalt  }
0x59: {  	_ =	shalt  }
0x5a: {  	_ =	shalt  }
0x5b: {  	_ =	shalt  }
0x5c: {  	_ =	shalt  }
0x5d: {  	_ =	shalt  }
0x5e: {  	_ =	shalt  }
0x5f: {  	_ =	shalt  }
0x60: {  	_ =	shalt  }
0x61: {  	_ =	shalt  }
0x62: {  	_ =	shalt  }
0x63: {  	_ =	shalt  }
0x64: {  	_ =	shalt  }
0x65: {  	_ =	shalt  }
0x66: {  	_ =	shalt  }
0x67: {  	_ =	shalt  }
0x68: {  	_ =	shalt  }
0x69: {  	_ =	shalt  }
0x6a: {  	_ =	shalt  }
0x6b: {  	_ =	shalt  }
0x6c: {  	_ =	shalt  }
0x6d: {  	_ =	shalt  }
0x6e: {  	_ =	shalt  }
0x6f: {  	_ =	shalt  }
0x70: {  	_ =	shalt  }
0x71: {  	_ =	shalt  }
0x72: {  	_ =	shalt  }
0x73: {  	_ =	shalt  }
0x74: {  	_ =	shalt  }
0x75: {  	_ =	shalt  }
0x76: {  	_ =	shalt  }
0x77: {  	_ =	shalt  }
0x78: {  	_ =	shalt  }
0x79: {  	_ =	shalt  }
0x7a: {  	_ =	shalt  }
0x7b: {  	_ =	shalt  }
0x7c: {  	_ =	shalt  }
0x7d: {  	_ =	shalt  }
0x7e: {  	_ =	shalt  }
0x7f: {  	_ =	shalt  }
0x80: {  	_ =	shalt  }
0x81: {  	_ =	shalt  }
0x82: {  	_ =	shalt  }
0x83: {  	_ =	shalt  }
0x84: {  	_ =	shalt  }
0x85: {  	_ =	shalt  }
0x86: {  	_ =	shalt  }
0x87: {  	_ =	shalt  }
.Lfunc_end0:
.L_simem_size_0:
called_computation.2_lowered:
.L_overlay_start_0:
0x88: {  	s2 =	sld [smem:$0x3FD9]  }
0x89: {  	s3 =	sld [smem:$0x3FFE];
	_ =	sdelay $0x1  }
0x8a: {  	s1 =	srdreg.scid  }
0x8b: {  	s0 =	sand.u32 $0x1, s1  }
0x8c: {  	s17 =	sshll.u32 s0, $0xA;
	s2 =	sadd.s32 s3, s2  }
0x8d: {  	s2 =	sadd.s32 s2, s17  }
0x8e: {  	[smem:$0x3FC0] =	sst s2  }
0x8f: {  	_ = 	snop  }
0x90: {  	s2 =	sld [smem:$0x3FD0];
	(tm) =	ssettm $0x1  }
0x91: {  	s18 =	sld [smem:$0x3FFB];
	_ =	sdelay $0x3  }
0x92: {  	_ =	strace s18  }
0x93: {  	s3 =	sld [smem:$0x3FFC];
	_ =	sdelay $0x3  }
0x94: {  	_ =	strace s3  }
0x95: {  	s3 =	sld [smem:$0x3FFD];
	_ =	sdelay $0x3  }
0x96: {  	_ =	strace s3  }
0x97: {  	_ =	strace $0x8FFFFFFF  }
0x98: {  	s19 =	sld [smem:$0x3FDB];
	_ =	sdelay $0x1  }
0x99: {  	s4 =	simm.s32 $_scs_section_size  }
0x9a: {  	s5 =	simm.s32 $_size__tile_overlayer_lowered;
	s6 =	simm.s32 $_tile_overlayer_lowered  }
0x9b: {  	s22 =	simm.s32 $0x1BFF;
	s21 =	sshll.u32 s6, $0x1;
	s3 =	sadd.s32 s4, s19  }
0x9c: {  	s7 =	simm.s32 $0x0;
	s20 =	sshll.u32 s5, $0x1;
	s5 =	sadd.s32 s21, s3  }
0x9d: {  	[timem:s7], [sflag:s22] =	dma.local [hbm:s5], s20  }
0x9e: {  	_ =	swait.ge [sflag:s22], s20  }
0x9f: {  	s4 =	ssub.s32 $0x0, s20;
	[sflag:s22] =	ssyncset.done $0x0  }
0xa0: {  	[sflag:s22] =	ssyncadd.s32 s4;
	_ =	sdelay $0x1  }
0xa1: {  	s23 =	simm.s32 $0x1B8B  }
0xa2: {  	_ =	swait.ge [sflag:s23], $0x1  }
0xa3: {  	[sflag:s23] =	ssyncset.done $0x0  }
0xa4: {  	s25 =	simm.s32 $0x1B8E;
	s24 =	sld [smem:$0x3FFE];
	[sflag:s23] =	ssyncadd.s32 $0xFFFFFFFF  }
0xa5: {  	s26 =	simm.s32 $execute0_lowered;
	[smem:$0x3FD2] =	sst s25  }
0xa6: {  	s5 =	sshll.u32 s26, $0x1;
	_ =	strace $0x8000004C;
	[dreg:$0x1] =	wrdreg $0xFFFFFFFF  }
0xa7: {  	s28 =	simm.s32 $_size_execute0_lowered;
	s3 =	sadd.s32 s3, s5;
	[dreg:$0x0] =	wrdreg $0x0  }
0xa8: {  	s5 =	sshll.u32 s28, $0x1;
	[dreg:$0x2] =	wrdreg s3  }
0xa9: {  	[dreg:$0x3] =	wrdreg s5  }
0xaa: {  	[dreg:$0x4] =	wrdreg $0xC0  }
0xab: {  	_ =	task [dreg:s7], $0x5FFFF  }
0xac: {  	[dreg:$0x1] =	wrdreg $0xFFFFFFFF  }
0xad: {  	[dreg:$0x0] =	wrdreg $0x60  }
0xae: {  	[dreg:$0x2] =	wrdreg s2  }
0xaf: {  	[dreg:$0x3] =	wrdreg s24  }
0xb0: {  	[dreg:$0x4] =	wrdreg $0x0  }
0xb1: {  	[dreg:$0x5] =	wrdreg $0x9  }
0xb2: {  	_ =	task.clear_ibuf [dreg:s7], $0x6FFFF;
	_ =	strace $0x9000004C  }
0xb3: {  	s29 =	simm.s32 $0x9;
	_ =	strace $0x8000004E  }
0xb4: {  	_ =	swait.ge [sflag:s29], $0x1  }
0xb5: {  	[sflag:s29] =	ssyncadd.s32 $0xFFFFFFFF  }
0xb6: {  	_ =	strace $0x9000004E  }
0xb7: {  	_ =	sfence  }
0xb8: {  	s30 =	sld [smem:$0x0];
	_ =	sdelay $0x2  }
0xb9: {  	s31 =	sshll.u32 s1, $0xD;
	s1 =	sshrl.u32 s1, $0x2  }
0xba: {  	s3 =	sand.u32 $0x4000, s31;
	s1 =	sadd.s32 s1, s30  }
0xbb: {  	s0 =	sor.u32 s3, s0;
	s1 =	sshll.u32 s1, $0x11  }
0xbc: {  	s0 =	sor.u32 s1, s0  }
0xbd: {  	s0 =	sadd.s32 $0x8F2B, s0  }
0xbe: {  	[sflag:s0] =	ssyncadd.remote.s32 $0x1  }
0xbf: {  	_ =	sfence.sel $0xFFFF  }
0xc0: {  	[dreg:$0x0] =	wrdreg $0xFFFFFFFF;
	(pc) =	sbr.abs _section_cstart, $3  }
0xc1: {  	[dreg:$0x1] =	wrdreg $0xFFFFFFFF  }
0xc2: {  	_ =	task.clear_ibuf [dreg:s7], $0x2FFFF;
	_ =	strace $0x9FFFFFFF  }
0xc3: {  	(tm) =	ssettm $0x7FFFFFFF  }
tec
execute0_lowered:
.L_overlay_start_1:
0x0: {  	(tag) =	ssettag $0x1  }
0x1: {  	s1 =	rddreg [dreg:$0x0]  }
0x2: {  	s0 =	srdreg.scid;
	s2 =	rddreg [dreg:$0x1]  }
0x3: {  	s11 =	stileid.u32;
	s3 =	rddreg [dreg:$0x2]  }
0x4: {  	s22 =	simm.s32 $0x0;
	s12 =	simm.s32 $0x5000;
	s14 =	simm.s32 $0x80  }
0x5: {  	s15 =	simm.s32 $0xF000;
	s17 =	simm.s32 $0x10000;
	s19 =	simm.s32 $0x11000  }
0x6: {  	s21 =	simm.s32 $0x12000;
	s28 =	simm.s32 $0x3;
	s29 =	simm.s32 $0x4  }
0x7: {  	s30 =	simm.s32 $0x5;
	s31 =	simm.s32 $0x6;
	s16 =	simm.s32 $0xA  }
0x8: {  	s0 =	sand.u32 $0x1, s0;
	[smem:$0x7FF] =	sst s22;
	s6 =	smul.u32 $0xA000, s11  }
0x9: {  	s23 =	smul.u32 $0xA00, s11;
	s26 =	sshll.u32 s11, $0x6;
	s22 =	simm.s32 $0x0  }
0xa: {  	s4 =	sshll.u32 s0, $0x4;
	_ =	strace $0x8000004D;
	s8 =	smul.u32 $0xA000, s0  }
0xb: {  	s0 =	ssub.s32 $0x2, s0;
	s5 =	sor.u32 s11, s4;
	s13 =	sshrl.u32 s6, $0x4  }
0xc: {  	s9 =	sadd.s32 s23, s2;
	s10 =	sshrl.u32 s0, $0x1;
	s6 =	sshrl.u32 s6, $0x1  }
0xd: {  	s11 =	simm.s32 $0xB;
	s23 =	simm.s32 $0x13000;
	s5 =	smul.u32 $0xA00, s5  }
0xe: {  	s24 =	sadd.s32 s13, s2;
	s0 =	ssub.s32 s0, s10;
	s25 =	sadd.s32 s6, s3  }
0xf: {  	s6 =	sor.u32 $0x1C0B, s26;
	s26 =	simm.s32 $0x2;
	s10 =	sshrl.u32 s25, $0x3  }
0x10: {  	s25 =	simm.s32 $0x1;
	s7 =	sadd.s32 s5, s2;
	s2 =	sadd.s32 s8, s2  }
0x11: {  	s5 =	sadd.s32 $0x22800, s24;
	s8 =	sadd.s32 $0x1E00, s9;
	s9 =	smax.u32 s0, $0x1  }
0x12: {  	s0 =	simm.s32 $0x8;
	s7 =	sadd.s32 $0xE800, s7;
	s2 =	sadd.s32 $0x2C800, s2  }
0x13: {  	s24 =	sadd.s32 s13, s2;
	s2 =	simm.s32 $0x7;
	s13 =	simm.s32 $0x9  }
.LBB2_1:
0x14: {  	[spmem:s10], [sflag:s6] =	dma.local [hbm:s5], $0xA00  }
0x15: {  	_ =	swait.ge [sflag:s11], $0xA00  }
0x16: {  	[sflag:s11] =	ssyncset.done $0x0  }
0x17: {  	s4 =	simm.s32 $0x0;
	[sflag:s11] =	ssyncadd.s32 $0xFFFFF600  }
0x18: {  	[tilespmem:s12], [sflag:$0xB] =	stream.linear.gather [hbm4b:s7+s4], $0x5000, $0x38;
	[tilespmem:$0x14000] =	vst v63  }
0x19: {  	_ =	swait.ge [sflag:s11], $0x5000  }
0x1a: {  	[sflag:s11] =	ssyncset.done $0x0  }
0x1b: {  	s18 =	simm.s32 $0xA000;
	[sflag:s11] =	ssyncadd.s32 $0xFFFFB000  }
0x1c: {  	[tilespmem:s18], [sflag:$0xB] =	stream.linear.gather [hbm4b:s8+s4], $0x5000, $0x38;
	[tilespmem:$0x14000] =	vst v63  }
0x1d: {  	_ =	swait.ge [sflag:s11], $0x5000  }
0x1e: {  	[sflag:s11] =	ssyncset.done $0x0  }
0x1f: {  	[sflag:s11] =	ssyncadd.s32 $0xFFFFB000  }
0x20: {  	[bflag:$0x0] =	sbarrier.arrive $0xFFFF  }
0x21: {  	[tilespmem:s15], [sflag:$0x1] =	stream.indirect.gather [hbm4b:s1+s14], $0x20, s12, s14, $0xb8;
	[tilespmem:$0x14000] =	vst v63  }
0x22: {  	s20 =	simm.s32 $0x5080  }
0x23: {  	[tilespmem:s17], [sflag:$0x2] =	stream.indirect.gather [hbm4b:s1+s14], $0x20, s20, s14, $0xb8;
	[tilespmem:$0x14000] =	vst v63  }
0x24: {  	s18 =	simm.s32 $0x5100  }
0x25: {  	[tilespmem:s19], [sflag:$0x3] =	stream.indirect.gather [hbm4b:s1+s14], $0x20, s18, s14, $0xb8;
	[tilespmem:$0x14000] =	vst v63  }
0x26: {  	s20 =	simm.s32 $0x5180  }
0x27: {  	[tilespmem:s21], [sflag:$0x4] =	stream.indirect.gather [hbm4b:s1+s14], $0x20, s20, s14, $0xb8;
	[tilespmem:$0x14000] =	vst v63  }
0x28: {  	s18 =	simm.s32 $0x5200  }
0x29: {  	[tilespmem:s23], [sflag:$0x5] =	stream.indirect.gather [hbm4b:s1+s14], $0x20, s18, s14, $0xb8;
	[tilespmem:$0x14000] =	vst v63  }
0x2a: {  	_ =	swait.ge [sflag:s25], $0x1000  }
0x2b: {  	[sflag:s25] =	ssyncset.done $0x0  }
0x2c: {  	s20 =	simm.s32 $0xA000;
	[sflag:s25] =	ssyncadd.s32 $0xFFFFF000  }
0x2d: {  	[spmem:s3] =	stream.indirect.scatter.add.s16 [tilespmem:s15], [sflag:$0x6], $0x20, s20, s14, $0xb8;
	[tilespmem:$0x14000] =	vst v63  }
0x2e: {  	_ =	swait.ge [sflag:s26], $0x1000  }
0x2f: {  	[sflag:s26] =	ssyncset.done $0x0  }
0x30: {  	s4 =	simm.s32 $0xA080;
	[sflag:s26] =	ssyncadd.s32 $0xFFFFF000  }
0x31: {  	[spmem:s3] =	stream.indirect.scatter.add.s16 [tilespmem:s17], [sflag:$0x7], $0x20, s4, s14, $0xb8;
	[tilespmem:$0x14000] =	vst v63  }
0x32: {  	_ =	swait.ge [sflag:s28], $0x1000  }
0x33: {  	[sflag:s28] =	ssyncset.done $0x0  }
0x34: {  	s20 =	simm.s32 $0xA100;
	[sflag:s28] =	ssyncadd.s32 $0xFFFFF000  }
0x35: {  	[spmem:s3] =	stream.indirect.scatter.add.s16 [tilespmem:s19], [sflag:$0x8], $0x20, s20, s14, $0xb8;
	[tilespmem:$0x14000] =	vst v63  }
0x36: {  	_ =	swait.ge [sflag:s29], $0x1000  }
0x37: {  	[sflag:s29] =	ssyncset.done $0x0  }
0x38: {  	s4 =	simm.s32 $0xA180;
	[sflag:s29] =	ssyncadd.s32 $0xFFFFF000  }
0x39: {  	[spmem:s3] =	stream.indirect.scatter.add.s16 [tilespmem:s21], [sflag:$0x9], $0x20, s4, s14, $0xb8;
	[tilespmem:$0x14000] =	vst v63  }
0x3a: {  	_ =	swait.ge [sflag:s30], $0x1000  }
0x3b: {  	[sflag:s30] =	ssyncset.done $0x0  }
0x3c: {  	s20 =	simm.s32 $0xA200;
	[sflag:s30] =	ssyncadd.s32 $0xFFFFF000  }
0x3d: {  	[spmem:s3] =	stream.indirect.scatter.add.s16 [tilespmem:s23], [sflag:$0xA], $0x20, s20, s14, $0xb8;
	[tilespmem:$0x14000] =	vst v63  }
0x3e: {  	_ =	swait.ge [sflag:s31], $0x1000  }
0x3f: {  	[sflag:s31] =	ssyncset.done $0x0  }
0x40: {  	s4 =	simm.s32 $0x5280;
	[sflag:s31] =	ssyncadd.s32 $0xFFFFF000  }
0x41: {  	[tilespmem:s15], [sflag:$0x1] =	stream.indirect.gather [hbm4b:s1+s14], $0x20, s4, s14, $0xb8;
	[tilespmem:$0x14000] =	vst v63  }
0x42: {  	_ =	swait.ge [sflag:s2], $0x1000  }
0x43: {  	[sflag:s2] =	ssyncset.done $0x0  }
0x44: {  	s20 =	simm.s32 $0x5300;
	[sflag:s2] =	ssyncadd.s32 $0xFFFFF000  }
0x45: {  	[tilespmem:s17], [sflag:$0x2] =	stream.indirect.gather [hbm4b:s1+s14], $0x20, s20, s14, $0xb8;
	[tilespmem:$0x14000] =	vst v63  }
0x46: {  	_ =	swait.ge [sflag:s0], $0x1000  }
0x47: {  	[sflag:s0] =	ssyncset.done $0x0  }
0x48: {  	s4 =	simm.s32 $0x5380;
	[sflag:s0] =	ssyncadd.s32 $0xFFFFF000  }
0x49: {  	[tilespmem:s19], [sflag:$0x3] =	stream.indirect.gather [hbm4b:s1+s14], $0x20, s4, s14, $0xb8;
	[tilespmem:$0x14000] =	vst v63  }
0x4a: {  	_ =	swait.ge [sflag:s13], $0x1000  }
0x4b: {  	[sflag:s13] =	ssyncset.done $0x0  }
0x4c: {  	s20 =	simm.s32 $0x5400;
	[sflag:s13] =	ssyncadd.s32 $0xFFFFF000  }
0x4d: {  	[tilespmem:s21], [sflag:$0x4] =	stream.indirect.gather [hbm4b:s1+s14], $0x20, s20, s14, $0xb8;
	[tilespmem:$0x14000] =	vst v63  }
0x4e: {  	_ =	swait.ge [sflag:s16], $0x1000  }
0x4f: {  	[sflag:s16] =	ssyncset.done $0x0  }
0x50: {  	s18 =	simm.s32 $0xA00;
	s20 =	simm.s32 $0x5480;
	[sflag:s16] =	ssyncadd.s32 $0xFFFFF000  }
.LBB2_2:
0x51: {  	[tilespmem:s23], [sflag:$0x5] =	stream.indirect.gather [hbm4b:s1+s14], $0x20, s20, s14, $0xb8;
	[tilespmem:$0x14000] =	vst v63  }
0x52: {  	s20 =	smov.u32 s18  }
0x53: {  	p0 =	sne.s32 s18, $0x12C00;
	s18 =	sadd.s32 $0xA00, s18;
	_ =	swait.ge [sflag:s25], $0x1000  }
0x54: {  	s20 =	sshra.s32 s20, $0x2;
	[sflag:s25] =	ssyncset.done $0x0  }
0x55: {  	s4 =	sadd.s32 $0xA000, s20;
	[sflag:s25] =	ssyncadd.s32 $0xFFFFF000  }
0x56: {  	[spmem:s3] =	stream.indirect.scatter.add.s16 [tilespmem:s15], [sflag:$0x6], $0x20, s4, s14, $0xb8;
	[tilespmem:$0x14000] =	vst v63  }
0x57: {  	_ =	swait.ge [sflag:s26], $0x1000  }
0x58: {  	[sflag:s26] =	ssyncset.done $0x0  }
0x59: {  	s4 =	sadd.s32 $0xA080, s20;
	[sflag:s26] =	ssyncadd.s32 $0xFFFFF000  }
0x5a: {  	[spmem:s3] =	stream.indirect.scatter.add.s16 [tilespmem:s17], [sflag:$0x7], $0x20, s4, s14, $0xb8;
	[tilespmem:$0x14000] =	vst v63  }
0x5b: {  	_ =	swait.ge [sflag:s28], $0x1000  }
0x5c: {  	[sflag:s28] =	ssyncset.done $0x0  }
0x5d: {  	s4 =	sadd.s32 $0xA100, s20;
	[sflag:s28] =	ssyncadd.s32 $0xFFFFF000  }
0x5e: {  	[spmem:s3] =	stream.indirect.scatter.add.s16 [tilespmem:s19], [sflag:$0x8], $0x20, s4, s14, $0xb8;
	[tilespmem:$0x14000] =	vst v63  }
0x5f: {  	_ =	swait.ge [sflag:s29], $0x1000  }
0x60: {  	[sflag:s29] =	ssyncset.done $0x0  }
0x61: {  	s4 =	sadd.s32 $0xA180, s20;
	[sflag:s29] =	ssyncadd.s32 $0xFFFFF000  }
0x62: {  	[spmem:s3] =	stream.indirect.scatter.add.s16 [tilespmem:s21], [sflag:$0x9], $0x20, s4, s14, $0xb8;
	[tilespmem:$0x14000] =	vst v63  }
0x63: {  	_ =	swait.ge [sflag:s30], $0x1000  }
0x64: {  	[sflag:s30] =	ssyncset.done $0x0  }
0x65: {  	s4 =	sadd.s32 $0xA200, s20;
	[sflag:s30] =	ssyncadd.s32 $0xFFFFF000  }
0x66: {  	[spmem:s3] =	stream.indirect.scatter.add.s16 [tilespmem:s23], [sflag:$0xA], $0x20, s4, s14, $0xb8;
	[tilespmem:$0x14000] =	vst v63  }
0x67: {  	_ =	swait.ge [sflag:s31], $0x1000  }
0x68: {  	[sflag:s31] =	ssyncset.done $0x0  }
0x69: {  	s4 =	sadd.s32 $0x5280, s20;
	[sflag:s31] =	ssyncadd.s32 $0xFFFFF000  }
0x6a: {  	[tilespmem:s15], [sflag:$0x1] =	stream.indirect.gather [hbm4b:s1+s14], $0x20, s4, s14, $0xb8;
	[tilespmem:$0x14000] =	vst v63  }
0x6b: {  	_ =	swait.ge [sflag:s2], $0x1000  }
0x6c: {  	[sflag:s2] =	ssyncset.done $0x0  }
0x6d: {  	s4 =	sadd.s32 $0x5300, s20;
	[sflag:s2] =	ssyncadd.s32 $0xFFFFF000  }
0x6e: {  	[tilespmem:s17], [sflag:$0x2] =	stream.indirect.gather [hbm4b:s1+s14], $0x20, s4, s14, $0xb8;
	[tilespmem:$0x14000] =	vst v63  }
0x6f: {  	_ =	swait.ge [sflag:s0], $0x1000  }
0x70: {  	[sflag:s0] =	ssyncset.done $0x0  }
0x71: {  	s4 =	sadd.s32 $0x5380, s20;
	[sflag:s0] =	ssyncadd.s32 $0xFFFFF000  }
0x72: {  	[tilespmem:s19], [sflag:$0x3] =	stream.indirect.gather [hbm4b:s1+s14], $0x20, s4, s14, $0xb8;
	[tilespmem:$0x14000] =	vst v63  }
0x73: {  	_ =	swait.ge [sflag:s13], $0x1000  }
0x74: {  	[sflag:s13] =	ssyncset.done $0x0  }
.Ltmp0:
0x75: {  	s4 =	sadd.s32 $0x5400, s20;
	[sflag:s13] =	ssyncadd.s32 $0xFFFFF000;
	(pc) =	sbr.rel @p0 .LBB2_2-.Ltmp0, $4  }
0x76: {  	[tilespmem:s21], [sflag:$0x4] =	stream.indirect.gather [hbm4b:s1+s14], $0x20, s4, s14, $0xb8;
	[tilespmem:$0x14000] =	vst v63  }
0x77: {  	_ =	swait.ge [sflag:s16], $0x1000  }
0x78: {  	[sflag:s16] =	ssyncset.done $0x0  }
0x79: {  	s20 =	sadd.s32 $0x5480, s20;
	[sflag:s16] =	ssyncadd.s32 $0xFFFFF000  }
0x7a: {  	[tilespmem:s23], [sflag:$0x5] =	stream.indirect.gather [hbm4b:s1+s14], $0x20, s20, s14, $0xb8;
	[tilespmem:$0x14000] =	vst v63  }
0x7b: {  	_ =	swait.ge [sflag:s25], $0x1000  }
0x7c: {  	[sflag:s25] =	ssyncset.done $0x0  }
0x7d: {  	s4 =	simm.s32 $0xED80;
	[sflag:s25] =	ssyncadd.s32 $0xFFFFF000  }
0x7e: {  	[spmem:s3] =	stream.indirect.scatter.add.s16 [tilespmem:s15], [sflag:$0x6], $0x20, s4, s14, $0xb8;
	[tilespmem:$0x14000] =	vst v63  }
0x7f: {  	_ =	swait.ge [sflag:s26], $0x1000  }
0x80: {  	[sflag:s26] =	ssyncset.done $0x0  }
0x81: {  	s18 =	simm.s32 $0xEE00;
	[sflag:s26] =	ssyncadd.s32 $0xFFFFF000  }
0x82: {  	[spmem:s3] =	stream.indirect.scatter.add.s16 [tilespmem:s17], [sflag:$0x7], $0x20, s18, s14, $0xb8;
	[tilespmem:$0x14000] =	vst v63  }
0x83: {  	_ =	swait.ge [sflag:s28], $0x1000  }
0x84: {  	[sflag:s28] =	ssyncset.done $0x0  }
0x85: {  	s20 =	simm.s32 $0xEE80;
	[sflag:s28] =	ssyncadd.s32 $0xFFFFF000  }
0x86: {  	[spmem:s3] =	stream.indirect.scatter.add.s16 [tilespmem:s19], [sflag:$0x8], $0x20, s20, s14, $0xb8;
	[tilespmem:$0x14000] =	vst v63  }
0x87: {  	_ =	swait.ge [sflag:s29], $0x1000  }
0x88: {  	[sflag:s29] =	ssyncset.done $0x0  }
0x89: {  	s18 =	simm.s32 $0xEF00;
	[sflag:s29] =	ssyncadd.s32 $0xFFFFF000  }
0x8a: {  	[spmem:s3] =	stream.indirect.scatter.add.s16 [tilespmem:s21], [sflag:$0x9], $0x20, s18, s14, $0xb8;
	[tilespmem:$0x14000] =	vst v63  }
0x8b: {  	_ =	swait.ge [sflag:s30], $0x1000  }
0x8c: {  	[sflag:s30] =	ssyncset.done $0x0  }
0x8d: {  	s20 =	simm.s32 $0xEF80;
	[sflag:s30] =	ssyncadd.s32 $0xFFFFF000  }
0x8e: {  	[spmem:s3] =	stream.indirect.scatter.add.s16 [tilespmem:s23], [sflag:$0xA], $0x20, s20, s14, $0xb8;
	[tilespmem:$0x14000] =	vst v63  }
0x8f: {  	_ =	swait.ge [sflag:s31], $0x1000  }
0x90: {  	[sflag:s31] =	ssyncset.done $0x0  }
0x91: {  	[sflag:s31] =	ssyncadd.s32 $0xFFFFF000  }
0x92: {  	_ =	swait.ge [sflag:s2], $0x1000  }
0x93: {  	[sflag:s2] =	ssyncset.done $0x0  }
0x94: {  	[sflag:s2] =	ssyncadd.s32 $0xFFFFF000  }
0x95: {  	_ =	swait.ge [sflag:s0], $0x1000  }
0x96: {  	[sflag:s0] =	ssyncset.done $0x0  }
0x97: {  	[sflag:s0] =	ssyncadd.s32 $0xFFFFF000  }
0x98: {  	_ =	swait.ge [sflag:s13], $0x1000  }
0x99: {  	[sflag:s13] =	ssyncset.done $0x0  }
0x9a: {  	[sflag:s13] =	ssyncadd.s32 $0xFFFFF000  }
0x9b: {  	_ =	swait.ge [sflag:s16], $0x1000  }
0x9c: {  	s22 =	sadd.s32 $0x1, s22;
	[sflag:s16] =	ssyncset.done $0x0  }
0x9d: {  	p0 =	sne.s32 s22, s9;
	[sflag:s16] =	ssyncadd.s32 $0xFFFFF000  }
.Ltmp1:
0x9e: {  	[bflag:$0x0] =	sbarrier.arrive $0xFFFF;
	(pc) =	sbr.rel @p0 .LBB2_1-.Ltmp1, $4  }
0x9f: {  	[hbm:s24], [sflag:s6] =	dma.local [spmem:s10], $0xA00  }
0xa0: {  	_ =	swait.ge [sflag:s11], $0xA00  }
0xa1: {  	[sflag:s11] =	ssyncset.done $0x0  }
0xa2: {  	[sflag:s11] =	ssyncadd.s32 $0xFFFFF600  }
0xa3: {  	_ =	sfence.sel $0x180000  }
0xa4: {  	[bflag:$0x0] =	sbarrier.arrive $0xFFFF  }
0xa5: {  	_ =	strace $0x9000004D  }
0xa6: {  	s0 =	stileid.u32;
	[bflag:$0x2] =	sbarrier.arrive $0xFFFF  }
0xa7: {  	p0 =	sne.s32 s0, $0x0;
	s0 =	rddreg [dreg:$0x3]  }
0xa8: {  	s0 =	sadd.s32 @!p0 $0x100000, s0  }
0xa9: {  	[sflag:s0] =	ssyncadd.tile.s32 @!p0 $0x1;
	_ =	shalt  }
.Lfunc_end2:
_tile_overlayer_lowered:
.L_overlay_start_2:
0xaa: {  	(tag) =	ssettag $0x2  }
0xab: {  	s0 =	rddreg [dreg:$0x0];
	s2 =	stileid.u32  }
0xac: {  	s1 =	rddreg [dreg:$0x1];
	p0 =	sne.s32 s2, $0x0  }
0xad: {  	s3 =	rddreg [dreg:$0x2];
	[bflag:$0x3] =	sbarrier.arrive $0xFFFF;
	s2 =	simm.s32 @!p0 $0x1C0B  }
0xae: {  	[timem:s3], [sflag:s2] =	dma.local @!p0 [hbm:s0], s1  }
0xaf: {  	s0 =	simm.s32 @!p0 $0xB  }
0xb0: {  	_ =	swait.ge @!p0 [sflag:s0], s1  }
0xb1: {  	s1 =	ssub.s32 @!p0 $0x0, s1;
	[sflag:s0] =	ssyncset.done @!p0 $0x0  }
0xb2: {  	[sflag:s0] =	ssyncadd.s32 @!p0 s1  }
0xb3: {  	[bflag:$0x3] =	sbarrier.arrive $0xFFFF  }
0xb4: {  	_ =	shalt  }

// kernel: kernel.8.cloned.1.call-start
scs
__scs_entry_jumppad:
0x0: {  	(pc) =	sbr.rel $0x88, $3  }
0x1: {  	(tag) =	ssettag $0x0;
	lr =	simm.s32 $0x1  }
0x2: {  	[smem:$0x3F99] =	sst lr;
	_ =	strace $0xD0000000  }
0x3: {  	_ = 	snop  }
0x4: {  	_ = 	snop  }
0x5: {  	_ = 	snop  }
0x6: {  	_ = 	snop  }
0x7: {  	_ = 	snop  }
__scs_overlays_trampoline_lowered:
0x8: {  	[smem:$0x3FA8] =	sst s0  }
0x9: {  	[smem:$0x3FA9] =	sst s1  }
0xa: {  	[smem:$0x3FAA] =	sst s2  }
0xb: {  	[smem:$0x3FAB] =	sst s3  }
0xc: {  	[smem:$0x3FAC] =	sst s4  }
0xd: {  	[smem:$0x3FAD] =	sst s5  }
0xe: {  	[smem:$0x3FAE] =	sst s6  }
0xf: {  	[smem:$0x3FAF] =	sst s7  }
0x10: {  	[smem:$0x3FB0] =	sst s8  }
0x11: {  	[smem:$0x3FB1] =	sst s9;
	s0 =	simm.s32 @!p0 $0x0  }
0x12: {  	s1 =	sld [smem:$0x3F97];
	s0 =	simm.s32 @p0 $0x1  }
0x13: {  	[smem:$0x3FB2] =	sst s0;
	s0 =	simm.s32 @!p1 $0x0  }
0x14: {  	s2 =	sld [smem:$0x3F96];
	s0 =	simm.s32 @p1 $0x1  }
0x15: {  	[smem:$0x3FB3] =	sst s0;
	s0 =	simm.s32 @!p2 $0x0  }
0x16: {  	s3 =	sld [smem:$0x3FDB];
	s0 =	simm.s32 @p2 $0x1  }
0x17: {  	s4 =	simm.s32 $0x1BF5;
	[smem:$0x3FB5] =	sst s0  }
0x18: {  	s0 =	sld [smem:$0x3F98];
	_ =	swait.ge [sflag:s4], $0x0  }
0x19: {  	s7 =	sld [smem:$0x3F99]  }
0x1a: {  	s8 =	sadd.s32 $0xFFFFE003, lr  }
0x1b: {  	s9 =	sadd.s32 $0xFFFFFEF7, lr;
	s5 =	simm.s32 $0xFFFFFFFF;
	p2 =	slt.u32 s8, $0xFFFFF086  }
0x1c: {  	p1 =	slt.u32 s9, $0xF7A;
	s5 =	simm.s32 @!p2 $0x0  }
0x1d: {  	s5 =	simm.s32 @p1 $0x1;
	p0 =	seq.s32 s7, s2  }
0x1e: {  	s7 =	smul.u32 @!p0 $0xF7A, s2;
	p2 =	seq.s32 @!p0 s5, $0x0  }
0x1f: {  	s9 =	smul.u32 $0xF7A, s1;
	s8 =	simm.s32 @!p0 $0x1BF5;
	p2 =	por !p2, p0  }
0x20: {  	[sflag:s8] =	ssyncset.s32 @!p0 $0xFFFFF086;
	s6 =	sadd.s32 @!p0 s3, s7;
	s7 =	simm.s32 @!p0 $0x108  }
0x21: {  	s3 =	sadd.s32 s3, s9;
	s6 =	sadd.s32 @!p0 $0x88, s6;
	s7 =	simm.s32 @p2 $0x1082  }
0x22: {  	[simem:s7], [sflag:s8] =	dma.local @!p0 [hbm:s6], $0xF7A  }
0x23: {  	s9 =	sor.u32 $0xD0000000, s2;
	s6 =	simm.s32 $0x108;
	_ =	swait.ge @!p0 [sflag:s8], $0x0  }
0x24: {  	s3 =	sadd.s32 $0x88, s3;
	s6 =	simm.s32 @!p1 $0x1082;
	[sflag:s4] =	ssyncset.s32 $0xFFFFF086  }
0x25: {  	[simem:s6], [sflag:s4] =	dma.local [hbm:s3], $0xF7A  }
0x26: {  	[smem:$0x3F99] =	sst s1;
	(tag) =	ssettag s2;
	_ =	strace s9  }
0x27: {  	s1 =	sld [smem:$0x3FA9]  }
0x28: {  	s2 =	sld [smem:$0x3FAA]  }
0x29: {  	s4 =	sld [smem:$0x3FAC]  }
0x2a: {  	p0 =	seq.s32 s5, $0x0;
	s5 =	sld [smem:$0x3FAD]  }
0x2b: {  	s6 =	sld [smem:$0x3FAE]  }
0x2c: {  	s7 =	sld [smem:$0x3FAF]  }
0x2d: {  	s3 =	simm.s32 $0x108;
	s8 =	sld [smem:$0x3FB0]  }
0x2e: {  	s3 =	simm.s32 @!p0 $0x1082;
	s9 =	sld [smem:$0x3FB1]  }
0x2f: {  	lr =	sadd.s32 s0, s3;
	s0 =	sld [smem:$0x3FA8]  }
0x30: {  	s3 =	sld [smem:$0x3FAB]  }
0x31: {  	[smem:$0x3FB4] =	sst s10  }
0x32: {  	s10 =	sld [smem:$0x3FB2];
	_ =	sdelay $0x3  }
0x33: {  	p0 =	seq.s32 s10, $0x1;
	s10 =	sld [smem:$0x3FB4];
	_ =	sdelay $0x3  }
0x34: {  	[smem:$0x3FB4] =	sst s10  }
0x35: {  	s10 =	sld [smem:$0x3FB3];
	_ =	sdelay $0x3  }
0x36: {  	p1 =	seq.s32 s10, $0x1;
	s10 =	sld [smem:$0x3FB4];
	_ =	sdelay $0x3  }
0x37: {  	[smem:$0x3FB4] =	sst s10  }
0x38: {  	s10 =	sld [smem:$0x3FB5]  }
0x39: {  	_ = 	snop;
	(pc) =	sbr.ind lr, $3  }
0x3a: {  	_ = 	snop  }
0x3b: {  	_ = 	snop  }
0x3c: {  	p2 =	seq.s32 s10, $0x1;
	s10 =	sld [smem:$0x3FB4]  }
0x3d: {  	_ =	shalt  }
0x3e: {  	_ =	shalt  }
0x3f: {  	_ =	shalt  }
0x40: {  	_ =	shalt  }
0x41: {  	_ =	shalt  }
0x42: {  	_ =	shalt  }
0x43: {  	_ =	shalt  }
0x44: {  	_ =	shalt  }
0x45: {  	_ =	shalt  }
0x46: {  	_ =	shalt  }
0x47: {  	_ =	shalt  }
0x48: {  	_ =	shalt  }
0x49: {  	_ =	shalt  }
0x4a: {  	_ =	shalt  }
0x4b: {  	_ =	shalt  }
0x4c: {  	_ =	shalt  }
0x4d: {  	_ =	shalt  }
0x4e: {  	_ =	shalt  }
0x4f: {  	_ =	shalt  }
0x50: {  	_ =	shalt  }
0x51: {  	_ =	shalt  }
0x52: {  	_ =	shalt  }
0x53: {  	_ =	shalt  }
0x54: {  	_ =	shalt  }
0x55: {  	_ =	shalt  }
0x56: {  	_ =	shalt  }
0x57: {  	_ =	shalt  }
0x58: {  	_ =	shalt  }
0x59: {  	_ =	shalt  }
0x5a: {  	_ =	shalt  }
0x5b: {  	_ =	shalt  }
0x5c: {  	_ =	shalt  }
0x5d: {  	_ =	shalt  }
0x5e: {  	_ =	shalt  }
0x5f: {  	_ =	shalt  }
0x60: {  	_ =	shalt  }
0x61: {  	_ =	shalt  }
0x62: {  	_ =	shalt  }
0x63: {  	_ =	shalt  }
0x64: {  	_ =	shalt  }
0x65: {  	_ =	shalt  }
0x66: {  	_ =	shalt  }
0x67: {  	_ =	shalt  }
0x68: {  	_ =	shalt  }
0x69: {  	_ =	shalt  }
0x6a: {  	_ =	shalt  }
0x6b: {  	_ =	shalt  }
0x6c: {  	_ =	shalt  }
0x6d: {  	_ =	shalt  }
0x6e: {  	_ =	shalt  }
0x6f: {  	_ =	shalt  }
0x70: {  	_ =	shalt  }
0x71: {  	_ =	shalt  }
0x72: {  	_ =	shalt  }
0x73: {  	_ =	shalt  }
0x74: {  	_ =	shalt  }
0x75: {  	_ =	shalt  }
0x76: {  	_ =	shalt  }
0x77: {  	_ =	shalt  }
0x78: {  	_ =	shalt  }
0x79: {  	_ =	shalt  }
0x7a: {  	_ =	shalt  }
0x7b: {  	_ =	shalt  }
0x7c: {  	_ =	shalt  }
0x7d: {  	_ =	shalt  }
0x7e: {  	_ =	shalt  }
0x7f: {  	_ =	shalt  }
0x80: {  	_ =	shalt  }
0x81: {  	_ =	shalt  }
0x82: {  	_ =	shalt  }
0x83: {  	_ =	shalt  }
0x84: {  	_ =	shalt  }
0x85: {  	_ =	shalt  }
0x86: {  	_ =	shalt  }
0x87: {  	_ =	shalt  }
.Lfunc_end0:
.L_simem_size_0:
called_computation_lowered:
.L_overlay_start_0:
0x88: {  	s2 =	sld [smem:$0x3FD9]  }
0x89: {  	s3 =	sld [smem:$0x3FFE];
	_ =	sdelay $0x1  }
0x8a: {  	s1 =	srdreg.scid  }
0x8b: {  	s0 =	sand.u32 $0x1, s1  }
0x8c: {  	s17 =	sshll.u32 s0, $0xA;
	s2 =	sadd.s32 s3, s2  }
0x8d: {  	s2 =	sadd.s32 s2, s17  }
0x8e: {  	[smem:$0x3FC0] =	sst s2  }
0x8f: {  	_ = 	snop  }
0x90: {  	s2 =	sld [smem:$0x3FD0];
	(tm) =	ssettm $0x1  }
0x91: {  	s18 =	sld [smem:$0x3FFB];
	_ =	sdelay $0x3  }
0x92: {  	_ =	strace s18  }
0x93: {  	s3 =	sld [smem:$0x3FFC];
	_ =	sdelay $0x3  }
0x94: {  	_ =	strace s3  }
0x95: {  	s3 =	sld [smem:$0x3FFD];
	_ =	sdelay $0x3  }
0x96: {  	_ =	strace s3  }
0x97: {  	_ =	strace $0x8FFFFFFF  }
0x98: {  	s19 =	sld [smem:$0x3FDB];
	_ =	sdelay $0x1  }
0x99: {  	s4 =	simm.s32 $_scs_section_size  }
0x9a: {  	s5 =	simm.s32 $_size__tile_overlayer_lowered;
	s6 =	simm.s32 $_tile_overlayer_lowered  }
0x9b: {  	s22 =	simm.s32 $0x1BFF;
	s21 =	sshll.u32 s6, $0x1;
	s3 =	sadd.s32 s4, s19  }
0x9c: {  	s7 =	simm.s32 $0x0;
	s20 =	sshll.u32 s5, $0x1;
	s5 =	sadd.s32 s21, s3  }
0x9d: {  	[timem:s7], [sflag:s22] =	dma.local [hbm:s5], s20  }
0x9e: {  	_ =	swait.ge [sflag:s22], s20  }
0x9f: {  	s4 =	ssub.s32 $0x0, s20;
	[sflag:s22] =	ssyncset.done $0x0  }
0xa0: {  	[sflag:s22] =	ssyncadd.s32 s4;
	_ =	sdelay $0x1  }
0xa1: {  	s23 =	simm.s32 $0x1B8B  }
0xa2: {  	_ =	swait.ge [sflag:s23], $0x1  }
0xa3: {  	[sflag:s23] =	ssyncset.done $0x0  }
0xa4: {  	s25 =	simm.s32 $0x1B8E;
	s24 =	sld [smem:$0x3FFE];
	[sflag:s23] =	ssyncadd.s32 $0xFFFFFFFF  }
0xa5: {  	s26 =	simm.s32 $execute0_lowered;
	[smem:$0x3FD2] =	sst s25  }
0xa6: {  	s5 =	sshll.u32 s26, $0x1;
	_ =	strace $0x80000046;
	[dreg:$0x1] =	wrdreg $0xFFFFFFFF  }
0xa7: {  	s28 =	simm.s32 $_size_execute0_lowered;
	s3 =	sadd.s32 s3, s5;
	[dreg:$0x0] =	wrdreg $0x0  }
0xa8: {  	s5 =	sshll.u32 s28, $0x1;
	[dreg:$0x2] =	wrdreg s3  }
0xa9: {  	[dreg:$0x3] =	wrdreg s5  }
0xaa: {  	[dreg:$0x4] =	wrdreg $0xC0  }
0xab: {  	_ =	task [dreg:s7], $0x5FFFF  }
0xac: {  	[dreg:$0x1] =	wrdreg $0xFFFFFFFF  }
0xad: {  	[dreg:$0x0] =	wrdreg $0x60  }
0xae: {  	[dreg:$0x2] =	wrdreg s24  }
0xaf: {  	[dreg:$0x3] =	wrdreg s2  }
0xb0: {  	[dreg:$0x4] =	wrdreg $0x0  }
0xb1: {  	[dreg:$0x5] =	wrdreg $0x9  }
0xb2: {  	_ =	task.clear_ibuf [dreg:s7], $0x6FFFF;
	_ =	strace $0x90000046  }
0xb3: {  	s29 =	simm.s32 $0x9;
	_ =	strace $0x80000048  }
0xb4: {  	_ =	swait.ge [sflag:s29], $0x1  }
0xb5: {  	[sflag:s29] =	ssyncadd.s32 $0xFFFFFFFF  }
0xb6: {  	_ =	strace $0x90000048  }
0xb7: {  	_ =	sfence  }
0xb8: {  	s30 =	sld [smem:$0x0];
	_ =	sdelay $0x2  }
0xb9: {  	s31 =	sshll.u32 s1, $0xD;
	s1 =	sshrl.u32 s1, $0x2  }
0xba: {  	s3 =	sand.u32 $0x4000, s31;
	s1 =	sadd.s32 s1, s30  }
0xbb: {  	s0 =	sor.u32 s3, s0;
	s1 =	sshll.u32 s1, $0x11  }
0xbc: {  	s0 =	sor.u32 s1, s0  }
0xbd: {  	s0 =	sadd.s32 $0x8F2B, s0  }
0xbe: {  	[sflag:s0] =	ssyncadd.remote.s32 $0x1  }
0xbf: {  	_ =	sfence.sel $0xFFFF  }
0xc0: {  	[dreg:$0x0] =	wrdreg $0xFFFFFFFF;
	(pc) =	sbr.abs _section_cstart, $3  }
0xc1: {  	[dreg:$0x1] =	wrdreg $0xFFFFFFFF  }
0xc2: {  	_ =	task.clear_ibuf [dreg:s7], $0x2FFFF;
	_ =	strace $0x9FFFFFFF  }
0xc3: {  	(tm) =	ssettm $0x7FFFFFFF  }
tec
execute0_lowered:
.L_overlay_start_1:
0x0: {  	(tag) =	ssettag $0x1  }
0x1: {  	s5 =	rddreg [dreg:$0x0];
	s1 =	srdreg.scid  }
0x2: {  	s0 =	stileid.u32;
	s8 =	rddreg [dreg:$0x1]  }
0x3: {  	s2 =	rddreg [dreg:$0x2];
	s3 =	simm.s32 $0x0;
	s13 =	simm.s32 $0x80  }
0x4: {  	s14 =	simm.s32 $0x1;
	s6 =	sand.u32 $0x1, s1;
	s1 =	rddreg [dreg:$0x3]  }
0x5: {  	s29 =	sshll.u32 s0, $0x1;
	[smem:$0x7FF] =	sst s3;
	s7 =	smul.u32 $0x1400, s0  }
0x6: {  	s31 =	sshll.u32 s0, $0x6;
	s4 =	sor.u32 s6, s29;
	_ =	strace $0x80000047  }
0x7: {  	s10 =	ssub.s32 $0x2, s6;
	s30 =	smul.u32 $0x2800, s6;
	s6 =	sor.u32 $0x1C02, s31  }
0x8: {  	s4 =	smul.u32 $0x500, s4;
	s15 =	sshrl.u32 s7, $0x3;
	s11 =	sshrl.u32 s10, $0x1  }
0x9: {  	s12 =	sadd.s32 s7, s2;
	s10 =	ssub.s32 s10, s11;
	s16 =	sadd.s32 s8, s30  }
0xa: {  	s11 =	simm.s32 $0x1400;
	s9 =	sadd.s32 s4, s5;
	s4 =	sadd.s32 $0xE600, s5  }
0xb: {  	s5 =	sadd.s32 s15, s5;
	s8 =	smax.u32 s10, $0x1;
	s10 =	simm.s32 $0x2  }
0xc: {  	s15 =	sadd.s32 s15, s16;
	s16 =	simm.s32 $0x0;
	s5 =	sadd.s32 $0xBE00, s5  }
0xd: {  	s7 =	sadd.s32 $0x1E00, s9;
	s9 =	sshrl.u32 s12, $0x3;
	s12 =	simm.s32 $0x3C00  }
.LBB2_1:
0xe: {  	[spmem:s9], [sflag:s6] =	dma.local [hbm:s5], $0x280  }
0xf: {  	_ =	swait.ge [sflag:s10], $0x280  }
0x10: {  	[sflag:s10] =	ssyncset.done $0x0  }
0x11: {  	[sflag:s10] =	ssyncadd.s32 $0xFFFFFD80  }
0x12: {  	[tilespmem:s11], [sflag:$0x2] =	stream.linear.gather [hbm4b:s7+s3], $0x2800, $0x38;
	[tilespmem:$0x4000] =	vst v63  }
0x13: {  	_ =	swait.ge [sflag:s10], $0x2800  }
0x14: {  	[sflag:s10] =	ssyncset.done $0x0  }
0x15: {  	[sflag:s10] =	ssyncadd.s32 $0xFFFFD800  }
0x16: {  	[tilespmem:s12], [sflag:$0x2] =	stream.linear.gather [hbm4b:s4+s3], $0x400, $0x38;
	[tilespmem:$0x4000] =	vst v63  }
0x17: {  	_ =	swait.ge [sflag:s10], $0x400  }
0x18: {  	[sflag:s10] =	ssyncset.done $0x0  }
0x19: {  	[sflag:s10] =	ssyncadd.s32 $0xFFFFFC00  }
0x1a: {  	s17 =	simm.s32 $0x1400;
	[bflag:$0x0] =	sbarrier.arrive $0xFFFF  }
0x1b: {  	[spmem:s2] =	stream.indirect.scatter.add.f32 [tilespmem:s12], [sflag:$0x1], $0x8, s17, s13, $0xb8;
	[tilespmem:$0x4000] =	vst v63  }
0x1c: {  	s24 =	simm.s32 $0x1480  }
0x1d: {  	[spmem:s2] =	stream.indirect.scatter.add.f32 [tilespmem:s12], [sflag:$0x1], $0x8, s24, s13, $0xb8;
	[tilespmem:$0x4000] =	vst v63  }
0x1e: {  	s25 =	simm.s32 $0x1500  }
0x1f: {  	[spmem:s2] =	stream.indirect.scatter.add.f32 [tilespmem:s12], [sflag:$0x1], $0x8, s25, s13, $0xb8;
	[tilespmem:$0x4000] =	vst v63  }
0x20: {  	s26 =	simm.s32 $0x1580  }
0x21: {  	[spmem:s2] =	stream.indirect.scatter.add.f32 [tilespmem:s12], [sflag:$0x1], $0x8, s26, s13, $0xb8;
	[tilespmem:$0x4000] =	vst v63  }
0x22: {  	s28 =	simm.s32 $0x1600  }
0x23: {  	[spmem:s2] =	stream.indirect.scatter.add.f32 [tilespmem:s12], [sflag:$0x1], $0x8, s28, s13, $0xb8;
	[tilespmem:$0x4000] =	vst v63  }
0x24: {  	s29 =	simm.s32 $0x1680  }
0x25: {  	[spmem:s2] =	stream.indirect.scatter.add.f32 [tilespmem:s12], [sflag:$0x1], $0x8, s29, s13, $0xb8;
	[tilespmem:$0x4000] =	vst v63  }
0x26: {  	s30 =	simm.s32 $0x1700  }
0x27: {  	[spmem:s2] =	stream.indirect.scatter.add.f32 [tilespmem:s12], [sflag:$0x1], $0x8, s30, s13, $0xb8;
	[tilespmem:$0x4000] =	vst v63  }
0x28: {  	s31 =	simm.s32 $0x1780  }
0x29: {  	[spmem:s2] =	stream.indirect.scatter.add.f32 [tilespmem:s12], [sflag:$0x1], $0x8, s31, s13, $0xb8;
	[tilespmem:$0x4000] =	vst v63  }
0x2a: {  	_ =	swait.ge [sflag:s14], $0x400  }
0x2b: {  	[sflag:s14] =	ssyncset.done $0x0  }
0x2c: {  	[sflag:s14] =	ssyncadd.s32 $0xFFFFFC00  }
0x2d: {  	_ =	swait.ge [sflag:s14], $0x400  }
0x2e: {  	[sflag:s14] =	ssyncset.done $0x0  }
0x2f: {  	[sflag:s14] =	ssyncadd.s32 $0xFFFFFC00  }
0x30: {  	_ =	swait.ge [sflag:s14], $0x400  }
0x31: {  	[sflag:s14] =	ssyncset.done $0x0  }
0x32: {  	[sflag:s14] =	ssyncadd.s32 $0xFFFFFC00  }
0x33: {  	_ =	swait.ge [sflag:s14], $0x400  }
0x34: {  	[sflag:s14] =	ssyncset.done $0x0  }
0x35: {  	[sflag:s14] =	ssyncadd.s32 $0xFFFFFC00  }
0x36: {  	_ =	swait.ge [sflag:s14], $0x400  }
0x37: {  	[sflag:s14] =	ssyncset.done $0x0  }
0x38: {  	[sflag:s14] =	ssyncadd.s32 $0xFFFFFC00  }
0x39: {  	_ =	swait.ge [sflag:s14], $0x400  }
0x3a: {  	[sflag:s14] =	ssyncset.done $0x0  }
0x3b: {  	[sflag:s14] =	ssyncadd.s32 $0xFFFFFC00  }
0x3c: {  	_ =	swait.ge [sflag:s14], $0x400  }
0x3d: {  	[sflag:s14] =	ssyncset.done $0x0  }
0x3e: {  	[sflag:s14] =	ssyncadd.s32 $0xFFFFFC00  }
0x3f: {  	_ =	swait.ge [sflag:s14], $0x400  }
0x40: {  	s20 =	simm.s32 $0x2000;
	s19 =	simm.s32 $0x400;
	[sflag:s14] =	ssyncset.done $0x0  }
.LBB2_2:
0x41: {  	s21 =	sadd.s32 $0x1400, s19  }
0x42: {  	[sflag:s14] =	ssyncadd.s32 $0xFFFFFC00;
	s18 =	smov.u32 s20;
	s17 =	sadd.s32 $0x1000, s20  }
0x43: {  	[spmem:s2] =	stream.indirect.scatter.add.f32 [tilespmem:s12], [sflag:$0x1], $0x8, s21, s13, $0xb8;
	[tilespmem:$0x4000] =	vst v63  }
0x44: {  	p0 =	sne.s32 s20, $0x9000;
	s20 =	sadd.s32 $0x1480, s19  }
0x45: {  	[spmem:s2] =	stream.indirect.scatter.add.f32 [tilespmem:s12], [sflag:$0x1], $0x8, s20, s13, $0xb8;
	[tilespmem:$0x4000] =	vst v63  }
0x46: {  	s20 =	sadd.s32 $0x1500, s19  }
0x47: {  	[spmem:s2] =	stream.indirect.scatter.add.f32 [tilespmem:s12], [sflag:$0x1], $0x8, s20, s13, $0xb8;
	[tilespmem:$0x4000] =	vst v63  }
0x48: {  	s20 =	sadd.s32 $0x1580, s19  }
0x49: {  	[spmem:s2] =	stream.indirect.scatter.add.f32 [tilespmem:s12], [sflag:$0x1], $0x8, s20, s13, $0xb8;
	[tilespmem:$0x4000] =	vst v63  }
0x4a: {  	s20 =	sadd.s32 $0x1600, s19  }
0x4b: {  	[spmem:s2] =	stream.indirect.scatter.add.f32 [tilespmem:s12], [sflag:$0x1], $0x8, s20, s13, $0xb8;
	[tilespmem:$0x4000] =	vst v63  }
0x4c: {  	s20 =	sadd.s32 $0x1680, s19  }
0x4d: {  	[spmem:s2] =	stream.indirect.scatter.add.f32 [tilespmem:s12], [sflag:$0x1], $0x8, s20, s13, $0xb8;
	[tilespmem:$0x4000] =	vst v63  }
0x4e: {  	s20 =	sadd.s32 $0x1700, s19  }
0x4f: {  	[spmem:s2] =	stream.indirect.scatter.add.f32 [tilespmem:s12], [sflag:$0x1], $0x8, s20, s13, $0xb8;
	[tilespmem:$0x4000] =	vst v63  }
0x50: {  	s19 =	sadd.s32 $0x1780, s19  }
0x51: {  	[spmem:s2] =	stream.indirect.scatter.add.f32 [tilespmem:s12], [sflag:$0x1], $0x8, s19, s13, $0xb8;
	[tilespmem:$0x4000] =	vst v63  }
0x52: {  	_ =	swait.ge [sflag:s14], $0x400  }
0x53: {  	[sflag:s14] =	ssyncset.done $0x0  }
0x54: {  	[sflag:s14] =	ssyncadd.s32 $0xFFFFFC00  }
0x55: {  	_ =	swait.ge [sflag:s14], $0x400  }
0x56: {  	[sflag:s14] =	ssyncset.done $0x0  }
0x57: {  	[sflag:s14] =	ssyncadd.s32 $0xFFFFFC00  }
0x58: {  	_ =	swait.ge [sflag:s14], $0x400  }
0x59: {  	[sflag:s14] =	ssyncset.done $0x0  }
0x5a: {  	[sflag:s14] =	ssyncadd.s32 $0xFFFFFC00  }
0x5b: {  	_ =	swait.ge [sflag:s14], $0x400  }
0x5c: {  	[sflag:s14] =	ssyncset.done $0x0  }
0x5d: {  	[sflag:s14] =	ssyncadd.s32 $0xFFFFFC00  }
0x5e: {  	_ =	swait.ge [sflag:s14], $0x400  }
0x5f: {  	[sflag:s14] =	ssyncset.done $0x0  }
0x60: {  	[sflag:s14] =	ssyncadd.s32 $0xFFFFFC00  }
0x61: {  	_ =	swait.ge [sflag:s14], $0x400  }
0x62: {  	[sflag:s14] =	ssyncset.done $0x0  }
0x63: {  	[sflag:s14] =	ssyncadd.s32 $0xFFFFFC00  }
.Ltmp0:
0x64: {  	_ =	swait.ge [sflag:s14], $0x400;
	(pc) =	sbr.rel @p0 .LBB2_2-.Ltmp0, $4  }
0x65: {  	[sflag:s14] =	ssyncset.done $0x0  }
0x66: {  	[sflag:s14] =	ssyncadd.s32 $0xFFFFFC00  }
0x67: {  	_ =	swait.ge [sflag:s14], $0x400  }
0x68: {  	s20 =	smov.u32 s17;
	s19 =	sshra.s32 s18, $0x2;
	[sflag:s14] =	ssyncset.done $0x0  }
0x69: {  	s17 =	sadd.s32 $0x1400, s19;
	[sflag:s14] =	ssyncadd.s32 $0xFFFFFC00  }
0x6a: {  	[spmem:s2] =	stream.indirect.scatter.add.f32 [tilespmem:s12], [sflag:$0x1], $0x8, s17, s13, $0xb8;
	[tilespmem:$0x4000] =	vst v63  }
0x6b: {  	s24 =	sadd.s32 $0x1480, s19  }
0x6c: {  	[spmem:s2] =	stream.indirect.scatter.add.f32 [tilespmem:s12], [sflag:$0x1], $0x8, s24, s13, $0xb8;
	[tilespmem:$0x4000] =	vst v63  }
0x6d: {  	s25 =	sadd.s32 $0x1500, s19  }
0x6e: {  	[spmem:s2] =	stream.indirect.scatter.add.f32 [tilespmem:s12], [sflag:$0x1], $0x8, s25, s13, $0xb8;
	[tilespmem:$0x4000] =	vst v63  }
0x6f: {  	s26 =	sadd.s32 $0x1580, s19  }
0x70: {  	[spmem:s2] =	stream.indirect.scatter.add.f32 [tilespmem:s12], [sflag:$0x1], $0x8, s26, s13, $0xb8;
	[tilespmem:$0x4000] =	vst v63  }
0x71: {  	s28 =	sadd.s32 $0x1600, s19  }
0x72: {  	[spmem:s2] =	stream.indirect.scatter.add.f32 [tilespmem:s12], [sflag:$0x1], $0x8, s28, s13, $0xb8;
	[tilespmem:$0x4000] =	vst v63  }
0x73: {  	s29 =	sadd.s32 $0x1680, s19  }
0x74: {  	[spmem:s2] =	stream.indirect.scatter.add.f32 [tilespmem:s12], [sflag:$0x1], $0x8, s29, s13, $0xb8;
	[tilespmem:$0x4000] =	vst v63  }
0x75: {  	s30 =	sadd.s32 $0x1700, s19  }
0x76: {  	[spmem:s2] =	stream.indirect.scatter.add.f32 [tilespmem:s12], [sflag:$0x1], $0x8, s30, s13, $0xb8;
	[tilespmem:$0x4000] =	vst v63  }
0x77: {  	s31 =	sadd.s32 $0x1780, s19  }
0x78: {  	[spmem:s2] =	stream.indirect.scatter.add.f32 [tilespmem:s12], [sflag:$0x1], $0x8, s31, s13, $0xb8;
	[tilespmem:$0x4000] =	vst v63  }
0x79: {  	_ =	swait.ge [sflag:s14], $0x400  }
0x7a: {  	[sflag:s14] =	ssyncset.done $0x0  }
0x7b: {  	[sflag:s14] =	ssyncadd.s32 $0xFFFFFC00  }
0x7c: {  	_ =	swait.ge [sflag:s14], $0x400  }
0x7d: {  	[sflag:s14] =	ssyncset.done $0x0  }
0x7e: {  	[sflag:s14] =	ssyncadd.s32 $0xFFFFFC00  }
0x7f: {  	_ =	swait.ge [sflag:s14], $0x400  }
0x80: {  	[sflag:s14] =	ssyncset.done $0x0  }
0x81: {  	[sflag:s14] =	ssyncadd.s32 $0xFFFFFC00  }
0x82: {  	_ =	swait.ge [sflag:s14], $0x400  }
0x83: {  	[sflag:s14] =	ssyncset.done $0x0  }
0x84: {  	[sflag:s14] =	ssyncadd.s32 $0xFFFFFC00  }
0x85: {  	_ =	swait.ge [sflag:s14], $0x400  }
0x86: {  	[sflag:s14] =	ssyncset.done $0x0  }
0x87: {  	[sflag:s14] =	ssyncadd.s32 $0xFFFFFC00  }
0x88: {  	_ =	swait.ge [sflag:s14], $0x400  }
0x89: {  	[sflag:s14] =	ssyncset.done $0x0  }
0x8a: {  	[sflag:s14] =	ssyncadd.s32 $0xFFFFFC00  }
0x8b: {  	_ =	swait.ge [sflag:s14], $0x400  }
0x8c: {  	[sflag:s14] =	ssyncset.done $0x0  }
0x8d: {  	[sflag:s14] =	ssyncadd.s32 $0xFFFFFC00  }
0x8e: {  	_ =	swait.ge [sflag:s14], $0x400  }
0x8f: {  	s16 =	sadd.s32 $0x1, s16;
	[sflag:s14] =	ssyncset.done $0x0  }
0x90: {  	p0 =	sne.s32 s16, s8;
	[sflag:s14] =	ssyncadd.s32 $0xFFFFFC00  }
.Ltmp1:
0x91: {  	[bflag:$0x0] =	sbarrier.arrive $0xFFFF;
	(pc) =	sbr.rel @p0 .LBB2_1-.Ltmp1, $4  }
0x92: {  	[hbm:s15], [sflag:s6] =	dma.local [spmem:s9], $0x280  }
0x93: {  	_ =	swait.ge [sflag:s10], $0x280  }
0x94: {  	[sflag:s10] =	ssyncset.done $0x0  }
0x95: {  	[sflag:s10] =	ssyncadd.s32 $0xFFFFFD80  }
0x96: {  	_ =	sfence.sel $0x180000  }
0x97: {  	[bflag:$0x0] =	sbarrier.arrive $0xFFFF  }
0x98: {  	p0 =	sne.s32 s0, $0x0;
	_ =	strace $0x90000047  }
0x99: {  	s0 =	sadd.s32 @!p0 $0x100000, s1;
	[bflag:$0x2] =	sbarrier.arrive $0xFFFF  }
0x9a: {  	[sflag:s0] =	ssyncadd.tile.s32 @!p0 $0x1;
	_ =	shalt  }
.Lfunc_end2:
_tile_overlayer_lowered:
.L_overlay_start_2:
0x9b: {  	(tag) =	ssettag $0x2  }
0x9c: {  	s0 =	rddreg [dreg:$0x0];
	s2 =	stileid.u32  }
0x9d: {  	s1 =	rddreg [dreg:$0x1];
	p0 =	sne.s32 s2, $0x0  }
0x9e: {  	s3 =	rddreg [dreg:$0x2];
	[bflag:$0x3] =	sbarrier.arrive $0xFFFF;
	s2 =	simm.s32 @!p0 $0x1C02  }
0x9f: {  	[timem:s3], [sflag:s2] =	dma.local @!p0 [hbm:s0], s1  }
0xa0: {  	s0 =	simm.s32 @!p0 $0x2  }
0xa1: {  	_ =	swait.ge @!p0 [sflag:s0], s1  }
0xa2: {  	s1 =	ssub.s32 @!p0 $0x0, s1;
	[sflag:s0] =	ssyncset.done @!p0 $0x0  }
0xa3: {  	[sflag:s0] =	ssyncadd.s32 @!p0 s1  }
0xa4: {  	[bflag:$0x3] =	sbarrier.arrive $0xFFFF  }
0xa5: {  	_ =	shalt  }

</sc_bundles>
